<compile_context>
chip_gen: v7x
topology: tpu7x:2x2x1
jax: 0.10.2.dev20260603
libtpu: 0.0.44.dev20260713+nightly
codegen_flags: <defaults>
</compile_context>

<pallas_src>
import functools
from math import gcd as _gcd

import jax
import jax.numpy as jnp
from jax import lax
from jax.experimental import pallas as pl
from jax.experimental.pallas import tpu as pltpu
from jax.experimental.pallas import tpu_sc as plsc

_PI = 3.141592653589793
_NC = 2
_NS = 16
_B = 64
_BE = 64
_ZR = 8


def _ceil_to(v, m):
    return (v + m - 1) // m * m


def _sc_degree(grow, Ep, Npad):
    nsl = Npad // _NS
    eps = Ep // _NS
    nblk = eps // _B
    mesh = plsc.VectorSubcoreMesh(core_axis_name="c", subcore_axis_name="s")

    @functools.partial(
        pl.kernel,
        out_type=jax.ShapeDtypeStruct((2 * Npad, 128), jnp.float32),
        mesh=mesh,
        scratch_types=[
            pltpu.VMEM_SHARED((Npad, 128), jnp.float32),
            pltpu.VMEM((_B,), jnp.int32),
            pltpu.VMEM((_B, 128), jnp.float32),
            pltpu.VMEM((_ZR, 128), jnp.float32),
        ],
    )
    def k(grow_hbm, out_hbm, acc, rowv, oneh, zb):
        d = lax.axis_index("c")
        s = lax.axis_index("s")
        lane = lax.iota(jnp.int32, 16)
        one16 = jnp.where(lane == 0, 1.0, 0.0).astype(jnp.float32)
        zero16 = jnp.zeros((16,), jnp.float32)

        @pl.loop(0, _B)
        def _(r):
            oneh[r, pl.ds(0, 16)] = one16
            for k8 in range(1, 8):
                oneh[r, pl.ds(k8 * 16, 16)] = zero16

        @pl.loop(0, _ZR)
        def _(r):
            for k8 in range(8):
                zb[r, pl.ds(k8 * 16, 16)] = zero16

        @pl.loop(0, nsl // _ZR)
        def _(j):
            pltpu.sync_copy(zb, acc.at[pl.ds(s * nsl + j * _ZR, _ZR)])

        plsc.subcore_barrier()

        base = d * Ep + s * eps

        @pl.loop(0, nblk)
        def _(b):
            pltpu.sync_copy(grow_hbm.at[pl.ds(base + b * _B, _B)], rowv)
            pltpu.sync_copy(oneh, acc.at[rowv], add=True)

        plsc.subcore_barrier()
        pltpu.sync_copy(
            acc.at[pl.ds(s * nsl, nsl)],
            out_hbm.at[pl.ds(d * Npad + s * nsl, nsl)],
        )

    return k(grow)


def _tc_prep(degc, x, rel_embed, loop_rel, w_rel, w_loop, Npad, Np2):
    N, D = x.shape
    Dh = D // 2
    R = rel_embed.shape[0]

    def body(degc_ref, x_ref, rel_ref, lrel_ref, wrel_ref, wloop_ref,
             cs_ref, dinv_ref, loopc_ref, relout_ref):
        deg = degc_ref[...][:, 0].reshape(2, Npad)[:, :N]
        dinv = jnp.where(deg > 0, lax.rsqrt(deg), 0.0)
        dinv_ref[...] = jnp.concatenate(
            [dinv, jnp.zeros((2, Np2 - N), jnp.float32)], axis=1)

        relf = jnp.concatenate([rel_ref[...], lrel_ref[...]], axis=0)
        r = relf * (_PI / 1.5)
        cs = jnp.concatenate([jnp.cos(r), jnp.sin(r)], axis=1)
        cs_ref[...] = jnp.concatenate(
            [cs, jnp.zeros((cs_ref.shape[0] - (R + 1), D), jnp.float32)], axis=0)

        xv = x_ref[...]
        cl = jnp.concatenate([cs[R, :Dh], cs[R, :Dh]], axis=0)
        sl = jnp.concatenate([cs[R, Dh:], cs[R, Dh:]], axis=0)
        wl = wloop_ref[...]
        wc = jnp.concatenate([wl[:Dh], -wl[Dh:]], axis=0)
        ws = jnp.concatenate([wl[Dh:], wl[:Dh]], axis=0)
        loopc_ref[...] = (
            jnp.dot(xv * cl[None, :], wc, preferred_element_type=jnp.float32)
            + jnp.dot(xv * sl[None, :], ws, preferred_element_type=jnp.float32))

        relout_ref[...] = jnp.dot(
            relf, wrel_ref[...], preferred_element_type=jnp.float32)[:R]

    Rpad = _ceil_to(R + 1, 8)
    return pl.pallas_call(
        body,
        out_shape=[
            jax.ShapeDtypeStruct((Rpad, D), jnp.float32),
            jax.ShapeDtypeStruct((2, Np2), jnp.float32),
            jax.ShapeDtypeStruct((N, D), jnp.float32),
            jax.ShapeDtypeStruct((R, Dh), jnp.float32),
        ],
    )(degc, x, rel_embed, loop_rel, w_rel, w_loop)


def _tc_xs(x, dinv, Npad, Np2, bn):
    N, D = x.shape

    def body(x_ref, dinv_ref, xs_ref):
        xv = x_ref[...]
        dv = dinv_ref[...]
        for d in range(2):
            xs_ref[d] = xv * dv[d][:, None]

    return pl.pallas_call(
        body,
        grid=(Np2 // bn,),
        in_specs=[
            pl.BlockSpec((bn, D), lambda i: (i, 0)),
            pl.BlockSpec((2, bn), lambda i: (0, i)),
        ],
        out_specs=pl.BlockSpec((2, bn, D), lambda i: (0, i, 0)),
        out_shape=jax.ShapeDtypeStruct((2, Npad, D), jnp.float32),
    )(x, dinv)


def _sc_edges(idx3, xs, cs, Ep, Npad, Dh, Rpad):
    nsl = Npad // _NS
    eps = Ep // _NS
    nblk = eps // _BE
    nblk2 = nblk // 2
    D = 2 * Dh
    mesh = plsc.VectorSubcoreMesh(core_axis_name="c", subcore_axis_name="s")

    @functools.partial(
        pl.kernel,
        out_type=jax.ShapeDtypeStruct((4 * Npad, D), jnp.float32),
        mesh=mesh,
        scratch_types=[
            pltpu.VMEM_SHARED((Npad, D), jnp.float32),
            pltpu.VMEM_SHARED((Rpad, D), jnp.float32),
            pltpu.VMEM((3, _BE), jnp.int32),
            pltpu.VMEM((3, _BE), jnp.int32),
            pltpu.VMEM((_BE, D), jnp.float32),
            pltpu.VMEM((_BE, D), jnp.float32),
            pltpu.VMEM((_BE, D), jnp.float32),
            pltpu.VMEM((_BE, D), jnp.float32),
            pltpu.VMEM((_BE, D), jnp.float32),
            pltpu.VMEM((_ZR, D), jnp.float32),
            pltpu.SemaphoreType.DMA,
            pltpu.SemaphoreType.DMA,
            pltpu.SemaphoreType.DMA,
            pltpu.SemaphoreType.DMA,
        ],
    )
    def k(idx_hbm, xs_hbm, cs_hbm, out_hbm, acc, css,
          idx0, idx1, xsv0, xsv1, csg0, csg1, pcs, zb,
          sg0, sg1, sc0, sc1):
        h = lax.axis_index("c")
        s = lax.axis_index("s")
        slots = ((idx0, xsv0, csg0, sg0, sc0),
                 (idx1, xsv1, csg1, sg1, sc1))

        @pl.when(s == 0)
        def _():
            pltpu.sync_copy(cs_hbm, css)

        zero16 = jnp.zeros((16,), jnp.float32)

        @pl.loop(0, _ZR)
        def _(r):
            for k8 in range(D // 16):
                zb[r, pl.ds(k8 * 16, 16)] = zero16

        def zero_own():
            @pl.loop(0, nsl // _ZR)
            def _(j):
                pltpu.sync_copy(zb, acc.at[pl.ds(s * nsl + j * _ZR, _ZR)])

        zero_own()
        plsc.subcore_barrier()

        def load_and_fire(fb, sl):
            idxg, xsv, csg, sg, sc = slots[sl]
            pltpu.sync_copy(idx_hbm.at[fb], idxg)
            pltpu.async_copy(xs_hbm.at[idxg.at[0]], xsv, sg)
            pltpu.async_copy(css.at[idxg.at[1]], csg, sc)

        def wait_gather(sl):
            _, xsv, csg, sg, sc = slots[sl]
            dummy = xs_hbm.at[pl.ds(0, _BE)]
            pltpu.make_async_copy(dummy, xsv, sg).wait()
            pltpu.make_async_copy(dummy, csg, sc).wait()

        def compute(sl, hoff):
            _, xsv, csg, _, _ = slots[sl]

            @pl.loop(0, _BE)
            def _(e):
                for kk in range(0, Dh, 16):
                    xv = xsv[e, pl.ds(hoff + kk, 16)]
                    cv = csg[e, pl.ds(kk, 16)]
                    sv = csg[e, pl.ds(Dh + kk, 16)]
                    pcs[e, pl.ds(kk, 16)] = xv * cv
                    pcs[e, pl.ds(Dh + kk, 16)] = xv * sv

        for d in range(2):
            base = (d * _NS + s) * nblk

            load_and_fire(base, 0)

            @pl.loop(0, nblk2)
            def _(p):
                for sl in range(2):
                    idxg, _, _, _, _ = slots[sl]
                    b = 2 * p + sl
                    wait_gather(sl)

                    @pl.when(b + 1 < nblk)
                    def _():
                        load_and_fire(base + b + 1, 1 - sl)

                    @pl.when(h == 0)
                    def _():
                        compute(sl, 0)

                    @pl.when(h == 1)
                    def _():
                        compute(sl, Dh)

                    pltpu.sync_copy(pcs, acc.at[idxg.at[2]], add=True)

            plsc.subcore_barrier()
            rowoff = (d * 2 + h) * Npad + s * nsl
            pltpu.sync_copy(acc.at[pl.ds(s * nsl, nsl)],
                            out_hbm.at[pl.ds(rowoff, nsl)])

            if d == 0:
                zero_own()
                plsc.subcore_barrier()

    return k(idx3, xs, cs)


def _tc_final(accs, dinv, loopc, w_in, w_out, Npad, Np2, bn):
    N, D = loopc.shape
    Dh = D // 2

    def body(acc_ref, dinv_ref, loopc_ref, win_ref, wout_ref, out_ref):
        a = acc_ref[...]
        dinv = dinv_ref[...]
        res = loopc_ref[...]
        for d, wref in ((0, win_ref), (1, wout_ref)):
            ac = jnp.concatenate([a[d * 2 + 0, :, :Dh], a[d * 2 + 1, :, :Dh]],
                                 axis=1)
            as_ = jnp.concatenate([a[d * 2 + 0, :, Dh:], a[d * 2 + 1, :, Dh:]],
                                  axis=1)
            w = wref[...]
            wc = jnp.concatenate([w[:Dh], -w[Dh:]], axis=0)
            ws = jnp.concatenate([w[Dh:], w[:Dh]], axis=0)
            contrib = (jnp.dot(ac, wc, preferred_element_type=jnp.float32)
                       + jnp.dot(as_, ws, preferred_element_type=jnp.float32))
            res = res + dinv[d][:, None] * contrib
        out_ref[...] = res * (1.0 / 3.0)

    return pl.pallas_call(
        body,
        grid=(Np2 // bn,),
        in_specs=[
            pl.BlockSpec((4, bn, D), lambda i: (0, i, 0)),
            pl.BlockSpec((2, bn), lambda i: (0, i)),
            pl.BlockSpec((bn, D), lambda i: (i, 0)),
            pl.BlockSpec((D, D), lambda i: (0, 0)),
            pl.BlockSpec((D, D), lambda i: (0, 0)),
        ],
        out_specs=pl.BlockSpec((bn, D), lambda i: (i, 0)),
        out_shape=jax.ShapeDtypeStruct((N, D), jnp.float32),
    )(accs, dinv, loopc, w_in, w_out)


def kernel(x, edge_index, edge_type, rel_embed, w_in, w_out, w_loop, w_rel,
           loop_rel):
    N, D = x.shape
    Dh = D // 2
    R = rel_embed.shape[0]
    E = edge_index.shape[1]
    ne = E // 2

    bn = 2048
    Npad = _ceil_to(N + 1, bn)
    Ep = _ceil_to(ne, _NS * 2 * _BE * _B // _gcd(2 * _BE, _B))
    npad_e = Ep - ne
    Rpad = _ceil_to(R + 1, 8)
    Np2 = Npad

    pad_i = jnp.arange(npad_e, dtype=jnp.int32)
    pad_row = N + pad_i % (Npad - N)
    pad_col = pad_i % N
    pad_t = pad_i % (R + 1)

    rows, cols, ts = [], [], []
    for d in range(2):
        sl = slice(d * ne, (d + 1) * ne)
        rows.append(jnp.concatenate([edge_index[0, sl], pad_row]))
        cols.append(jnp.concatenate([edge_index[1, sl], pad_col]))
        ts.append(jnp.concatenate([edge_type[sl], pad_t]))
    grow = jnp.concatenate(rows).astype(jnp.int32)

    nblk = Ep // _NS // _BE
    idx3 = jnp.stack(
        [jnp.stack([cols[d] + d * Npad, ts[d], rows[d]], axis=0)
         for d in range(2)]).astype(jnp.int32)
    idx3 = idx3.reshape(2, 3, _NS, nblk, _BE).transpose(0, 2, 3, 1, 4)
    idx3 = idx3.reshape(2 * _NS * nblk, 3, _BE)

    degc = _sc_degree(grow, Ep, Npad)
    cs, dinv, loopc, relout = _tc_prep(
        degc, x, rel_embed, loop_rel, w_rel, w_loop, Npad, Np2)
    xs = _tc_xs(x, dinv, Npad, Np2, bn).reshape(2 * Npad, D)
    accs = _sc_edges(idx3, xs, cs, Ep, Npad, Dh, Rpad)
    out = _tc_final(accs.reshape(4, Npad, D), dinv, loopc, w_in, w_out,
                    Npad, Np2, bn)
    return out, relout

# --- scband reference (transcript-rebuilt; emitter-appended) ---
"""Pipeline reference for scband-comp-gcnconv-34394098106413 (READ-ONLY COPY).

The authoritative reference and input builder live on the scoring server;
editing this copy changes nothing except your own understanding.
"""

import jax, jax.numpy as jnp
import numpy as np

N = 10000
E = 320000
D = 128
R = 200
PI = 3.141592653589793


def setup_inputs(seed: int = 0):
    key = jax.random.key(seed)
    k = jax.random.split(key, 9)
    x = jax.random.normal(k[0], (N, D), dtype=jnp.float32)
    edge_index = jax.random.randint(k[1], (2, E), 0, N, dtype=jnp.int32)
    edge_type = jax.random.randint(k[2], (E,), 0, R, dtype=jnp.int32)
    rel_embed = jax.random.normal(k[3], (R, D // 2), dtype=jnp.float32)
    s = (2.0 / D) ** 0.5
    w_in = jax.random.normal(k[4], (D, D), dtype=jnp.float32) * s
    w_out = jax.random.normal(k[5], (D, D), dtype=jnp.float32) * s
    w_loop = jax.random.normal(k[6], (D, D), dtype=jnp.float32) * s
    s2 = (2.0 / (D // 2)) ** 0.5
    w_rel = jax.random.normal(k[7], (D // 2, D // 2), dtype=jnp.float32) * s2
    loop_rel = jax.random.normal(k[8], (1, D // 2), dtype=jnp.float32) * s2
    return {"x": x, "edge_index": edge_index, "edge_type": edge_type,
            "rel_embed": rel_embed, "w_in": w_in, "w_out": w_out,
            "w_loop": w_loop, "w_rel": w_rel, "loop_rel": loop_rel}


def _rel_transform(ent, rel):
    re_h, im_h = jnp.split(ent, 2, axis=-1)
    r = rel / (1.5 / PI)
    cr = jnp.cos(r)
    sr = jnp.sin(r)
    re_score = re_h * cr + im_h * sr
    im_score = re_h * sr - im_h * cr
    return jnp.concatenate([re_score, im_score], axis=-1)


def _compute_norm(ei, n):
    row, col = ei[0], ei[1]
    deg = jnp.zeros((n,), jnp.float32).at[row].add(1.0)
    deg_inv = jnp.where(deg > 0, deg ** -0.5, 0.0)
    return deg_inv[row] * deg_inv[col]


def _propagate(x, ei, etype, relf, norm, W):
    n = x.shape[0]
    x_j = x[ei[1]]
    rel = relf[etype]
    msg = _rel_transform(x_j, rel) @ W
    if norm is not None:
        msg = msg * norm[:, None]
    return jnp.zeros((n, W.shape[1]), x.dtype).at[ei[0]].add(msg)


def reference(x, edge_index, edge_type, rel_embed, w_in, w_out, w_loop, w_rel, loop_rel):
    n = x.shape[0]
    relf = jnp.concatenate([rel_embed, loop_rel], axis=0)
    ne = edge_index.shape[1] // 2
    in_idx, out_idx = edge_index[:, :ne], edge_index[:, ne:]
    in_t, out_t = edge_type[:ne], edge_type[ne:]
    in_norm = _compute_norm(in_idx, n)
    out_norm = _compute_norm(out_idx, n)
    in_res = _propagate(x, in_idx, in_t, relf, in_norm, w_in)
    out_res = _propagate(x, out_idx, out_t, relf, out_norm, w_out)
    # loop: edge_index = (arange, arange), scatter-add at arange is identity
    loop_rel_b = jnp.broadcast_to(relf[-1][None, :], (n, relf.shape[1]))
    loop_res = _rel_transform(x, loop_rel_b) @ w_loop
    out = in_res * (1.0 / 3) + out_res * (1.0 / 3) + loop_res * (1.0 / 3)
    return out, (relf @ w_rel)[:-1]

if __name__ == "__main__":
    import jax
    _d = setup_inputs()
    print(jax.jit(kernel)(*tuple(_d.values())))

</pallas_src>

<mosaic_0001>
#map = affine_map<(d0, d1) -> (0)>
#map1 = affine_map<(d0, d1) -> (0, 0)>
module attributes {stable_mosaic.version = 14 : i64} {
  func.func @k(%arg0: i32, %arg1: i32, %arg2: memref<323584xi32, #tpu.memory_space<hbm>>, %arg3: memref<20480x128xf32, #tpu.memory_space<hbm>>, %arg4: memref<10240x128xf32, #tpu.memory_space<vmem_shared>>, %arg5: memref<64xi32, #tpu.memory_space<vmem>>, %arg6: memref<64x128xf32, #tpu.memory_space<vmem>>, %arg7: memref<8x128xf32, #tpu.memory_space<vmem>>) attributes {dimension_semantics = [#tpu.dimension_semantics<core_parallel>, #tpu.dimension_semantics<subcore_parallel>], iteration_bounds = array<i64: 2, 16>, scalar_prefetch = 0 : i64, scratch_operands = 4 : i64, tpu.core_type = #tpu.core_type<sc_vector_subcore>, window_params = [{transform_indices = #map}, {transform_indices = #map1}]} {
    %iota3A = tpu.iota {dimensions = array<i32: 0>} : vector<16xi32>
    %eq3A = arith.constant 0 : i32
    %eq3A_0 = vector.broadcast %eq3A : i32 to vector<16xi32>
    %eq3A_1 = arith.cmpi eq, %iota3A, %eq3A_0 : vector<16xi32>
    %jit3A = arith.constant 1.000000e+00 : f32
    %jit3A_2 = arith.constant 0.000000e+00 : f32
    %broadcast_in_dim3A = vector.broadcast %jit3A : f32 to vector<16xf32>
    %broadcast_in_dim3A_3 = vector.broadcast %jit3A_2 : f32 to vector<16xf32>
    %select_n3A = arith.select %eq3A_1, %broadcast_in_dim3A, %broadcast_in_dim3A_3 : vector<16xi1>, vector<16xf32>
    %broadcast_in_dim3A_4 = arith.constant 0.000000e+00 : f32
    %broadcast_in_dim3A_5 = vector.broadcast %broadcast_in_dim3A_4 : f32 to vector<16xf32>
    %scan3A = arith.constant 0 : i32
    %scan3A_6 = arith.constant 64 : i32
    %scan3A_7 = arith.addi %scan3A, %scan3A_6 : i32
    %scan3A_8 = arith.constant 1 : i32
    scf.for %scan3A_36 = %scan3A to %scan3A_7 step %scan3A_8  : i32 {
      %mul3A_37 = arith.constant 1 : i32
      %mul3A_38 = arith.muli %scan3A_36, %mul3A_37 : i32
      %add3A_39 = arith.constant 0 : i32
      %add3A_40 = arith.addi %add3A_39, %mul3A_38 : i32
      %swap3A = arith.index_cast %add3A_40 : i32 to index
      %swap3A_41 = arith.constant 0 : index
      %swap3A_42 = tpu.vector_load %arg6[%swap3A, %swap3A_41] {strides = array<i32>} : memref<64x128xf32, #tpu.memory_space<vmem>>, vector<1x16xf32>,
      %swap3A_43 = vector.shape_cast %swap3A_42 : vector<1x16xf32> to vector<16xf32>
      %swap3A_44 = vector.shape_cast %select_n3A : vector<16xf32> to vector<1x16xf32>
      tpu.vector_store %arg6[%swap3A, %swap3A_41], %swap3A_44 {strides = array<i32>} : memref<64x128xf32, #tpu.memory_space<vmem>>, vector<1x16xf32>,
      %swap3A_45 = arith.index_cast %add3A_40 : i32 to index
      %swap3A_46 = arith.constant 16 : index
      %swap3A_47 = tpu.vector_load %arg6[%swap3A_45, %swap3A_46] {strides = array<i32>} : memref<64x128xf32, #tpu.memory_space<vmem>>, vector<1x16xf32>,
      %swap3A_48 = vector.shape_cast %swap3A_47 : vector<1x16xf32> to vector<16xf32>
      %swap3A_49 = vector.shape_cast %broadcast_in_dim3A_5 : vector<16xf32> to vector<1x16xf32>
      tpu.vector_store %arg6[%swap3A_45, %swap3A_46], %swap3A_49 {strides = array<i32>} : memref<64x128xf32, #tpu.memory_space<vmem>>, vector<1x16xf32>,
      %swap3A_50 = arith.index_cast %add3A_40 : i32 to index
      %swap3A_51 = arith.constant 32 : index
      %swap3A_52 = tpu.vector_load %arg6[%swap3A_50, %swap3A_51] {strides = array<i32>} : memref<64x128xf32, #tpu.memory_space<vmem>>, vector<1x16xf32>,
      %swap3A_53 = vector.shape_cast %swap3A_52 : vector<1x16xf32> to vector<16xf32>
      %swap3A_54 = vector.shape_cast %broadcast_in_dim3A_5 : vector<16xf32> to vector<1x16xf32>
      tpu.vector_store %arg6[%swap3A_50, %swap3A_51], %swap3A_54 {strides = array<i32>} : memref<64x128xf32, #tpu.memory_space<vmem>>, vector<1x16xf32>,
      %swap3A_55 = arith.index_cast %add3A_40 : i32 to index
      %swap3A_56 = arith.constant 48 : index
      %swap3A_57 = tpu.vector_load %arg6[%swap3A_55, %swap3A_56] {strides = array<i32>} : memref<64x128xf32, #tpu.memory_space<vmem>>, vector<1x16xf32>,
      %swap3A_58 = vector.shape_cast %swap3A_57 : vector<1x16xf32> to vector<16xf32>
      %swap3A_59 = vector.shape_cast %broadcast_in_dim3A_5 : vector<16xf32> to vector<1x16xf32>
      tpu.vector_store %arg6[%swap3A_55, %swap3A_56], %swap3A_59 {strides = array<i32>} : memref<64x128xf32, #tpu.memory_space<vmem>>, vector<1x16xf32>,
      %swap3A_60 = arith.index_cast %add3A_40 : i32 to index
      %swap3A_61 = arith.constant 64 : index
      %swap3A_62 = tpu.vector_load %arg6[%swap3A_60, %swap3A_61] {strides = array<i32>} : memref<64x128xf32, #tpu.memory_space<vmem>>, vector<1x16xf32>,
      %swap3A_63 = vector.shape_cast %swap3A_62 : vector<1x16xf32> to vector<16xf32>
      %swap3A_64 = vector.shape_cast %broadcast_in_dim3A_5 : vector<16xf32> to vector<1x16xf32>
      tpu.vector_store %arg6[%swap3A_60, %swap3A_61], %swap3A_64 {strides = array<i32>} : memref<64x128xf32, #tpu.memory_space<vmem>>, vector<1x16xf32>,
      %swap3A_65 = arith.index_cast %add3A_40 : i32 to index
      %swap3A_66 = arith.constant 80 : index
      %swap3A_67 = tpu.vector_load %arg6[%swap3A_65, %swap3A_66] {strides = array<i32>} : memref<64x128xf32, #tpu.memory_space<vmem>>, vector<1x16xf32>,
      %swap3A_68 = vector.shape_cast %swap3A_67 : vector<1x16xf32> to vector<16xf32>
      %swap3A_69 = vector.shape_cast %broadcast_in_dim3A_5 : vector<16xf32> to vector<1x16xf32>
      tpu.vector_store %arg6[%swap3A_65, %swap3A_66], %swap3A_69 {strides = array<i32>} : memref<64x128xf32, #tpu.memory_space<vmem>>, vector<1x16xf32>,
      %swap3A_70 = arith.index_cast %add3A_40 : i32 to index
      %swap3A_71 = arith.constant 96 : index
      %swap3A_72 = tpu.vector_load %arg6[%swap3A_70, %swap3A_71] {strides = array<i32>} : memref<64x128xf32, #tpu.memory_space<vmem>>, vector<1x16xf32>,
      %swap3A_73 = vector.shape_cast %swap3A_72 : vector<1x16xf32> to vector<16xf32>
      %swap3A_74 = vector.shape_cast %broadcast_in_dim3A_5 : vector<16xf32> to vector<1x16xf32>
      tpu.vector_store %arg6[%swap3A_70, %swap3A_71], %swap3A_74 {strides = array<i32>} : memref<64x128xf32, #tpu.memory_space<vmem>>, vector<1x16xf32>,
      %swap3A_75 = arith.index_cast %add3A_40 : i32 to index
      %swap3A_76 = arith.constant 112 : index
      %swap3A_77 = tpu.vector_load %arg6[%swap3A_75, %swap3A_76] {strides = array<i32>} : memref<64x128xf32, #tpu.memory_space<vmem>>, vector<1x16xf32>,
      %swap3A_78 = vector.shape_cast %swap3A_77 : vector<1x16xf32> to vector<16xf32>
      %swap3A_79 = vector.shape_cast %broadcast_in_dim3A_5 : vector<16xf32> to vector<1x16xf32>
      tpu.vector_store %arg6[%swap3A_75, %swap3A_76], %swap3A_79 {strides = array<i32>} : memref<64x128xf32, #tpu.memory_space<vmem>>, vector<1x16xf32>,
    }
    %scan3A_9 = arith.constant 64 : i32
    %scan3A_10 = arith.constant 0 : i32
    %scan3A_11 = arith.constant 8 : i32
    %scan3A_12 = arith.addi %scan3A_10, %scan3A_11 : i32
    %scan3A_13 = arith.constant 1 : i32
    scf.for %scan3A_36 = %scan3A_10 to %scan3A_12 step %scan3A_13  : i32 {
      %mul3A_37 = arith.constant 1 : i32
      %mul3A_38 = arith.muli %scan3A_36, %mul3A_37 : i32
      %add3A_39 = arith.constant 0 : i32
      %add3A_40 = arith.addi %add3A_39, %mul3A_38 : i32
      %swap3A = arith.index_cast %add3A_40 : i32 to index
      %swap3A_41 = arith.constant 0 : index
      %swap3A_42 = tpu.vector_load %arg7[%swap3A, %swap3A_41] {strides = array<i32>} : memref<8x128xf32, #tpu.memory_space<vmem>>, vector<1x16xf32>,
      %swap3A_43 = vector.shape_cast %swap3A_42 : vector<1x16xf32> to vector<16xf32>
      %swap3A_44 = vector.shape_cast %broadcast_in_dim3A_5 : vector<16xf32> to vector<1x16xf32>
      tpu.vector_store %arg7[%swap3A, %swap3A_41], %swap3A_44 {strides = array<i32>} : memref<8x128xf32, #tpu.memory_space<vmem>>, vector<1x16xf32>,
      %swap3A_45 = arith.index_cast %add3A_40 : i32 to index
      %swap3A_46 = arith.constant 16 : index
      %swap3A_47 = tpu.vector_load %arg7[%swap3A_45, %swap3A_46] {strides = array<i32>} : memref<8x128xf32, #tpu.memory_space<vmem>>, vector<1x16xf32>,
      %swap3A_48 = vector.shape_cast %swap3A_47 : vector<1x16xf32> to vector<16xf32>
      %swap3A_49 = vector.shape_cast %broadcast_in_dim3A_5 : vector<16xf32> to vector<1x16xf32>
      tpu.vector_store %arg7[%swap3A_45, %swap3A_46], %swap3A_49 {strides = array<i32>} : memref<8x128xf32, #tpu.memory_space<vmem>>, vector<1x16xf32>,
      %swap3A_50 = arith.index_cast %add3A_40 : i32 to index
      %swap3A_51 = arith.constant 32 : index
      %swap3A_52 = tpu.vector_load %arg7[%swap3A_50, %swap3A_51] {strides = array<i32>} : memref<8x128xf32, #tpu.memory_space<vmem>>, vector<1x16xf32>,
      %swap3A_53 = vector.shape_cast %swap3A_52 : vector<1x16xf32> to vector<16xf32>
      %swap3A_54 = vector.shape_cast %broadcast_in_dim3A_5 : vector<16xf32> to vector<1x16xf32>
      tpu.vector_store %arg7[%swap3A_50, %swap3A_51], %swap3A_54 {strides = array<i32>} : memref<8x128xf32, #tpu.memory_space<vmem>>, vector<1x16xf32>,
      %swap3A_55 = arith.index_cast %add3A_40 : i32 to index
      %swap3A_56 = arith.constant 48 : index
      %swap3A_57 = tpu.vector_load %arg7[%swap3A_55, %swap3A_56] {strides = array<i32>} : memref<8x128xf32, #tpu.memory_space<vmem>>, vector<1x16xf32>,
      %swap3A_58 = vector.shape_cast %swap3A_57 : vector<1x16xf32> to vector<16xf32>
      %swap3A_59 = vector.shape_cast %broadcast_in_dim3A_5 : vector<16xf32> to vector<1x16xf32>
      tpu.vector_store %arg7[%swap3A_55, %swap3A_56], %swap3A_59 {strides = array<i32>} : memref<8x128xf32, #tpu.memory_space<vmem>>, vector<1x16xf32>,
      %swap3A_60 = arith.index_cast %add3A_40 : i32 to index
      %swap3A_61 = arith.constant 64 : index
      %swap3A_62 = tpu.vector_load %arg7[%swap3A_60, %swap3A_61] {strides = array<i32>} : memref<8x128xf32, #tpu.memory_space<vmem>>, vector<1x16xf32>,
      %swap3A_63 = vector.shape_cast %swap3A_62 : vector<1x16xf32> to vector<16xf32>
      %swap3A_64 = vector.shape_cast %broadcast_in_dim3A_5 : vector<16xf32> to vector<1x16xf32>
      tpu.vector_store %arg7[%swap3A_60, %swap3A_61], %swap3A_64 {strides = array<i32>} : memref<8x128xf32, #tpu.memory_space<vmem>>, vector<1x16xf32>,
      %swap3A_65 = arith.index_cast %add3A_40 : i32 to index
      %swap3A_66 = arith.constant 80 : index
      %swap3A_67 = tpu.vector_load %arg7[%swap3A_65, %swap3A_66] {strides = array<i32>} : memref<8x128xf32, #tpu.memory_space<vmem>>, vector<1x16xf32>,
      %swap3A_68 = vector.shape_cast %swap3A_67 : vector<1x16xf32> to vector<16xf32>
      %swap3A_69 = vector.shape_cast %broadcast_in_dim3A_5 : vector<16xf32> to vector<1x16xf32>
      tpu.vector_store %arg7[%swap3A_65, %swap3A_66], %swap3A_69 {strides = array<i32>} : memref<8x128xf32, #tpu.memory_space<vmem>>, vector<1x16xf32>,
      %swap3A_70 = arith.index_cast %add3A_40 : i32 to index
      %swap3A_71 = arith.constant 96 : index
      %swap3A_72 = tpu.vector_load %arg7[%swap3A_70, %swap3A_71] {strides = array<i32>} : memref<8x128xf32, #tpu.memory_space<vmem>>, vector<1x16xf32>,
      %swap3A_73 = vector.shape_cast %swap3A_72 : vector<1x16xf32> to vector<16xf32>
      %swap3A_74 = vector.shape_cast %broadcast_in_dim3A_5 : vector<16xf32> to vector<1x16xf32>
      tpu.vector_store %arg7[%swap3A_70, %swap3A_71], %swap3A_74 {strides = array<i32>} : memref<8x128xf32, #tpu.memory_space<vmem>>, vector<1x16xf32>,
      %swap3A_75 = arith.index_cast %add3A_40 : i32 to index
      %swap3A_76 = arith.constant 112 : index
      %swap3A_77 = tpu.vector_load %arg7[%swap3A_75, %swap3A_76] {strides = array<i32>} : memref<8x128xf32, #tpu.memory_space<vmem>>, vector<1x16xf32>,
      %swap3A_78 = vector.shape_cast %swap3A_77 : vector<1x16xf32> to vector<16xf32>
      %swap3A_79 = vector.shape_cast %broadcast_in_dim3A_5 : vector<16xf32> to vector<1x16xf32>
      tpu.vector_store %arg7[%swap3A_75, %swap3A_76], %swap3A_79 {strides = array<i32>} : memref<8x128xf32, #tpu.memory_space<vmem>>, vector<1x16xf32>,
    }
    %scan3A_14 = arith.constant 8 : i32
    %scan3A_15 = arith.constant 0 : i32
    %scan3A_16 = arith.constant 80 : i32
    %scan3A_17 = arith.addi %scan3A_15, %scan3A_16 : i32
    %scan3A_18 = arith.constant 1 : i32
    scf.for %scan3A_36 = %scan3A_15 to %scan3A_17 step %scan3A_18  : i32 {
      %mul3A_37 = arith.constant 1 : i32
      %mul3A_38 = arith.muli %scan3A_36, %mul3A_37 : i32
      %add3A_39 = arith.constant 0 : i32
      %add3A_40 = arith.addi %add3A_39, %mul3A_38 : i32
      %mul3A_41 = arith.constant 640 : i32
      %mul3A_42 = arith.muli %arg1, %mul3A_41 : i32
      %mul3A_43 = arith.constant 8 : i32
      %mul3A_44 = arith.muli %add3A_40, %mul3A_43 : i32
      %add3A_45 = arith.addi %mul3A_42, %mul3A_44 : i32
      "tpu.region"() ({
        %run_scoped3A = tpu.sem_alloc : memref<!tpu.dma_semaphore, #tpu.memory_space<semaphore_mem>>
        %dma_start3A = arith.constant 0 : i32
        %dma_start3A_46 = tpu.memref_slice %arg4[%add3A_45, %dma_start3A] : memref<10240x128xf32, #tpu.memory_space<vmem_shared>> -> memref<8x128xf32, #tpu.memory_space<vmem_shared>>
        %dma_start3A_47 = arith.constant 0 : i32
        %dma_start3A_48 = tpu.memref_slice %arg4[%add3A_45, %dma_start3A_47] : memref<10240x128xf32, #tpu.memory_space<vmem_shared>> -> memref<8x128xf32, #tpu.memory_space<vmem_shared>>
        tpu.enqueue_dma source(%arg7 : memref<8x128xf32, #tpu.memory_space<vmem>>) target(%dma_start3A_48 : memref<8x128xf32, #tpu.memory_space<vmem_shared>>) target_semaphore(%run_scoped3A : memref<!tpu.dma_semaphore, #tpu.memory_space<semaphore_mem>>)
        %dma_wait3A = arith.constant 0 : i32
        %dma_wait3A_49 = tpu.memref_slice %arg4[%add3A_45, %dma_wait3A] : memref<10240x128xf32, #tpu.memory_space<vmem_shared>> -> memref<8x128xf32, #tpu.memory_space<vmem_shared>>
        %dma_wait3A_50 = arith.constant 0 : i32
        %dma_wait3A_51 = tpu.memref_slice %arg4[%add3A_45, %dma_wait3A_50] : memref<10240x128xf32, #tpu.memory_space<vmem_shared>> -> memref<8x128xf32, #tpu.memory_space<vmem_shared>>
        tpu.wait_dma2 semaphore(%run_scoped3A : memref<!tpu.dma_semaphore, #tpu.memory_space<semaphore_mem>>) src(%arg7 : memref<8x128xf32, #tpu.memory_space<vmem>>) dst(%dma_wait3A_51 : memref<8x128xf32, #tpu.memory_space<vmem_shared>>)
        tpu.yield
      }) : () -> ()
    }
    %scan3A_19 = arith.constant 80 : i32
    %barrier3A = arith.constant 0 : index
    tpu.barrier barrier_id(%barrier3A)
    %mul3A = arith.constant 161792 : i32
    %mul3A_20 = arith.muli %arg0, %mul3A : i32
    %mul3A_21 = arith.constant 10112 : i32
    %mul3A_22 = arith.muli %arg1, %mul3A_21 : i32
    %add3A = arith.addi %mul3A_20, %mul3A_22 : i32
    %scan3A_23 = arith.constant 0 : i32
    %scan3A_24 = arith.constant 158 : i32
    %scan3A_25 = arith.addi %scan3A_23, %scan3A_24 : i32
    %scan3A_26 = arith.constant 1 : i32
    scf.for %scan3A_36 = %scan3A_23 to %scan3A_25 step %scan3A_26  : i32 {
      %mul3A_37 = arith.constant 1 : i32
      %mul3A_38 = arith.muli %scan3A_36, %mul3A_37 : i32
      %add3A_39 = arith.constant 0 : i32
      %add3A_40 = arith.addi %add3A_39, %mul3A_38 : i32
      %mul3A_41 = arith.constant 64 : i32
      %mul3A_42 = arith.muli %add3A_40, %mul3A_41 : i32
      %add3A_43 = arith.addi %add3A, %mul3A_42 : i32
      "tpu.region"() ({
        %run_scoped3A = tpu.sem_alloc : memref<!tpu.dma_semaphore, #tpu.memory_space<semaphore_mem>>
        %dma_start3A = tpu.memref_slice %arg2[%add3A_43] : memref<323584xi32, #tpu.memory_space<hbm>> -> memref<64xi32, #tpu.memory_space<hbm>>
        %dma_start3A_44 = tpu.memref_slice %arg2[%add3A_43] : memref<323584xi32, #tpu.memory_space<hbm>> -> memref<64xi32, #tpu.memory_space<hbm>>
        tpu.enqueue_dma source(%dma_start3A_44 : memref<64xi32, #tpu.memory_space<hbm>>) target(%arg5 : memref<64xi32, #tpu.memory_space<vmem>>) target_semaphore(%run_scoped3A : memref<!tpu.dma_semaphore, #tpu.memory_space<semaphore_mem>>)
        %dma_wait3A = tpu.memref_slice %arg2[%add3A_43] : memref<323584xi32, #tpu.memory_space<hbm>> -> memref<64xi32, #tpu.memory_space<hbm>>
        %dma_wait3A_45 = tpu.memref_slice %arg2[%add3A_43] : memref<323584xi32, #tpu.memory_space<hbm>> -> memref<64xi32, #tpu.memory_space<hbm>>
        tpu.wait_dma2 semaphore(%run_scoped3A : memref<!tpu.dma_semaphore, #tpu.memory_space<semaphore_mem>>) src(%dma_wait3A_45 : memref<64xi32, #tpu.memory_space<hbm>>) dst(%arg5 : memref<64xi32, #tpu.memory_space<vmem>>)
        tpu.yield
      }) : () -> ()
      "tpu.region"() ({
        %run_scoped3A = tpu.sem_alloc : memref<!tpu.dma_semaphore, #tpu.memory_space<semaphore_mem>>
        %dma_start3A = arith.constant 0 : i32
        %dma_start3A_44 = arith.constant 0 : i32
        %dma_start3A_45 = tpu.memref_slice %arg4[%dma_start3A, %dma_start3A_44] : memref<10240x128xf32, #tpu.memory_space<vmem_shared>> -> memref<10240x128xf32, #tpu.memory_space<vmem_shared>>
        tpu.enqueue_indirect_dma source(%arg6 : memref<64x128xf32, #tpu.memory_space<vmem>>) target(%dma_start3A_45 : memref<10240x128xf32, #tpu.memory_space<vmem_shared>>) offsets(%arg5 : memref<64xi32, #tpu.memory_space<vmem>>) semaphore(%run_scoped3A : memref<!tpu.dma_semaphore, #tpu.memory_space<semaphore_mem>>) {add = true}
        %dma_wait3A = arith.constant 0 : i32
        %dma_wait3A_46 = arith.constant 0 : i32
        %dma_wait3A_47 = tpu.memref_slice %arg4[%dma_wait3A, %dma_wait3A_46] : memref<10240x128xf32, #tpu.memory_space<vmem_shared>> -> memref<10240x128xf32, #tpu.memory_space<vmem_shared>>
        tpu.wait_indirect_dma semaphore(%run_scoped3A : memref<!tpu.dma_semaphore, #tpu.memory_space<semaphore_mem>>) src(%arg6 : memref<64x128xf32, #tpu.memory_space<vmem>>) dst(%dma_wait3A_47 : memref<10240x128xf32, #tpu.memory_space<vmem_shared>>)
        tpu.yield
      }) : () -> ()
    }
    %scan3A_27 = arith.constant 158 : i32
    %barrier3A_28 = arith.constant 0 : index
    tpu.barrier barrier_id(%barrier3A_28)
    %mul3A_29 = arith.constant 640 : i32
    %mul3A_30 = arith.muli %arg1, %mul3A_29 : i32
    %mul3A_31 = arith.constant 10240 : i32
    %mul3A_32 = arith.muli %arg0, %mul3A_31 : i32
    %mul3A_33 = arith.constant 640 : i32
    %mul3A_34 = arith.muli %arg1, %mul3A_33 : i32
    %add3A_35 = arith.addi %mul3A_32, %mul3A_34 : i32
    "tpu.region"() ({
      %run_scoped3A = tpu.sem_alloc : memref<!tpu.dma_semaphore, #tpu.memory_space<semaphore_mem>>
      %dma_start3A = arith.constant 0 : i32
      %dma_start3A_36 = tpu.memref_slice %arg3[%add3A_35, %dma_start3A] : memref<20480x128xf32, #tpu.memory_space<hbm>> -> memref<640x128xf32, #tpu.memory_space<hbm>>
      %dma_start3A_37 = arith.constant 0 : i32
      %dma_start3A_38 = tpu.memref_slice %arg4[%mul3A_30, %dma_start3A_37] : memref<10240x128xf32, #tpu.memory_space<vmem_shared>> -> memref<640x128xf32, #tpu.memory_space<vmem_shared>>
      tpu.enqueue_dma source(%dma_start3A_38 : memref<640x128xf32, #tpu.memory_space<vmem_shared>>) target(%dma_start3A_36 : memref<640x128xf32, #tpu.memory_space<hbm>>) target_semaphore(%run_scoped3A : memref<!tpu.dma_semaphore, #tpu.memory_space<semaphore_mem>>)
      %dma_wait3A = arith.constant 0 : i32
      %dma_wait3A_39 = tpu.memref_slice %arg3[%add3A_35, %dma_wait3A] : memref<20480x128xf32, #tpu.memory_space<hbm>> -> memref<640x128xf32, #tpu.memory_space<hbm>>
      %dma_wait3A_40 = arith.constant 0 : i32
      %dma_wait3A_41 = tpu.memref_slice %arg4[%mul3A_30, %dma_wait3A_40] : memref<10240x128xf32, #tpu.memory_space<vmem_shared>> -> memref<640x128xf32, #tpu.memory_space<vmem_shared>>
      tpu.wait_dma2 semaphore(%run_scoped3A : memref<!tpu.dma_semaphore, #tpu.memory_space<semaphore_mem>>) src(%dma_wait3A_41 : memref<640x128xf32, #tpu.memory_space<vmem_shared>>) dst(%dma_wait3A_39 : memref<640x128xf32, #tpu.memory_space<hbm>>)
      tpu.yield
    }) : () -> ()
    return
  }
}

#map = affine_map<(d0, d1) -> (0, 0, 0)>
#map1 = affine_map<(d0, d1) -> (0, 0)>
module attributes {stable_mosaic.version = 14 : i64} {
  func.func @k(%arg0: i32, %arg1: i32, %arg2: memref<5056x3x64xi32, #tpu.memory_space<hbm>>, %arg3: memref<20480x128xf32, #tpu.memory_space<hbm>>, %arg4: memref<208x128xf32, #tpu.memory_space<hbm>>, %arg5: memref<40960x128xf32, #tpu.memory_space<hbm>>, %arg6: memref<10240x128xf32, #tpu.memory_space<vmem_shared>>, %arg7: memref<208x128xf32, #tpu.memory_space<vmem_shared>>, %arg8: memref<3x64xi32, #tpu.memory_space<vmem>>, %arg9: memref<3x64xi32, #tpu.memory_space<vmem>>, %arg10: memref<64x128xf32, #tpu.memory_space<vmem>>, %arg11: memref<64x128xf32, #tpu.memory_space<vmem>>, %arg12: memref<64x128xf32, #tpu.memory_space<vmem>>, %arg13: memref<64x128xf32, #tpu.memory_space<vmem>>, %arg14: memref<64x128xf32, #tpu.memory_space<vmem>>, %arg15: memref<8x128xf32, #tpu.memory_space<vmem>>, %arg16: memref<!tpu.dma_semaphore, #tpu.memory_space<semaphore_mem>>, %arg17: memref<!tpu.dma_semaphore, #tpu.memory_space<semaphore_mem>>, %arg18: memref<!tpu.dma_semaphore, #tpu.memory_space<semaphore_mem>>, %arg19: memref<!tpu.dma_semaphore, #tpu.memory_space<semaphore_mem>>) attributes {dimension_semantics = [#tpu.dimension_semantics<core_parallel>, #tpu.dimension_semantics<subcore_parallel>], iteration_bounds = array<i64: 2, 16>, scalar_prefetch = 0 : i64, scratch_operands = 14 : i64, tpu.core_type = #tpu.core_type<sc_vector_subcore>, window_params = [{transform_indices = #map}, {transform_indices = #map1}, {transform_indices = #map1}, {transform_indices = #map1}]} {
    %eq3A = arith.constant 0 : i32
    %eq3A_0 = arith.cmpi eq, %arg1, %eq3A : i32
    %convert_element_type3A = arith.extui %eq3A_0 : i1 to i32
    %cond3A = arith.constant 0 : i32
    %cond3A_1 = arith.cmpi ne, %convert_element_type3A, %cond3A : i32
    scf.if %cond3A_1 {
      "tpu.region"() ({
        %run_scoped3A = tpu.sem_alloc : memref<!tpu.dma_semaphore, #tpu.memory_space<semaphore_mem>>
        tpu.enqueue_dma source(%arg4 : memref<208x128xf32, #tpu.memory_space<hbm>>) target(%arg7 : memref<208x128xf32, #tpu.memory_space<vmem_shared>>) target_semaphore(%run_scoped3A : memref<!tpu.dma_semaphore, #tpu.memory_space<semaphore_mem>>)
        tpu.wait_dma2 semaphore(%run_scoped3A : memref<!tpu.dma_semaphore, #tpu.memory_space<semaphore_mem>>) src(%arg4 : memref<208x128xf32, #tpu.memory_space<hbm>>) dst(%arg7 : memref<208x128xf32, #tpu.memory_space<vmem_shared>>)
        tpu.yield
      }) : () -> ()
    } else {
    }
    %broadcast_in_dim3A = arith.constant 0.000000e+00 : f32
    %broadcast_in_dim3A_2 = vector.broadcast %broadcast_in_dim3A : f32 to vector<16xf32>
    %scan3A = arith.constant 0 : i32
    %scan3A_3 = arith.constant 8 : i32
    %scan3A_4 = arith.addi %scan3A, %scan3A_3 : i32
    %scan3A_5 = arith.constant 1 : i32
    scf.for %scan3A_81 = %scan3A to %scan3A_4 step %scan3A_5  : i32 {
      %mul3A_82 = arith.constant 1 : i32
      %mul3A_83 = arith.muli %scan3A_81, %mul3A_82 : i32
      %add3A_84 = arith.constant 0 : i32
      %add3A_85 = arith.addi %add3A_84, %mul3A_83 : i32
      %swap3A = arith.index_cast %add3A_85 : i32 to index
      %swap3A_86 = arith.constant 0 : index
      %swap3A_87 = tpu.vector_load %arg15[%swap3A, %swap3A_86] {strides = array<i32>} : memref<8x128xf32, #tpu.memory_space<vmem>>, vector<1x16xf32>,
      %swap3A_88 = vector.shape_cast %swap3A_87 : vector<1x16xf32> to vector<16xf32>
      %swap3A_89 = vector.shape_cast %broadcast_in_dim3A_2 : vector<16xf32> to vector<1x16xf32>
      tpu.vector_store %arg15[%swap3A, %swap3A_86], %swap3A_89 {strides = array<i32>} : memref<8x128xf32, #tpu.memory_space<vmem>>, vector<1x16xf32>,
      %swap3A_90 = arith.index_cast %add3A_85 : i32 to index
      %swap3A_91 = arith.constant 16 : index
      %swap3A_92 = tpu.vector_load %arg15[%swap3A_90, %swap3A_91] {strides = array<i32>} : memref<8x128xf32, #tpu.memory_space<vmem>>, vector<1x16xf32>,
      %swap3A_93 = vector.shape_cast %swap3A_92 : vector<1x16xf32> to vector<16xf32>
      %swap3A_94 = vector.shape_cast %broadcast_in_dim3A_2 : vector<16xf32> to vector<1x16xf32>
      tpu.vector_store %arg15[%swap3A_90, %swap3A_91], %swap3A_94 {strides = array<i32>} : memref<8x128xf32, #tpu.memory_space<vmem>>, vector<1x16xf32>,
      %swap3A_95 = arith.index_cast %add3A_85 : i32 to index
      %swap3A_96 = arith.constant 32 : index
      %swap3A_97 = tpu.vector_load %arg15[%swap3A_95, %swap3A_96] {strides = array<i32>} : memref<8x128xf32, #tpu.memory_space<vmem>>, vector<1x16xf32>,
      %swap3A_98 = vector.shape_cast %swap3A_97 : vector<1x16xf32> to vector<16xf32>
      %swap3A_99 = vector.shape_cast %broadcast_in_dim3A_2 : vector<16xf32> to vector<1x16xf32>
      tpu.vector_store %arg15[%swap3A_95, %swap3A_96], %swap3A_99 {strides = array<i32>} : memref<8x128xf32, #tpu.memory_space<vmem>>, vector<1x16xf32>,
      %swap3A_100 = arith.index_cast %add3A_85 : i32 to index
      %swap3A_101 = arith.constant 48 : index
      %swap3A_102 = tpu.vector_load %arg15[%swap3A_100, %swap3A_101] {strides = array<i32>} : memref<8x128xf32, #tpu.memory_space<vmem>>, vector<1x16xf32>,
      %swap3A_103 = vector.shape_cast %swap3A_102 : vector<1x16xf32> to vector<16xf32>
      %swap3A_104 = vector.shape_cast %broadcast_in_dim3A_2 : vector<16xf32> to vector<1x16xf32>
      tpu.vector_store %arg15[%swap3A_100, %swap3A_101], %swap3A_104 {strides = array<i32>} : memref<8x128xf32, #tpu.memory_space<vmem>>, vector<1x16xf32>,
      %swap3A_105 = arith.index_cast %add3A_85 : i32 to index
      %swap3A_106 = arith.constant 64 : index
      %swap3A_107 = tpu.vector_load %arg15[%swap3A_105, %swap3A_106] {strides = array<i32>} : memref<8x128xf32, #tpu.memory_space<vmem>>, vector<1x16xf32>,
      %swap3A_108 = vector.shape_cast %swap3A_107 : vector<1x16xf32> to vector<16xf32>
      %swap3A_109 = vector.shape_cast %broadcast_in_dim3A_2 : vector<16xf32> to vector<1x16xf32>
      tpu.vector_store %arg15[%swap3A_105, %swap3A_106], %swap3A_109 {strides = array<i32>} : memref<8x128xf32, #tpu.memory_space<vmem>>, vector<1x16xf32>,
      %swap3A_110 = arith.index_cast %add3A_85 : i32 to index
      %swap3A_111 = arith.constant 80 : index
      %swap3A_112 = tpu.vector_load %arg15[%swap3A_110, %swap3A_111] {strides = array<i32>} : memref<8x128xf32, #tpu.memory_space<vmem>>, vector<1x16xf32>,
      %swap3A_113 = vector.shape_cast %swap3A_112 : vector<1x16xf32> to vector<16xf32>
      %swap3A_114 = vector.shape_cast %broadcast_in_dim3A_2 : vector<16xf32> to vector<1x16xf32>
      tpu.vector_store %arg15[%swap3A_110, %swap3A_111], %swap3A_114 {strides = array<i32>} : memref<8x128xf32, #tpu.memory_space<vmem>>, vector<1x16xf32>,
      %swap3A_115 = arith.index_cast %add3A_85 : i32 to index
      %swap3A_116 = arith.constant 96 : index
      %swap3A_117 = tpu.vector_load %arg15[%swap3A_115, %swap3A_116] {strides = array<i32>} : memref<8x128xf32, #tpu.memory_space<vmem>>, vector<1x16xf32>,
      %swap3A_118 = vector.shape_cast %swap3A_117 : vector<1x16xf32> to vector<16xf32>
      %swap3A_119 = vector.shape_cast %broadcast_in_dim3A_2 : vector<16xf32> to vector<1x16xf32>
      tpu.vector_store %arg15[%swap3A_115, %swap3A_116], %swap3A_119 {strides = array<i32>} : memref<8x128xf32, #tpu.memory_space<vmem>>, vector<1x16xf32>,
      %swap3A_120 = arith.index_cast %add3A_85 : i32 to index
      %swap3A_121 = arith.constant 112 : index
      %swap3A_122 = tpu.vector_load %arg15[%swap3A_120, %swap3A_121] {strides = array<i32>} : memref<8x128xf32, #tpu.memory_space<vmem>>, vector<1x16xf32>,
      %swap3A_123 = vector.shape_cast %swap3A_122 : vector<1x16xf32> to vector<16xf32>
      %swap3A_124 = vector.shape_cast %broadcast_in_dim3A_2 : vector<16xf32> to vector<1x16xf32>
      tpu.vector_store %arg15[%swap3A_120, %swap3A_121], %swap3A_124 {strides = array<i32>} : memref<8x128xf32, #tpu.memory_space<vmem>>, vector<1x16xf32>,
    }
    %scan3A_6 = arith.constant 8 : i32
    %scan3A_7 = arith.constant 0 : i32
    %scan3A_8 = arith.constant 80 : i32
    %scan3A_9 = arith.addi %scan3A_7, %scan3A_8 : i32
    %scan3A_10 = arith.constant 1 : i32
    scf.for %scan3A_81 = %scan3A_7 to %scan3A_9 step %scan3A_10  : i32 {
      %mul3A_82 = arith.constant 1 : i32
      %mul3A_83 = arith.muli %scan3A_81, %mul3A_82 : i32
      %add3A_84 = arith.constant 0 : i32
      %add3A_85 = arith.addi %add3A_84, %mul3A_83 : i32
      %mul3A_86 = arith.constant 640 : i32
      %mul3A_87 = arith.muli %arg1, %mul3A_86 : i32
      %mul3A_88 = arith.constant 8 : i32
      %mul3A_89 = arith.muli %add3A_85, %mul3A_88 : i32
      %add3A_90 = arith.addi %mul3A_87, %mul3A_89 : i32
      "tpu.region"() ({
        %run_scoped3A = tpu.sem_alloc : memref<!tpu.dma_semaphore, #tpu.memory_space<semaphore_mem>>
        %dma_start3A_91 = arith.constant 0 : i32
        %dma_start3A_92 = tpu.memref_slice %arg6[%add3A_90, %dma_start3A_91] : memref<10240x128xf32, #tpu.memory_space<vmem_shared>> -> memref<8x128xf32, #tpu.memory_space<vmem_shared>>
        %dma_start3A_93 = arith.constant 0 : i32
        %dma_start3A_94 = tpu.memref_slice %arg6[%add3A_90, %dma_start3A_93] : memref<10240x128xf32, #tpu.memory_space<vmem_shared>> -> memref<8x128xf32, #tpu.memory_space<vmem_shared>>
        tpu.enqueue_dma source(%arg15 : memref<8x128xf32, #tpu.memory_space<vmem>>) target(%dma_start3A_94 : memref<8x128xf32, #tpu.memory_space<vmem_shared>>) target_semaphore(%run_scoped3A : memref<!tpu.dma_semaphore, #tpu.memory_space<semaphore_mem>>)
        %dma_wait3A = arith.constant 0 : i32
        %dma_wait3A_95 = tpu.memref_slice %arg6[%add3A_90, %dma_wait3A] : memref<10240x128xf32, #tpu.memory_space<vmem_shared>> -> memref<8x128xf32, #tpu.memory_space<vmem_shared>>
        %dma_wait3A_96 = arith.constant 0 : i32
        %dma_wait3A_97 = tpu.memref_slice %arg6[%add3A_90, %dma_wait3A_96] : memref<10240x128xf32, #tpu.memory_space<vmem_shared>> -> memref<8x128xf32, #tpu.memory_space<vmem_shared>>
        tpu.wait_dma2 semaphore(%run_scoped3A : memref<!tpu.dma_semaphore, #tpu.memory_space<semaphore_mem>>) src(%arg15 : memref<8x128xf32, #tpu.memory_space<vmem>>) dst(%dma_wait3A_97 : memref<8x128xf32, #tpu.memory_space<vmem_shared>>)
        tpu.yield
      }) : () -> ()
    }
    %scan3A_11 = arith.constant 80 : i32
    %barrier3A = arith.constant 0 : index
    tpu.barrier barrier_id(%barrier3A)
    %add3A = arith.constant 0 : i32
    %add3A_12 = arith.addi %add3A, %arg1 : i32
    %mul3A = arith.constant 158 : i32
    %mul3A_13 = arith.muli %add3A_12, %mul3A : i32
    "tpu.region"() ({
      %run_scoped3A = tpu.sem_alloc : memref<!tpu.dma_semaphore, #tpu.memory_space<semaphore_mem>>
      %dma_start3A_81 = arith.constant 0 : i32
      %dma_start3A_82 = arith.constant 0 : i32
      %dma_start3A_83 = tpu.memref_slice %arg2[%mul3A_13, %dma_start3A_81, %dma_start3A_82] : memref<5056x3x64xi32, #tpu.memory_space<hbm>> -> memref<1x3x64xi32, #tpu.memory_space<hbm>>
      %dma_start3A_84 = tpu.memref_squeeze %dma_start3A_83 : memref<1x3x64xi32, #tpu.memory_space<hbm>> -> memref<3x64xi32, #tpu.memory_space<hbm>>
      %dma_start3A_85 = arith.constant 0 : i32
      %dma_start3A_86 = arith.constant 0 : i32
      %dma_start3A_87 = tpu.memref_slice %arg2[%mul3A_13, %dma_start3A_85, %dma_start3A_86] : memref<5056x3x64xi32, #tpu.memory_space<hbm>> -> memref<1x3x64xi32, #tpu.memory_space<hbm>>
      %dma_start3A_88 = tpu.memref_squeeze %dma_start3A_87 : memref<1x3x64xi32, #tpu.memory_space<hbm>> -> memref<3x64xi32, #tpu.memory_space<hbm>>
      tpu.enqueue_dma source(%dma_start3A_88 : memref<3x64xi32, #tpu.memory_space<hbm>>) target(%arg8 : memref<3x64xi32, #tpu.memory_space<vmem>>) target_semaphore(%run_scoped3A : memref<!tpu.dma_semaphore, #tpu.memory_space<semaphore_mem>>)
      %dma_wait3A = arith.constant 0 : i32
      %dma_wait3A_89 = arith.constant 0 : i32
      %dma_wait3A_90 = tpu.memref_slice %arg2[%mul3A_13, %dma_wait3A, %dma_wait3A_89] : memref<5056x3x64xi32, #tpu.memory_space<hbm>> -> memref<1x3x64xi32, #tpu.memory_space<hbm>>
      %dma_wait3A_91 = tpu.memref_squeeze %dma_wait3A_90 : memref<1x3x64xi32, #tpu.memory_space<hbm>> -> memref<3x64xi32, #tpu.memory_space<hbm>>
      %dma_wait3A_92 = arith.constant 0 : i32
      %dma_wait3A_93 = arith.constant 0 : i32
      %dma_wait3A_94 = tpu.memref_slice %arg2[%mul3A_13, %dma_wait3A_92, %dma_wait3A_93] : memref<5056x3x64xi32, #tpu.memory_space<hbm>> -> memref<1x3x64xi32, #tpu.memory_space<hbm>>
      %dma_wait3A_95 = tpu.memref_squeeze %dma_wait3A_94 : memref<1x3x64xi32, #tpu.memory_space<hbm>> -> memref<3x64xi32, #tpu.memory_space<hbm>>
      tpu.wait_dma2 semaphore(%run_scoped3A : memref<!tpu.dma_semaphore, #tpu.memory_space<semaphore_mem>>) src(%dma_wait3A_95 : memref<3x64xi32, #tpu.memory_space<hbm>>) dst(%arg8 : memref<3x64xi32, #tpu.memory_space<vmem>>)
      tpu.yield
    }) : () -> ()
    %dma_start3A = arith.constant 0 : i32
    %dma_start3A_14 = arith.constant 0 : i32
    %dma_start3A_15 = tpu.memref_slice %arg8[%dma_start3A, %dma_start3A_14] : memref<3x64xi32, #tpu.memory_space<vmem>> -> memref<1x64xi32, #tpu.memory_space<vmem>>
    %dma_start3A_16 = tpu.memref_squeeze %dma_start3A_15 : memref<1x64xi32, #tpu.memory_space<vmem>> -> memref<64xi32, #tpu.memory_space<vmem>>
    %dma_start3A_17 = arith.constant 0 : i32
    %dma_start3A_18 = arith.constant 0 : i32
    %dma_start3A_19 = tpu.memref_slice %arg3[%dma_start3A_17, %dma_start3A_18] : memref<20480x128xf32, #tpu.memory_space<hbm>> -> memref<20480x128xf32, #tpu.memory_space<hbm>>
    tpu.enqueue_indirect_dma source(%dma_start3A_19 : memref<20480x128xf32, #tpu.memory_space<hbm>>) target(%arg10 : memref<64x128xf32, #tpu.memory_space<vmem>>) offsets(%dma_start3A_16 : memref<64xi32, #tpu.memory_space<vmem>>) semaphore(%arg16 : memref<!tpu.dma_semaphore, #tpu.memory_space<semaphore_mem>>)
    %dma_start3A_20 = arith.constant 1 : i32
    %dma_start3A_21 = arith.constant 0 : i32
    %dma_start3A_22 = tpu.memref_slice %arg8[%dma_start3A_20, %dma_start3A_21] : memref<3x64xi32, #tpu.memory_space<vmem>> -> memref<1x64xi32, #tpu.memory_space<vmem>>
    %dma_start3A_23 = tpu.memref_squeeze %dma_start3A_22 : memref<1x64xi32, #tpu.memory_space<vmem>> -> memref<64xi32, #tpu.memory_space<vmem>>
    %dma_start3A_24 = arith.constant 0 : i32
    %dma_start3A_25 = arith.constant 0 : i32
    %dma_start3A_26 = tpu.memref_slice %arg7[%dma_start3A_24, %dma_start3A_25] : memref<208x128xf32, #tpu.memory_space<vmem_shared>> -> memref<208x128xf32, #tpu.memory_space<vmem_shared>>
    tpu.enqueue_indirect_dma source(%dma_start3A_26 : memref<208x128xf32, #tpu.memory_space<vmem_shared>>) target(%arg12 : memref<64x128xf32, #tpu.memory_space<vmem>>) offsets(%dma_start3A_23 : memref<64xi32, #tpu.memory_space<vmem>>) semaphore(%arg18 : memref<!tpu.dma_semaphore, #tpu.memory_space<semaphore_mem>>)
    %scan3A_27 = arith.constant 0 : i32
    %scan3A_28 = arith.constant 79 : i32
    %scan3A_29 = arith.addi %scan3A_27, %scan3A_28 : i32
    %scan3A_30 = arith.constant 1 : i32
    scf.for %scan3A_81 = %scan3A_27 to %scan3A_29 step %scan3A_30  : i32 {
      %mul3A_82 = arith.constant 1 : i32
      %mul3A_83 = arith.muli %scan3A_81, %mul3A_82 : i32
      %add3A_84 = arith.constant 0 : i32
      %add3A_85 = arith.addi %add3A_84, %mul3A_83 : i32
      %mul3A_86 = arith.constant 2 : i32
      %mul3A_87 = arith.muli %mul3A_86, %add3A_85 : i32
      %add3A_88 = arith.constant 0 : i32
      %add3A_89 = arith.addi %mul3A_87, %add3A_88 : i32
      %dma_wait3A = arith.constant 0 : i32
      %dma_wait3A_90 = arith.constant 0 : i32
      %dma_wait3A_91 = tpu.memref_slice %arg3[%dma_wait3A, %dma_wait3A_90] : memref<20480x128xf32, #tpu.memory_space<hbm>> -> memref<64x128xf32, #tpu.memory_space<hbm>>
      %dma_wait3A_92 = arith.constant 0 : i32
      %dma_wait3A_93 = arith.constant 0 : i32
      %dma_wait3A_94 = tpu.memref_slice %arg3[%dma_wait3A_92, %dma_wait3A_93] : memref<20480x128xf32, #tpu.memory_space<hbm>> -> memref<64x128xf32, #tpu.memory_space<hbm>>
      tpu.wait_dma2 semaphore(%arg16 : memref<!tpu.dma_semaphore, #tpu.memory_space<semaphore_mem>>) src(%dma_wait3A_94 : memref<64x128xf32, #tpu.memory_space<hbm>>) dst(%arg10 : memref<64x128xf32, #tpu.memory_space<vmem>>)
      %dma_wait3A_95 = arith.constant 0 : i32
      %dma_wait3A_96 = arith.constant 0 : i32
      %dma_wait3A_97 = tpu.memref_slice %arg3[%dma_wait3A_95, %dma_wait3A_96] : memref<20480x128xf32, #tpu.memory_space<hbm>> -> memref<64x128xf32, #tpu.memory_space<hbm>>
      %dma_wait3A_98 = arith.constant 0 : i32
      %dma_wait3A_99 = arith.constant 0 : i32
      %dma_wait3A_100 = tpu.memref_slice %arg3[%dma_wait3A_98, %dma_wait3A_99] : memref<20480x128xf32, #tpu.memory_space<hbm>> -> memref<64x128xf32, #tpu.memory_space<hbm>>
      tpu.wait_dma2 semaphore(%arg18 : memref<!tpu.dma_semaphore, #tpu.memory_space<semaphore_mem>>) src(%dma_wait3A_100 : memref<64x128xf32, #tpu.memory_space<hbm>>) dst(%arg12 : memref<64x128xf32, #tpu.memory_space<vmem>>)
      %add3A_101 = arith.constant 1 : i32
      %add3A_102 = arith.addi %add3A_89, %add3A_101 : i32
      %lt3A = arith.constant 158 : i32
      %lt3A_103 = arith.cmpi slt, %add3A_102, %lt3A : i32
      %convert_element_type3A_104 = arith.extui %lt3A_103 : i1 to i32
      %cond3A_105 = arith.constant 0 : i32
      %cond3A_106 = arith.cmpi ne, %convert_element_type3A_104, %cond3A_105 : i32
      scf.if %cond3A_106 {
        %add3A_151 = arith.addi %mul3A_13, %add3A_89 : i32
        %add3A_152 = arith.constant 1 : i32
        %add3A_153 = arith.addi %add3A_151, %add3A_152 : i32
        "tpu.region"() ({
          %run_scoped3A_168 = tpu.sem_alloc : memref<!tpu.dma_semaphore, #tpu.memory_space<semaphore_mem>>
          %dma_start3A_169 = arith.constant 0 : i32
          %dma_start3A_170 = arith.constant 0 : i32
          %dma_start3A_171 = tpu.memref_slice %arg2[%add3A_153, %dma_start3A_169, %dma_start3A_170] : memref<5056x3x64xi32, #tpu.memory_space<hbm>> -> memref<1x3x64xi32, #tpu.memory_space<hbm>>
          %dma_start3A_172 = tpu.memref_squeeze %dma_start3A_171 : memref<1x3x64xi32, #tpu.memory_space<hbm>> -> memref<3x64xi32, #tpu.memory_space<hbm>>
          %dma_start3A_173 = arith.constant 0 : i32
          %dma_start3A_174 = arith.constant 0 : i32
          %dma_start3A_175 = tpu.memref_slice %arg2[%add3A_153, %dma_start3A_173, %dma_start3A_174] : memref<5056x3x64xi32, #tpu.memory_space<hbm>> -> memref<1x3x64xi32, #tpu.memory_space<hbm>>
          %dma_start3A_176 = tpu.memref_squeeze %dma_start3A_175 : memref<1x3x64xi32, #tpu.memory_space<hbm>> -> memref<3x64xi32, #tpu.memory_space<hbm>>
          tpu.enqueue_dma source(%dma_start3A_176 : memref<3x64xi32, #tpu.memory_space<hbm>>) target(%arg9 : memref<3x64xi32, #tpu.memory_space<vmem>>) target_semaphore(%run_scoped3A_168 : memref<!tpu.dma_semaphore, #tpu.memory_space<semaphore_mem>>)
          %dma_wait3A_177 = arith.constant 0 : i32
          %dma_wait3A_178 = arith.constant 0 : i32
          %dma_wait3A_179 = tpu.memref_slice %arg2[%add3A_153, %dma_wait3A_177, %dma_wait3A_178] : memref<5056x3x64xi32, #tpu.memory_space<hbm>> -> memref<1x3x64xi32, #tpu.memory_space<hbm>>
          %dma_wait3A_180 = tpu.memref_squeeze %dma_wait3A_179 : memref<1x3x64xi32, #tpu.memory_space<hbm>> -> memref<3x64xi32, #tpu.memory_space<hbm>>
          %dma_wait3A_181 = arith.constant 0 : i32
          %dma_wait3A_182 = arith.constant 0 : i32
          %dma_wait3A_183 = tpu.memref_slice %arg2[%add3A_153, %dma_wait3A_181, %dma_wait3A_182] : memref<5056x3x64xi32, #tpu.memory_space<hbm>> -> memref<1x3x64xi32, #tpu.memory_space<hbm>>
          %dma_wait3A_184 = tpu.memref_squeeze %dma_wait3A_183 : memref<1x3x64xi32, #tpu.memory_space<hbm>> -> memref<3x64xi32, #tpu.memory_space<hbm>>
          tpu.wait_dma2 semaphore(%run_scoped3A_168 : memref<!tpu.dma_semaphore, #tpu.memory_space<semaphore_mem>>) src(%dma_wait3A_184 : memref<3x64xi32, #tpu.memory_space<hbm>>) dst(%arg9 : memref<3x64xi32, #tpu.memory_space<vmem>>)
          tpu.yield
        }) : () -> ()
        %dma_start3A_154 = arith.constant 0 : i32
        %dma_start3A_155 = arith.constant 0 : i32
        %dma_start3A_156 = tpu.memref_slice %arg9[%dma_start3A_154, %dma_start3A_155] : memref<3x64xi32, #tpu.memory_space<vmem>> -> memref<1x64xi32, #tpu.memory_space<vmem>>
        %dma_start3A_157 = tpu.memref_squeeze %dma_start3A_156 : memref<1x64xi32, #tpu.memory_space<vmem>> -> memref<64xi32, #tpu.memory_space<vmem>>
        %dma_start3A_158 = arith.constant 0 : i32
        %dma_start3A_159 = arith.constant 0 : i32
        %dma_start3A_160 = tpu.memref_slice %arg3[%dma_start3A_158, %dma_start3A_159] : memref<20480x128xf32, #tpu.memory_space<hbm>> -> memref<20480x128xf32, #tpu.memory_space<hbm>>
        tpu.enqueue_indirect_dma source(%dma_start3A_160 : memref<20480x128xf32, #tpu.memory_space<hbm>>) target(%arg11 : memref<64x128xf32, #tpu.memory_space<vmem>>) offsets(%dma_start3A_157 : memref<64xi32, #tpu.memory_space<vmem>>) semaphore(%arg17 : memref<!tpu.dma_semaphore, #tpu.memory_space<semaphore_mem>>)
        %dma_start3A_161 = arith.constant 1 : i32
        %dma_start3A_162 = arith.constant 0 : i32
        %dma_start3A_163 = tpu.memref_slice %arg9[%dma_start3A_161, %dma_start3A_162] : memref<3x64xi32, #tpu.memory_space<vmem>> -> memref<1x64xi32, #tpu.memory_space<vmem>>
        %dma_start3A_164 = tpu.memref_squeeze %dma_start3A_163 : memref<1x64xi32, #tpu.memory_space<vmem>> -> memref<64xi32, #tpu.memory_space<vmem>>
        %dma_start3A_165 = arith.constant 0 : i32
        %dma_start3A_166 = arith.constant 0 : i32
        %dma_start3A_167 = tpu.memref_slice %arg7[%dma_start3A_165, %dma_start3A_166] : memref<208x128xf32, #tpu.memory_space<vmem_shared>> -> memref<208x128xf32, #tpu.memory_space<vmem_shared>>
        tpu.enqueue_indirect_dma source(%dma_start3A_167 : memref<208x128xf32, #tpu.memory_space<vmem_shared>>) target(%arg13 : memref<64x128xf32, #tpu.memory_space<vmem>>) offsets(%dma_start3A_164 : memref<64xi32, #tpu.memory_space<vmem>>) semaphore(%arg19 : memref<!tpu.dma_semaphore, #tpu.memory_space<semaphore_mem>>)
      } else {
      }
      %eq3A_107 = arith.constant 0 : i32
      %eq3A_108 = arith.cmpi eq, %arg0, %eq3A_107 : i32
      %convert_element_type3A_109 = arith.extui %eq3A_108 : i1 to i32
      %cond3A_110 = arith.constant 0 : i32
      %cond3A_111 = arith.cmpi ne, %convert_element_type3A_109, %cond3A_110 : i32
      scf.if %cond3A_111 {
        %scan3A_151 = arith.constant 0 : i32
        %scan3A_152 = arith.constant 64 : i32
        %scan3A_153 = arith.addi %scan3A_151, %scan3A_152 : i32
        %scan3A_154 = arith.constant 1 : i32
        scf.for %scan3A_156 = %scan3A_151 to %scan3A_153 step %scan3A_154  : i32 {
          %mul3A_157 = arith.constant 1 : i32
          %mul3A_158 = arith.muli %scan3A_156, %mul3A_157 : i32
          %add3A_159 = arith.constant 0 : i32
          %add3A_160 = arith.addi %add3A_159, %mul3A_158 : i32
          %get3A = arith.index_cast %add3A_160 : i32 to index
          %get3A_161 = arith.constant 0 : index
          %get3A_162 = tpu.vector_load %arg10[%get3A, %get3A_161] {strides = array<i32>} : memref<64x128xf32, #tpu.memory_space<vmem>>, vector<1x16xf32>,
          %get3A_163 = vector.shape_cast %get3A_162 : vector<1x16xf32> to vector<16xf32>
          %get3A_164 = arith.index_cast %add3A_160 : i32 to index
          %get3A_165 = arith.constant 0 : index
          %get3A_166 = tpu.vector_load %arg12[%get3A_164, %get3A_165] {strides = array<i32>} : memref<64x128xf32, #tpu.memory_space<vmem>>, vector<1x16xf32>,
          %get3A_167 = vector.shape_cast %get3A_166 : vector<1x16xf32> to vector<16xf32>
          %get3A_168 = arith.index_cast %add3A_160 : i32 to index
          %get3A_169 = arith.constant 64 : index
          %get3A_170 = tpu.vector_load %arg12[%get3A_168, %get3A_169] {strides = array<i32>} : memref<64x128xf32, #tpu.memory_space<vmem>>, vector<1x16xf32>,
          %get3A_171 = vector.shape_cast %get3A_170 : vector<1x16xf32> to vector<16xf32>
          %mul3A_172 = arith.mulf %get3A_163, %get3A_167 : vector<16xf32>
          %swap3A = arith.index_cast %add3A_160 : i32 to index
          %swap3A_173 = arith.constant 0 : index
          %swap3A_174 = tpu.vector_load %arg14[%swap3A, %swap3A_173] {strides = array<i32>} : memref<64x128xf32, #tpu.memory_space<vmem>>, vector<1x16xf32>,
          %swap3A_175 = vector.shape_cast %swap3A_174 : vector<1x16xf32> to vector<16xf32>
          %swap3A_176 = vector.shape_cast %mul3A_172 : vector<16xf32> to vector<1x16xf32>
          tpu.vector_store %arg14[%swap3A, %swap3A_173], %swap3A_176 {strides = array<i32>} : memref<64x128xf32, #tpu.memory_space<vmem>>, vector<1x16xf32>,
          %mul3A_177 = arith.mulf %get3A_163, %get3A_171 : vector<16xf32>
          %swap3A_178 = arith.index_cast %add3A_160 : i32 to index
          %swap3A_179 = arith.constant 64 : index
          %swap3A_180 = tpu.vector_load %arg14[%swap3A_178, %swap3A_179] {strides = array<i32>} : memref<64x128xf32, #tpu.memory_space<vmem>>, vector<1x16xf32>,
          %swap3A_181 = vector.shape_cast %swap3A_180 : vector<1x16xf32> to vector<16xf32>
          %swap3A_182 = vector.shape_cast %mul3A_177 : vector<16xf32> to vector<1x16xf32>
          tpu.vector_store %arg14[%swap3A_178, %swap3A_179], %swap3A_182 {strides = array<i32>} : memref<64x128xf32, #tpu.memory_space<vmem>>, vector<1x16xf32>,
          %get3A_183 = arith.index_cast %add3A_160 : i32 to index
          %get3A_184 = arith.constant 16 : index
          %get3A_185 = tpu.vector_load %arg10[%get3A_183, %get3A_184] {strides = array<i32>} : memref<64x128xf32, #tpu.memory_space<vmem>>, vector<1x16xf32>,
          %get3A_186 = vector.shape_cast %get3A_185 : vector<1x16xf32> to vector<16xf32>
          %get3A_187 = arith.index_cast %add3A_160 : i32 to index
          %get3A_188 = arith.constant 16 : index
          %get3A_189 = tpu.vector_load %arg12[%get3A_187, %get3A_188] {strides = array<i32>} : memref<64x128xf32, #tpu.memory_space<vmem>>, vector<1x16xf32>,
          %get3A_190 = vector.shape_cast %get3A_189 : vector<1x16xf32> to vector<16xf32>
          %get3A_191 = arith.index_cast %add3A_160 : i32 to index
          %get3A_192 = arith.constant 80 : index
          %get3A_193 = tpu.vector_load %arg12[%get3A_191, %get3A_192] {strides = array<i32>} : memref<64x128xf32, #tpu.memory_space<vmem>>, vector<1x16xf32>,
          %get3A_194 = vector.shape_cast %get3A_193 : vector<1x16xf32> to vector<16xf32>
          %mul3A_195 = arith.mulf %get3A_186, %get3A_190 : vector<16xf32>
          %swap3A_196 = arith.index_cast %add3A_160 : i32 to index
          %swap3A_197 = arith.constant 16 : index
          %swap3A_198 = tpu.vector_load %arg14[%swap3A_196, %swap3A_197] {strides = array<i32>} : memref<64x128xf32, #tpu.memory_space<vmem>>, vector<1x16xf32>,
          %swap3A_199 = vector.shape_cast %swap3A_198 : vector<1x16xf32> to vector<16xf32>
          %swap3A_200 = vector.shape_cast %mul3A_195 : vector<16xf32> to vector<1x16xf32>
          tpu.vector_store %arg14[%swap3A_196, %swap3A_197], %swap3A_200 {strides = array<i32>} : memref<64x128xf32, #tpu.memory_space<vmem>>, vector<1x16xf32>,
          %mul3A_201 = arith.mulf %get3A_186, %get3A_194 : vector<16xf32>
          %swap3A_202 = arith.index_cast %add3A_160 : i32 to index
          %swap3A_203 = arith.constant 80 : index
          %swap3A_204 = tpu.vector_load %arg14[%swap3A_202, %swap3A_203] {strides = array<i32>} : memref<64x128xf32, #tpu.memory_space<vmem>>, vector<1x16xf32>,
          %swap3A_205 = vector.shape_cast %swap3A_204 : vector<1x16xf32> to vector<16xf32>
          %swap3A_206 = vector.shape_cast %mul3A_201 : vector<16xf32> to vector<1x16xf32>
          tpu.vector_store %arg14[%swap3A_202, %swap3A_203], %swap3A_206 {strides = array<i32>} : memref<64x128xf32, #tpu.memory_space<vmem>>, vector<1x16xf32>,
          %get3A_207 = arith.index_cast %add3A_160 : i32 to index
          %get3A_208 = arith.constant 32 : index
          %get3A_209 = tpu.vector_load %arg10[%get3A_207, %get3A_208] {strides = array<i32>} : memref<64x128xf32, #tpu.memory_space<vmem>>, vector<1x16xf32>,
          %get3A_210 = vector.shape_cast %get3A_209 : vector<1x16xf32> to vector<16xf32>
          %get3A_211 = arith.index_cast %add3A_160 : i32 to index
          %get3A_212 = arith.constant 32 : index
          %get3A_213 = tpu.vector_load %arg12[%get3A_211, %get3A_212] {strides = array<i32>} : memref<64x128xf32, #tpu.memory_space<vmem>>, vector<1x16xf32>,
          %get3A_214 = vector.shape_cast %get3A_213 : vector<1x16xf32> to vector<16xf32>
          %get3A_215 = arith.index_cast %add3A_160 : i32 to index
          %get3A_216 = arith.constant 96 : index
          %get3A_217 = tpu.vector_load %arg12[%get3A_215, %get3A_216] {strides = array<i32>} : memref<64x128xf32, #tpu.memory_space<vmem>>, vector<1x16xf32>,
          %get3A_218 = vector.shape_cast %get3A_217 : vector<1x16xf32> to vector<16xf32>
          %mul3A_219 = arith.mulf %get3A_210, %get3A_214 : vector<16xf32>
          %swap3A_220 = arith.index_cast %add3A_160 : i32 to index
          %swap3A_221 = arith.constant 32 : index
          %swap3A_222 = tpu.vector_load %arg14[%swap3A_220, %swap3A_221] {strides = array<i32>} : memref<64x128xf32, #tpu.memory_space<vmem>>, vector<1x16xf32>,
          %swap3A_223 = vector.shape_cast %swap3A_222 : vector<1x16xf32> to vector<16xf32>
          %swap3A_224 = vector.shape_cast %mul3A_219 : vector<16xf32> to vector<1x16xf32>
          tpu.vector_store %arg14[%swap3A_220, %swap3A_221], %swap3A_224 {strides = array<i32>} : memref<64x128xf32, #tpu.memory_space<vmem>>, vector<1x16xf32>,
          %mul3A_225 = arith.mulf %get3A_210, %get3A_218 : vector<16xf32>
          %swap3A_226 = arith.index_cast %add3A_160 : i32 to index
          %swap3A_227 = arith.constant 96 : index
          %swap3A_228 = tpu.vector_load %arg14[%swap3A_226, %swap3A_227] {strides = array<i32>} : memref<64x128xf32, #tpu.memory_space<vmem>>, vector<1x16xf32>,
          %swap3A_229 = vector.shape_cast %swap3A_228 : vector<1x16xf32> to vector<16xf32>
          %swap3A_230 = vector.shape_cast %mul3A_225 : vector<16xf32> to vector<1x16xf32>
          tpu.vector_store %arg14[%swap3A_226, %swap3A_227], %swap3A_230 {strides = array<i32>} : memref<64x128xf32, #tpu.memory_space<vmem>>, vector<1x16xf32>,
          %get3A_231 = arith.index_cast %add3A_160 : i32 to index
          %get3A_232 = arith.constant 48 : index
          %get3A_233 = tpu.vector_load %arg10[%get3A_231, %get3A_232] {strides = array<i32>} : memref<64x128xf32, #tpu.memory_space<vmem>>, vector<1x16xf32>,
          %get3A_234 = vector.shape_cast %get3A_233 : vector<1x16xf32> to vector<16xf32>
          %get3A_235 = arith.index_cast %add3A_160 : i32 to index
          %get3A_236 = arith.constant 48 : index
          %get3A_237 = tpu.vector_load %arg12[%get3A_235, %get3A_236] {strides = array<i32>} : memref<64x128xf32, #tpu.memory_space<vmem>>, vector<1x16xf32>,
          %get3A_238 = vector.shape_cast %get3A_237 : vector<1x16xf32> to vector<16xf32>
          %get3A_239 = arith.index_cast %add3A_160 : i32 to index
          %get3A_240 = arith.constant 112 : index
          %get3A_241 = tpu.vector_load %arg12[%get3A_239, %get3A_240] {strides = array<i32>} : memref<64x128xf32, #tpu.memory_space<vmem>>, vector<1x16xf32>,
          %get3A_242 = vector.shape_cast %get3A_241 : vector<1x16xf32> to vector<16xf32>
          %mul3A_243 = arith.mulf %get3A_234, %get3A_238 : vector<16xf32>
          %swap3A_244 = arith.index_cast %add3A_160 : i32 to index
          %swap3A_245 = arith.constant 48 : index
          %swap3A_246 = tpu.vector_load %arg14[%swap3A_244, %swap3A_245] {strides = array<i32>} : memref<64x128xf32, #tpu.memory_space<vmem>>, vector<1x16xf32>,
          %swap3A_247 = vector.shape_cast %swap3A_246 : vector<1x16xf32> to vector<16xf32>
          %swap3A_248 = vector.shape_cast %mul3A_243 : vector<16xf32> to vector<1x16xf32>
          tpu.vector_store %arg14[%swap3A_244, %swap3A_245], %swap3A_248 {strides = array<i32>} : memref<64x128xf32, #tpu.memory_space<vmem>>, vector<1x16xf32>,
          %mul3A_249 = arith.mulf %get3A_234, %get3A_242 : vector<16xf32>
          %swap3A_250 = arith.index_cast %add3A_160 : i32 to index
          %swap3A_251 = arith.constant 112 : index
          %swap3A_252 = tpu.vector_load %arg14[%swap3A_250, %swap3A_251] {strides = array<i32>} : memref<64x128xf32, #tpu.memory_space<vmem>>, vector<1x16xf32>,
          %swap3A_253 = vector.shape_cast %swap3A_252 : vector<1x16xf32> to vector<16xf32>
          %swap3A_254 = vector.shape_cast %mul3A_249 : vector<16xf32> to vector<1x16xf32>
          tpu.vector_store %arg14[%swap3A_250, %swap3A_251], %swap3A_254 {strides = array<i32>} : memref<64x128xf32, #tpu.memory_space<vmem>>, vector<1x16xf32>,
        }
        %scan3A_155 = arith.constant 64 : i32
      } else {
      }
      %eq3A_112 = arith.constant 1 : i32
      %eq3A_113 = arith.cmpi eq, %arg0, %eq3A_112 : i32
      %convert_element_type3A_114 = arith.extui %eq3A_113 : i1 to i32
      %cond3A_115 = arith.constant 0 : i32
      %cond3A_116 = arith.cmpi ne, %convert_element_type3A_114, %cond3A_115 : i32
      scf.if %cond3A_116 {
        %scan3A_151 = arith.constant 0 : i32
        %scan3A_152 = arith.constant 64 : i32
        %scan3A_153 = arith.addi %scan3A_151, %scan3A_152 : i32
        %scan3A_154 = arith.constant 1 : i32
        scf.for %scan3A_156 = %scan3A_151 to %scan3A_153 step %scan3A_154  : i32 {
          %mul3A_157 = arith.constant 1 : i32
          %mul3A_158 = arith.muli %scan3A_156, %mul3A_157 : i32
          %add3A_159 = arith.constant 0 : i32
          %add3A_160 = arith.addi %add3A_159, %mul3A_158 : i32
          %get3A = arith.index_cast %add3A_160 : i32 to index
          %get3A_161 = arith.constant 64 : index
          %get3A_162 = tpu.vector_load %arg10[%get3A, %get3A_161] {strides = array<i32>} : memref<64x128xf32, #tpu.memory_space<vmem>>, vector<1x16xf32>,
          %get3A_163 = vector.shape_cast %get3A_162 : vector<1x16xf32> to vector<16xf32>
          %get3A_164 = arith.index_cast %add3A_160 : i32 to index
          %get3A_165 = arith.constant 0 : index
          %get3A_166 = tpu.vector_load %arg12[%get3A_164, %get3A_165] {strides = array<i32>} : memref<64x128xf32, #tpu.memory_space<vmem>>, vector<1x16xf32>,
          %get3A_167 = vector.shape_cast %get3A_166 : vector<1x16xf32> to vector<16xf32>
          %get3A_168 = arith.index_cast %add3A_160 : i32 to index
          %get3A_169 = arith.constant 64 : index
          %get3A_170 = tpu.vector_load %arg12[%get3A_168, %get3A_169] {strides = array<i32>} : memref<64x128xf32, #tpu.memory_space<vmem>>, vector<1x16xf32>,
          %get3A_171 = vector.shape_cast %get3A_170 : vector<1x16xf32> to vector<16xf32>
          %mul3A_172 = arith.mulf %get3A_163, %get3A_167 : vector<16xf32>
          %swap3A = arith.index_cast %add3A_160 : i32 to index
          %swap3A_173 = arith.constant 0 : index
          %swap3A_174 = tpu.vector_load %arg14[%swap3A, %swap3A_173] {strides = array<i32>} : memref<64x128xf32, #tpu.memory_space<vmem>>, vector<1x16xf32>,
          %swap3A_175 = vector.shape_cast %swap3A_174 : vector<1x16xf32> to vector<16xf32>
          %swap3A_176 = vector.shape_cast %mul3A_172 : vector<16xf32> to vector<1x16xf32>
          tpu.vector_store %arg14[%swap3A, %swap3A_173], %swap3A_176 {strides = array<i32>} : memref<64x128xf32, #tpu.memory_space<vmem>>, vector<1x16xf32>,
          %mul3A_177 = arith.mulf %get3A_163, %get3A_171 : vector<16xf32>
          %swap3A_178 = arith.index_cast %add3A_160 : i32 to index
          %swap3A_179 = arith.constant 64 : index
          %swap3A_180 = tpu.vector_load %arg14[%swap3A_178, %swap3A_179] {strides = array<i32>} : memref<64x128xf32, #tpu.memory_space<vmem>>, vector<1x16xf32>,
          %swap3A_181 = vector.shape_cast %swap3A_180 : vector<1x16xf32> to vector<16xf32>
          %swap3A_182 = vector.shape_cast %mul3A_177 : vector<16xf32> to vector<1x16xf32>
          tpu.vector_store %arg14[%swap3A_178, %swap3A_179], %swap3A_182 {strides = array<i32>} : memref<64x128xf32, #tpu.memory_space<vmem>>, vector<1x16xf32>,
          %get3A_183 = arith.index_cast %add3A_160 : i32 to index
          %get3A_184 = arith.constant 80 : index
          %get3A_185 = tpu.vector_load %arg10[%get3A_183, %get3A_184] {strides = array<i32>} : memref<64x128xf32, #tpu.memory_space<vmem>>, vector<1x16xf32>,
          %get3A_186 = vector.shape_cast %get3A_185 : vector<1x16xf32> to vector<16xf32>
          %get3A_187 = arith.index_cast %add3A_160 : i32 to index
          %get3A_188 = arith.constant 16 : index
          %get3A_189 = tpu.vector_load %arg12[%get3A_187, %get3A_188] {strides = array<i32>} : memref<64x128xf32, #tpu.memory_space<vmem>>, vector<1x16xf32>,
          %get3A_190 = vector.shape_cast %get3A_189 : vector<1x16xf32> to vector<16xf32>
          %get3A_191 = arith.index_cast %add3A_160 : i32 to index
          %get3A_192 = arith.constant 80 : index
          %get3A_193 = tpu.vector_load %arg12[%get3A_191, %get3A_192] {strides = array<i32>} : memref<64x128xf32, #tpu.memory_space<vmem>>, vector<1x16xf32>,
          %get3A_194 = vector.shape_cast %get3A_193 : vector<1x16xf32> to vector<16xf32>
          %mul3A_195 = arith.mulf %get3A_186, %get3A_190 : vector<16xf32>
          %swap3A_196 = arith.index_cast %add3A_160 : i32 to index
          %swap3A_197 = arith.constant 16 : index
          %swap3A_198 = tpu.vector_load %arg14[%swap3A_196, %swap3A_197] {strides = array<i32>} : memref<64x128xf32, #tpu.memory_space<vmem>>, vector<1x16xf32>,
          %swap3A_199 = vector.shape_cast %swap3A_198 : vector<1x16xf32> to vector<16xf32>
          %swap3A_200 = vector.shape_cast %mul3A_195 : vector<16xf32> to vector<1x16xf32>
          tpu.vector_store %arg14[%swap3A_196, %swap3A_197], %swap3A_200 {strides = array<i32>} : memref<64x128xf32, #tpu.memory_space<vmem>>, vector<1x16xf32>,
          %mul3A_201 = arith.mulf %get3A_186, %get3A_194 : vector<16xf32>
          %swap3A_202 = arith.index_cast %add3A_160 : i32 to index
          %swap3A_203 = arith.constant 80 : index
          %swap3A_204 = tpu.vector_load %arg14[%swap3A_202, %swap3A_203] {strides = array<i32>} : memref<64x128xf32, #tpu.memory_space<vmem>>, vector<1x16xf32>,
          %swap3A_205 = vector.shape_cast %swap3A_204 : vector<1x16xf32> to vector<16xf32>
          %swap3A_206 = vector.shape_cast %mul3A_201 : vector<16xf32> to vector<1x16xf32>
          tpu.vector_store %arg14[%swap3A_202, %swap3A_203], %swap3A_206 {strides = array<i32>} : memref<64x128xf32, #tpu.memory_space<vmem>>, vector<1x16xf32>,
          %get3A_207 = arith.index_cast %add3A_160 : i32 to index
          %get3A_208 = arith.constant 96 : index
          %get3A_209 = tpu.vector_load %arg10[%get3A_207, %get3A_208] {strides = array<i32>} : memref<64x128xf32, #tpu.memory_space<vmem>>, vector<1x16xf32>,
          %get3A_210 = vector.shape_cast %get3A_209 : vector<1x16xf32> to vector<16xf32>
          %get3A_211 = arith.index_cast %add3A_160 : i32 to index
          %get3A_212 = arith.constant 32 : index
          %get3A_213 = tpu.vector_load %arg12[%get3A_211, %get3A_212] {strides = array<i32>} : memref<64x128xf32, #tpu.memory_space<vmem>>, vector<1x16xf32>,
          %get3A_214 = vector.shape_cast %get3A_213 : vector<1x16xf32> to vector<16xf32>
          %get3A_215 = arith.index_cast %add3A_160 : i32 to index
          %get3A_216 = arith.constant 96 : index
          %get3A_217 = tpu.vector_load %arg12[%get3A_215, %get3A_216] {strides = array<i32>} : memref<64x128xf32, #tpu.memory_space<vmem>>, vector<1x16xf32>,
          %get3A_218 = vector.shape_cast %get3A_217 : vector<1x16xf32> to vector<16xf32>
          %mul3A_219 = arith.mulf %get3A_210, %get3A_214 : vector<16xf32>
          %swap3A_220 = arith.index_cast %add3A_160 : i32 to index
          %swap3A_221 = arith.constant 32 : index
          %swap3A_222 = tpu.vector_load %arg14[%swap3A_220, %swap3A_221] {strides = array<i32>} : memref<64x128xf32, #tpu.memory_space<vmem>>, vector<1x16xf32>,
          %swap3A_223 = vector.shape_cast %swap3A_222 : vector<1x16xf32> to vector<16xf32>
          %swap3A_224 = vector.shape_cast %mul3A_219 : vector<16xf32> to vector<1x16xf32>
          tpu.vector_store %arg14[%swap3A_220, %swap3A_221], %swap3A_224 {strides = array<i32>} : memref<64x128xf32, #tpu.memory_space<vmem>>, vector<1x16xf32>,
          %mul3A_225 = arith.mulf %get3A_210, %get3A_218 : vector<16xf32>
          %swap3A_226 = arith.index_cast %add3A_160 : i32 to index
          %swap3A_227 = arith.constant 96 : index
          %swap3A_228 = tpu.vector_load %arg14[%swap3A_226, %swap3A_227] {strides = array<i32>} : memref<64x128xf32, #tpu.memory_space<vmem>>, vector<1x16xf32>,
          %swap3A_229 = vector.shape_cast %swap3A_228 : vector<1x16xf32> to vector<16xf32>
          %swap3A_230 = vector.shape_cast %mul3A_225 : vector<16xf32> to vector<1x16xf32>
          tpu.vector_store %arg14[%swap3A_226, %swap3A_227], %swap3A_230 {strides = array<i32>} : memref<64x128xf32, #tpu.memory_space<vmem>>, vector<1x16xf32>,
          %get3A_231 = arith.index_cast %add3A_160 : i32 to index
          %get3A_232 = arith.constant 112 : index
          %get3A_233 = tpu.vector_load %arg10[%get3A_231, %get3A_232] {strides = array<i32>} : memref<64x128xf32, #tpu.memory_space<vmem>>, vector<1x16xf32>,
          %get3A_234 = vector.shape_cast %get3A_233 : vector<1x16xf32> to vector<16xf32>
          %get3A_235 = arith.index_cast %add3A_160 : i32 to index
          %get3A_236 = arith.constant 48 : index
          %get3A_237 = tpu.vector_load %arg12[%get3A_235, %get3A_236] {strides = array<i32>} : memref<64x128xf32, #tpu.memory_space<vmem>>, vector<1x16xf32>,
          %get3A_238 = vector.shape_cast %get3A_237 : vector<1x16xf32> to vector<16xf32>
          %get3A_239 = arith.index_cast %add3A_160 : i32 to index
          %get3A_240 = arith.constant 112 : index
          %get3A_241 = tpu.vector_load %arg12[%get3A_239, %get3A_240] {strides = array<i32>} : memref<64x128xf32, #tpu.memory_space<vmem>>, vector<1x16xf32>,
          %get3A_242 = vector.shape_cast %get3A_241 : vector<1x16xf32> to vector<16xf32>
          %mul3A_243 = arith.mulf %get3A_234, %get3A_238 : vector<16xf32>
          %swap3A_244 = arith.index_cast %add3A_160 : i32 to index
          %swap3A_245 = arith.constant 48 : index
          %swap3A_246 = tpu.vector_load %arg14[%swap3A_244, %swap3A_245] {strides = array<i32>} : memref<64x128xf32, #tpu.memory_space<vmem>>, vector<1x16xf32>,
          %swap3A_247 = vector.shape_cast %swap3A_246 : vector<1x16xf32> to vector<16xf32>
          %swap3A_248 = vector.shape_cast %mul3A_243 : vector<16xf32> to vector<1x16xf32>
          tpu.vector_store %arg14[%swap3A_244, %swap3A_245], %swap3A_248 {strides = array<i32>} : memref<64x128xf32, #tpu.memory_space<vmem>>, vector<1x16xf32>,
          %mul3A_249 = arith.mulf %get3A_234, %get3A_242 : vector<16xf32>
          %swap3A_250 = arith.index_cast %add3A_160 : i32 to index
          %swap3A_251 = arith.constant 112 : index
          %swap3A_252 = tpu.vector_load %arg14[%swap3A_250, %swap3A_251] {strides = array<i32>} : memref<64x128xf32, #tpu.memory_space<vmem>>, vector<1x16xf32>,
          %swap3A_253 = vector.shape_cast %swap3A_252 : vector<1x16xf32> to vector<16xf32>
          %swap3A_254 = vector.shape_cast %mul3A_249 : vector<16xf32> to vector<1x16xf32>
          tpu.vector_store %arg14[%swap3A_250, %swap3A_251], %swap3A_254 {strides = array<i32>} : memref<64x128xf32, #tpu.memory_space<vmem>>, vector<1x16xf32>,
        }
        %scan3A_155 = arith.constant 64 : i32
      } else {
      }
      %run_scoped3A = arith.constant 2 : i32
      "tpu.region"() ({
        %run_scoped3A_151 = tpu.sem_alloc : memref<!tpu.dma_semaphore, #tpu.memory_space<semaphore_mem>>
        %dma_start3A_152 = arith.constant 0 : i32
        %dma_start3A_153 = tpu.memref_slice %arg8[%run_scoped3A, %dma_start3A_152] : memref<3x64xi32, #tpu.memory_space<vmem>> -> memref<1x64xi32, #tpu.memory_space<vmem>>
        %dma_start3A_154 = tpu.memref_squeeze %dma_start3A_153 : memref<1x64xi32, #tpu.memory_space<vmem>> -> memref<64xi32, #tpu.memory_space<vmem>>
        %dma_start3A_155 = arith.constant 0 : i32
        %dma_start3A_156 = arith.constant 0 : i32
        %dma_start3A_157 = tpu.memref_slice %arg6[%dma_start3A_155, %dma_start3A_156] : memref<10240x128xf32, #tpu.memory_space<vmem_shared>> -> memref<10240x128xf32, #tpu.memory_space<vmem_shared>>
        tpu.enqueue_indirect_dma source(%arg14 : memref<64x128xf32, #tpu.memory_space<vmem>>) target(%dma_start3A_157 : memref<10240x128xf32, #tpu.memory_space<vmem_shared>>) offsets(%dma_start3A_154 : memref<64xi32, #tpu.memory_space<vmem>>) semaphore(%run_scoped3A_151 : memref<!tpu.dma_semaphore, #tpu.memory_space<semaphore_mem>>) {add = true}
        %dma_wait3A_158 = arith.constant 0 : i32
        %dma_wait3A_159 = tpu.memref_slice %arg8[%run_scoped3A, %dma_wait3A_158] : memref<3x64xi32, #tpu.memory_space<vmem>> -> memref<1x64xi32, #tpu.memory_space<vmem>>
        %dma_wait3A_160 = tpu.memref_squeeze %dma_wait3A_159 : memref<1x64xi32, #tpu.memory_space<vmem>> -> memref<64xi32, #tpu.memory_space<vmem>>
        %dma_wait3A_161 = arith.constant 0 : i32
        %dma_wait3A_162 = arith.constant 0 : i32
        %dma_wait3A_163 = tpu.memref_slice %arg6[%dma_wait3A_161, %dma_wait3A_162] : memref<10240x128xf32, #tpu.memory_space<vmem_shared>> -> memref<10240x128xf32, #tpu.memory_space<vmem_shared>>
        tpu.wait_indirect_dma semaphore(%run_scoped3A_151 : memref<!tpu.dma_semaphore, #tpu.memory_space<semaphore_mem>>) src(%arg14 : memref<64x128xf32, #tpu.memory_space<vmem>>) dst(%dma_wait3A_163 : memref<10240x128xf32, #tpu.memory_space<vmem_shared>>)
        tpu.yield
      }) : () -> ()
      %mul3A_117 = arith.constant 2 : i32
      %mul3A_118 = arith.muli %mul3A_117, %add3A_85 : i32
      %add3A_119 = arith.constant 1 : i32
      %add3A_120 = arith.addi %mul3A_118, %add3A_119 : i32
      %dma_wait3A_121 = arith.constant 0 : i32
      %dma_wait3A_122 = arith.constant 0 : i32
      %dma_wait3A_123 = tpu.memref_slice %arg3[%dma_wait3A_121, %dma_wait3A_122] : memref<20480x128xf32, #tpu.memory_space<hbm>> -> memref<64x128xf32, #tpu.memory_space<hbm>>
      %dma_wait3A_124 = arith.constant 0 : i32
      %dma_wait3A_125 = arith.constant 0 : i32
      %dma_wait3A_126 = tpu.memref_slice %arg3[%dma_wait3A_124, %dma_wait3A_125] : memref<20480x128xf32, #tpu.memory_space<hbm>> -> memref<64x128xf32, #tpu.memory_space<hbm>>
      tpu.wait_dma2 semaphore(%arg17 : memref<!tpu.dma_semaphore, #tpu.memory_space<semaphore_mem>>) src(%dma_wait3A_126 : memref<64x128xf32, #tpu.memory_space<hbm>>) dst(%arg11 : memref<64x128xf32, #tpu.memory_space<vmem>>)
      %dma_wait3A_127 = arith.constant 0 : i32
      %dma_wait3A_128 = arith.constant 0 : i32
      %dma_wait3A_129 = tpu.memref_slice %arg3[%dma_wait3A_127, %dma_wait3A_128] : memref<20480x128xf32, #tpu.memory_space<hbm>> -> memref<64x128xf32, #tpu.memory_space<hbm>>
      %dma_wait3A_130 = arith.constant 0 : i32
      %dma_wait3A_131 = arith.constant 0 : i32
      %dma_wait3A_132 = tpu.memref_slice %arg3[%dma_wait3A_130, %dma_wait3A_131] : memref<20480x128xf32, #tpu.memory_space<hbm>> -> memref<64x128xf32, #tpu.memory_space<hbm>>
      tpu.wait_dma2 semaphore(%arg19 : memref<!tpu.dma_semaphore, #tpu.memory_space<semaphore_mem>>) src(%dma_wait3A_132 : memref<64x128xf32, #tpu.memory_space<hbm>>) dst(%arg13 : memref<64x128xf32, #tpu.memory_space<vmem>>)
      %add3A_133 = arith.constant 1 : i32
      %add3A_134 = arith.addi %add3A_120, %add3A_133 : i32
      %lt3A_135 = arith.constant 158 : i32
      %lt3A_136 = arith.cmpi slt, %add3A_134, %lt3A_135 : i32
      %convert_element_type3A_137 = arith.extui %lt3A_136 : i1 to i32
      %cond3A_138 = arith.constant 0 : i32
      %cond3A_139 = arith.cmpi ne, %convert_element_type3A_137, %cond3A_138 : i32
      scf.if %cond3A_139 {
        %add3A_151 = arith.addi %mul3A_13, %add3A_120 : i32
        %add3A_152 = arith.constant 1 : i32
        %add3A_153 = arith.addi %add3A_151, %add3A_152 : i32
        "tpu.region"() ({
          %run_scoped3A_168 = tpu.sem_alloc : memref<!tpu.dma_semaphore, #tpu.memory_space<semaphore_mem>>
          %dma_start3A_169 = arith.constant 0 : i32
          %dma_start3A_170 = arith.constant 0 : i32
          %dma_start3A_171 = tpu.memref_slice %arg2[%add3A_153, %dma_start3A_169, %dma_start3A_170] : memref<5056x3x64xi32, #tpu.memory_space<hbm>> -> memref<1x3x64xi32, #tpu.memory_space<hbm>>
          %dma_start3A_172 = tpu.memref_squeeze %dma_start3A_171 : memref<1x3x64xi32, #tpu.memory_space<hbm>> -> memref<3x64xi32, #tpu.memory_space<hbm>>
          %dma_start3A_173 = arith.constant 0 : i32
          %dma_start3A_174 = arith.constant 0 : i32
          %dma_start3A_175 = tpu.memref_slice %arg2[%add3A_153, %dma_start3A_173, %dma_start3A_174] : memref<5056x3x64xi32, #tpu.memory_space<hbm>> -> memref<1x3x64xi32, #tpu.memory_space<hbm>>
          %dma_start3A_176 = tpu.memref_squeeze %dma_start3A_175 : memref<1x3x64xi32, #tpu.memory_space<hbm>> -> memref<3x64xi32, #tpu.memory_space<hbm>>
          tpu.enqueue_dma source(%dma_start3A_176 : memref<3x64xi32, #tpu.memory_space<hbm>>) target(%arg8 : memref<3x64xi32, #tpu.memory_space<vmem>>) target_semaphore(%run_scoped3A_168 : memref<!tpu.dma_semaphore, #tpu.memory_space<semaphore_mem>>)
          %dma_wait3A_177 = arith.constant 0 : i32
          %dma_wait3A_178 = arith.constant 0 : i32
          %dma_wait3A_179 = tpu.memref_slice %arg2[%add3A_153, %dma_wait3A_177, %dma_wait3A_178] : memref<5056x3x64xi32, #tpu.memory_space<hbm>> -> memref<1x3x64xi32, #tpu.memory_space<hbm>>
          %dma_wait3A_180 = tpu.memref_squeeze %dma_wait3A_179 : memref<1x3x64xi32, #tpu.memory_space<hbm>> -> memref<3x64xi32, #tpu.memory_space<hbm>>
          %dma_wait3A_181 = arith.constant 0 : i32
          %dma_wait3A_182 = arith.constant 0 : i32
          %dma_wait3A_183 = tpu.memref_slice %arg2[%add3A_153, %dma_wait3A_181, %dma_wait3A_182] : memref<5056x3x64xi32, #tpu.memory_space<hbm>> -> memref<1x3x64xi32, #tpu.memory_space<hbm>>
          %dma_wait3A_184 = tpu.memref_squeeze %dma_wait3A_183 : memref<1x3x64xi32, #tpu.memory_space<hbm>> -> memref<3x64xi32, #tpu.memory_space<hbm>>
          tpu.wait_dma2 semaphore(%run_scoped3A_168 : memref<!tpu.dma_semaphore, #tpu.memory_space<semaphore_mem>>) src(%dma_wait3A_184 : memref<3x64xi32, #tpu.memory_space<hbm>>) dst(%arg8 : memref<3x64xi32, #tpu.memory_space<vmem>>)
          tpu.yield
        }) : () -> ()
        %dma_start3A_154 = arith.constant 0 : i32
        %dma_start3A_155 = arith.constant 0 : i32
        %dma_start3A_156 = tpu.memref_slice %arg8[%dma_start3A_154, %dma_start3A_155] : memref<3x64xi32, #tpu.memory_space<vmem>> -> memref<1x64xi32, #tpu.memory_space<vmem>>
        %dma_start3A_157 = tpu.memref_squeeze %dma_start3A_156 : memref<1x64xi32, #tpu.memory_space<vmem>> -> memref<64xi32, #tpu.memory_space<vmem>>
        %dma_start3A_158 = arith.constant 0 : i32
        %dma_start3A_159 = arith.constant 0 : i32
        %dma_start3A_160 = tpu.memref_slice %arg3[%dma_start3A_158, %dma_start3A_159] : memref<20480x128xf32, #tpu.memory_space<hbm>> -> memref<20480x128xf32, #tpu.memory_space<hbm>>
        tpu.enqueue_indirect_dma source(%dma_start3A_160 : memref<20480x128xf32, #tpu.memory_space<hbm>>) target(%arg10 : memref<64x128xf32, #tpu.memory_space<vmem>>) offsets(%dma_start3A_157 : memref<64xi32, #tpu.memory_space<vmem>>) semaphore(%arg16 : memref<!tpu.dma_semaphore, #tpu.memory_space<semaphore_mem>>)
        %dma_start3A_161 = arith.constant 1 : i32
        %dma_start3A_162 = arith.constant 0 : i32
        %dma_start3A_163 = tpu.memref_slice %arg8[%dma_start3A_161, %dma_start3A_162] : memref<3x64xi32, #tpu.memory_space<vmem>> -> memref<1x64xi32, #tpu.memory_space<vmem>>
        %dma_start3A_164 = tpu.memref_squeeze %dma_start3A_163 : memref<1x64xi32, #tpu.memory_space<vmem>> -> memref<64xi32, #tpu.memory_space<vmem>>
        %dma_start3A_165 = arith.constant 0 : i32
        %dma_start3A_166 = arith.constant 0 : i32
        %dma_start3A_167 = tpu.memref_slice %arg7[%dma_start3A_165, %dma_start3A_166] : memref<208x128xf32, #tpu.memory_space<vmem_shared>> -> memref<208x128xf32, #tpu.memory_space<vmem_shared>>
        tpu.enqueue_indirect_dma source(%dma_start3A_167 : memref<208x128xf32, #tpu.memory_space<vmem_shared>>) target(%arg12 : memref<64x128xf32, #tpu.memory_space<vmem>>) offsets(%dma_start3A_164 : memref<64xi32, #tpu.memory_space<vmem>>) semaphore(%arg18 : memref<!tpu.dma_semaphore, #tpu.memory_space<semaphore_mem>>)
      } else {
      }
      %eq3A_140 = arith.constant 0 : i32
      %eq3A_141 = arith.cmpi eq, %arg0, %eq3A_140 : i32
      %convert_element_type3A_142 = arith.extui %eq3A_141 : i1 to i32
      %cond3A_143 = arith.constant 0 : i32
      %cond3A_144 = arith.cmpi ne, %convert_element_type3A_142, %cond3A_143 : i32
      scf.if %cond3A_144 {
        %scan3A_151 = arith.constant 0 : i32
        %scan3A_152 = arith.constant 64 : i32
        %scan3A_153 = arith.addi %scan3A_151, %scan3A_152 : i32
        %scan3A_154 = arith.constant 1 : i32
        scf.for %scan3A_156 = %scan3A_151 to %scan3A_153 step %scan3A_154  : i32 {
          %mul3A_157 = arith.constant 1 : i32
          %mul3A_158 = arith.muli %scan3A_156, %mul3A_157 : i32
          %add3A_159 = arith.constant 0 : i32
          %add3A_160 = arith.addi %add3A_159, %mul3A_158 : i32
          %get3A = arith.index_cast %add3A_160 : i32 to index
          %get3A_161 = arith.constant 0 : index
          %get3A_162 = tpu.vector_load %arg11[%get3A, %get3A_161] {strides = array<i32>} : memref<64x128xf32, #tpu.memory_space<vmem>>, vector<1x16xf32>,
          %get3A_163 = vector.shape_cast %get3A_162 : vector<1x16xf32> to vector<16xf32>
          %get3A_164 = arith.index_cast %add3A_160 : i32 to index
          %get3A_165 = arith.constant 0 : index
          %get3A_166 = tpu.vector_load %arg13[%get3A_164, %get3A_165] {strides = array<i32>} : memref<64x128xf32, #tpu.memory_space<vmem>>, vector<1x16xf32>,
          %get3A_167 = vector.shape_cast %get3A_166 : vector<1x16xf32> to vector<16xf32>
          %get3A_168 = arith.index_cast %add3A_160 : i32 to index
          %get3A_169 = arith.constant 64 : index
          %get3A_170 = tpu.vector_load %arg13[%get3A_168, %get3A_169] {strides = array<i32>} : memref<64x128xf32, #tpu.memory_space<vmem>>, vector<1x16xf32>,
          %get3A_171 = vector.shape_cast %get3A_170 : vector<1x16xf32> to vector<16xf32>
          %mul3A_172 = arith.mulf %get3A_163, %get3A_167 : vector<16xf32>
          %swap3A = arith.index_cast %add3A_160 : i32 to index
          %swap3A_173 = arith.constant 0 : index
          %swap3A_174 = tpu.vector_load %arg14[%swap3A, %swap3A_173] {strides = array<i32>} : memref<64x128xf32, #tpu.memory_space<vmem>>, vector<1x16xf32>,
          %swap3A_175 = vector.shape_cast %swap3A_174 : vector<1x16xf32> to vector<16xf32>
          %swap3A_176 = vector.shape_cast %mul3A_172 : vector<16xf32> to vector<1x16xf32>
          tpu.vector_store %arg14[%swap3A, %swap3A_173], %swap3A_176 {strides = array<i32>} : memref<64x128xf32, #tpu.memory_space<vmem>>, vector<1x16xf32>,
          %mul3A_177 = arith.mulf %get3A_163, %get3A_171 : vector<16xf32>
          %swap3A_178 = arith.index_cast %add3A_160 : i32 to index
          %swap3A_179 = arith.constant 64 : index
          %swap3A_180 = tpu.vector_load %arg14[%swap3A_178, %swap3A_179] {strides = array<i32>} : memref<64x128xf32, #tpu.memory_space<vmem>>, vector<1x16xf32>,
          %swap3A_181 = vector.shape_cast %swap3A_180 : vector<1x16xf32> to vector<16xf32>
          %swap3A_182 = vector.shape_cast %mul3A_177 : vector<16xf32> to vector<1x16xf32>
          tpu.vector_store %arg14[%swap3A_178, %swap3A_179], %swap3A_182 {strides = array<i32>} : memref<64x128xf32, #tpu.memory_space<vmem>>, vector<1x16xf32>,
          %get3A_183 = arith.index_cast %add3A_160 : i32 to index
          %get3A_184 = arith.constant 16 : index
          %get3A_185 = tpu.vector_load %arg11[%get3A_183, %get3A_184] {strides = array<i32>} : memref<64x128xf32, #tpu.memory_space<vmem>>, vector<1x16xf32>,
          %get3A_186 = vector.shape_cast %get3A_185 : vector<1x16xf32> to vector<16xf32>
          %get3A_187 = arith.index_cast %add3A_160 : i32 to index
          %get3A_188 = arith.constant 16 : index
          %get3A_189 = tpu.vector_load %arg13[%get3A_187, %get3A_188] {strides = array<i32>} : memref<64x128xf32, #tpu.memory_space<vmem>>, vector<1x16xf32>,
          %get3A_190 = vector.shape_cast %get3A_189 : vector<1x16xf32> to vector<16xf32>
          %get3A_191 = arith.index_cast %add3A_160 : i32 to index
          %get3A_192 = arith.constant 80 : index
          %get3A_193 = tpu.vector_load %arg13[%get3A_191, %get3A_192] {strides = array<i32>} : memref<64x128xf32, #tpu.memory_space<vmem>>, vector<1x16xf32>,
          %get3A_194 = vector.shape_cast %get3A_193 : vector<1x16xf32> to vector<16xf32>
          %mul3A_195 = arith.mulf %get3A_186, %get3A_190 : vector<16xf32>
          %swap3A_196 = arith.index_cast %add3A_160 : i32 to index
          %swap3A_197 = arith.constant 16 : index
          %swap3A_198 = tpu.vector_load %arg14[%swap3A_196, %swap3A_197] {strides = array<i32>} : memref<64x128xf32, #tpu.memory_space<vmem>>, vector<1x16xf32>,
          %swap3A_199 = vector.shape_cast %swap3A_198 : vector<1x16xf32> to vector<16xf32>
          %swap3A_200 = vector.shape_cast %mul3A_195 : vector<16xf32> to vector<1x16xf32>
          tpu.vector_store %arg14[%swap3A_196, %swap3A_197], %swap3A_200 {strides = array<i32>} : memref<64x128xf32, #tpu.memory_space<vmem>>, vector<1x16xf32>,
          %mul3A_201 = arith.mulf %get3A_186, %get3A_194 : vector<16xf32>
          %swap3A_202 = arith.index_cast %add3A_160 : i32 to index
          %swap3A_203 = arith.constant 80 : index
          %swap3A_204 = tpu.vector_load %arg14[%swap3A_202, %swap3A_203] {strides = array<i32>} : memref<64x128xf32, #tpu.memory_space<vmem>>, vector<1x16xf32>,
          %swap3A_205 = vector.shape_cast %swap3A_204 : vector<1x16xf32> to vector<16xf32>
          %swap3A_206 = vector.shape_cast %mul3A_201 : vector<16xf32> to vector<1x16xf32>
          tpu.vector_store %arg14[%swap3A_202, %swap3A_203], %swap3A_206 {strides = array<i32>} : memref<64x128xf32, #tpu.memory_space<vmem>>, vector<1x16xf32>,
          %get3A_207 = arith.index_cast %add3A_160 : i32 to index
          %get3A_208 = arith.constant 32 : index
          %get3A_209 = tpu.vector_load %arg11[%get3A_207, %get3A_208] {strides = array<i32>} : memref<64x128xf32, #tpu.memory_space<vmem>>, vector<1x16xf32>,
          %get3A_210 = vector.shape_cast %get3A_209 : vector<1x16xf32> to vector<16xf32>
          %get3A_211 = arith.index_cast %add3A_160 : i32 to index
          %get3A_212 = arith.constant 32 : index
          %get3A_213 = tpu.vector_load %arg13[%get3A_211, %get3A_212] {strides = array<i32>} : memref<64x128xf32, #tpu.memory_space<vmem>>, vector<1x16xf32>,
          %get3A_214 = vector.shape_cast %get3A_213 : vector<1x16xf32> to vector<16xf32>
          %get3A_215 = arith.index_cast %add3A_160 : i32 to index
          %get3A_216 = arith.constant 96 : index
          %get3A_217 = tpu.vector_load %arg13[%get3A_215, %get3A_216] {strides = array<i32>} : memref<64x128xf32, #tpu.memory_space<vmem>>, vector<1x16xf32>,
          %get3A_218 = vector.shape_cast %get3A_217 : vector<1x16xf32> to vector<16xf32>
          %mul3A_219 = arith.mulf %get3A_210, %get3A_214 : vector<16xf32>
          %swap3A_220 = arith.index_cast %add3A_160 : i32 to index
          %swap3A_221 = arith.constant 32 : index
          %swap3A_222 = tpu.vector_load %arg14[%swap3A_220, %swap3A_221] {strides = array<i32>} : memref<64x128xf32, #tpu.memory_space<vmem>>, vector<1x16xf32>,
          %swap3A_223 = vector.shape_cast %swap3A_222 : vector<1x16xf32> to vector<16xf32>
          %swap3A_224 = vector.shape_cast %mul3A_219 : vector<16xf32> to vector<1x16xf32>
          tpu.vector_store %arg14[%swap3A_220, %swap3A_221], %swap3A_224 {strides = array<i32>} : memref<64x128xf32, #tpu.memory_space<vmem>>, vector<1x16xf32>,
          %mul3A_225 = arith.mulf %get3A_210, %get3A_218 : vector<16xf32>
          %swap3A_226 = arith.index_cast %add3A_160 : i32 to index
          %swap3A_227 = arith.constant 96 : index
          %swap3A_228 = tpu.vector_load %arg14[%swap3A_226, %swap3A_227] {strides = array<i32>} : memref<64x128xf32, #tpu.memory_space<vmem>>, vector<1x16xf32>,
          %swap3A_229 = vector.shape_cast %swap3A_228 : vector<1x16xf32> to vector<16xf32>
          %swap3A_230 = vector.shape_cast %mul3A_225 : vector<16xf32> to vector<1x16xf32>
          tpu.vector_store %arg14[%swap3A_226, %swap3A_227], %swap3A_230 {strides = array<i32>} : memref<64x128xf32, #tpu.memory_space<vmem>>, vector<1x16xf32>,
          %get3A_231 = arith.index_cast %add3A_160 : i32 to index
          %get3A_232 = arith.constant 48 : index
          %get3A_233 = tpu.vector_load %arg11[%get3A_231, %get3A_232] {strides = array<i32>} : memref<64x128xf32, #tpu.memory_space<vmem>>, vector<1x16xf32>,
          %get3A_234 = vector.shape_cast %get3A_233 : vector<1x16xf32> to vector<16xf32>
          %get3A_235 = arith.index_cast %add3A_160 : i32 to index
          %get3A_236 = arith.constant 48 : index
          %get3A_237 = tpu.vector_load %arg13[%get3A_235, %get3A_236] {strides = array<i32>} : memref<64x128xf32, #tpu.memory_space<vmem>>, vector<1x16xf32>,
          %get3A_238 = vector.shape_cast %get3A_237 : vector<1x16xf32> to vector<16xf32>
          %get3A_239 = arith.index_cast %add3A_160 : i32 to index
          %get3A_240 = arith.constant 112 : index
          %get3A_241 = tpu.vector_load %arg13[%get3A_239, %get3A_240] {strides = array<i32>} : memref<64x128xf32, #tpu.memory_space<vmem>>, vector<1x16xf32>,
          %get3A_242 = vector.shape_cast %get3A_241 : vector<1x16xf32> to vector<16xf32>
          %mul3A_243 = arith.mulf %get3A_234, %get3A_238 : vector<16xf32>
          %swap3A_244 = arith.index_cast %add3A_160 : i32 to index
          %swap3A_245 = arith.constant 48 : index
          %swap3A_246 = tpu.vector_load %arg14[%swap3A_244, %swap3A_245] {strides = array<i32>} : memref<64x128xf32, #tpu.memory_space<vmem>>, vector<1x16xf32>,
          %swap3A_247 = vector.shape_cast %swap3A_246 : vector<1x16xf32> to vector<16xf32>
          %swap3A_248 = vector.shape_cast %mul3A_243 : vector<16xf32> to vector<1x16xf32>
          tpu.vector_store %arg14[%swap3A_244, %swap3A_245], %swap3A_248 {strides = array<i32>} : memref<64x128xf32, #tpu.memory_space<vmem>>, vector<1x16xf32>,
          %mul3A_249 = arith.mulf %get3A_234, %get3A_242 : vector<16xf32>
          %swap3A_250 = arith.index_cast %add3A_160 : i32 to index
          %swap3A_251 = arith.constant 112 : index
          %swap3A_252 = tpu.vector_load %arg14[%swap3A_250, %swap3A_251] {strides = array<i32>} : memref<64x128xf32, #tpu.memory_space<vmem>>, vector<1x16xf32>,
          %swap3A_253 = vector.shape_cast %swap3A_252 : vector<1x16xf32> to vector<16xf32>
          %swap3A_254 = vector.shape_cast %mul3A_249 : vector<16xf32> to vector<1x16xf32>
          tpu.vector_store %arg14[%swap3A_250, %swap3A_251], %swap3A_254 {strides = array<i32>} : memref<64x128xf32, #tpu.memory_space<vmem>>, vector<1x16xf32>,
        }
        %scan3A_155 = arith.constant 64 : i32
      } else {
      }
      %eq3A_145 = arith.constant 1 : i32
      %eq3A_146 = arith.cmpi eq, %arg0, %eq3A_145 : i32
      %convert_element_type3A_147 = arith.extui %eq3A_146 : i1 to i32
      %cond3A_148 = arith.constant 0 : i32
      %cond3A_149 = arith.cmpi ne, %convert_element_type3A_147, %cond3A_148 : i32
      scf.if %cond3A_149 {
        %scan3A_151 = arith.constant 0 : i32
        %scan3A_152 = arith.constant 64 : i32
        %scan3A_153 = arith.addi %scan3A_151, %scan3A_152 : i32
        %scan3A_154 = arith.constant 1 : i32
        scf.for %scan3A_156 = %scan3A_151 to %scan3A_153 step %scan3A_154  : i32 {
          %mul3A_157 = arith.constant 1 : i32
          %mul3A_158 = arith.muli %scan3A_156, %mul3A_157 : i32
          %add3A_159 = arith.constant 0 : i32
          %add3A_160 = arith.addi %add3A_159, %mul3A_158 : i32
          %get3A = arith.index_cast %add3A_160 : i32 to index
          %get3A_161 = arith.constant 64 : index
          %get3A_162 = tpu.vector_load %arg11[%get3A, %get3A_161] {strides = array<i32>} : memref<64x128xf32, #tpu.memory_space<vmem>>, vector<1x16xf32>,
          %get3A_163 = vector.shape_cast %get3A_162 : vector<1x16xf32> to vector<16xf32>
          %get3A_164 = arith.index_cast %add3A_160 : i32 to index
          %get3A_165 = arith.constant 0 : index
          %get3A_166 = tpu.vector_load %arg13[%get3A_164, %get3A_165] {strides = array<i32>} : memref<64x128xf32, #tpu.memory_space<vmem>>, vector<1x16xf32>,
          %get3A_167 = vector.shape_cast %get3A_166 : vector<1x16xf32> to vector<16xf32>
          %get3A_168 = arith.index_cast %add3A_160 : i32 to index
          %get3A_169 = arith.constant 64 : index
          %get3A_170 = tpu.vector_load %arg13[%get3A_168, %get3A_169] {strides = array<i32>} : memref<64x128xf32, #tpu.memory_space<vmem>>, vector<1x16xf32>,
          %get3A_171 = vector.shape_cast %get3A_170 : vector<1x16xf32> to vector<16xf32>
          %mul3A_172 = arith.mulf %get3A_163, %get3A_167 : vector<16xf32>
          %swap3A = arith.index_cast %add3A_160 : i32 to index
          %swap3A_173 = arith.constant 0 : index
          %swap3A_174 = tpu.vector_load %arg14[%swap3A, %swap3A_173] {strides = array<i32>} : memref<64x128xf32, #tpu.memory_space<vmem>>, vector<1x16xf32>,
          %swap3A_175 = vector.shape_cast %swap3A_174 : vector<1x16xf32> to vector<16xf32>
          %swap3A_176 = vector.shape_cast %mul3A_172 : vector<16xf32> to vector<1x16xf32>
          tpu.vector_store %arg14[%swap3A, %swap3A_173], %swap3A_176 {strides = array<i32>} : memref<64x128xf32, #tpu.memory_space<vmem>>, vector<1x16xf32>,
          %mul3A_177 = arith.mulf %get3A_163, %get3A_171 : vector<16xf32>
          %swap3A_178 = arith.index_cast %add3A_160 : i32 to index
          %swap3A_179 = arith.constant 64 : index
          %swap3A_180 = tpu.vector_load %arg14[%swap3A_178, %swap3A_179] {strides = array<i32>} : memref<64x128xf32, #tpu.memory_space<vmem>>, vector<1x16xf32>,
          %swap3A_181 = vector.shape_cast %swap3A_180 : vector<1x16xf32> to vector<16xf32>
          %swap3A_182 = vector.shape_cast %mul3A_177 : vector<16xf32> to vector<1x16xf32>
          tpu.vector_store %arg14[%swap3A_178, %swap3A_179], %swap3A_182 {strides = array<i32>} : memref<64x128xf32, #tpu.memory_space<vmem>>, vector<1x16xf32>,
          %get3A_183 = arith.index_cast %add3A_160 : i32 to index
          %get3A_184 = arith.constant 80 : index
          %get3A_185 = tpu.vector_load %arg11[%get3A_183, %get3A_184] {strides = array<i32>} : memref<64x128xf32, #tpu.memory_space<vmem>>, vector<1x16xf32>,
          %get3A_186 = vector.shape_cast %get3A_185 : vector<1x16xf32> to vector<16xf32>
          %get3A_187 = arith.index_cast %add3A_160 : i32 to index
          %get3A_188 = arith.constant 16 : index
          %get3A_189 = tpu.vector_load %arg13[%get3A_187, %get3A_188] {strides = array<i32>} : memref<64x128xf32, #tpu.memory_space<vmem>>, vector<1x16xf32>,
          %get3A_190 = vector.shape_cast %get3A_189 : vector<1x16xf32> to vector<16xf32>
          %get3A_191 = arith.index_cast %add3A_160 : i32 to index
          %get3A_192 = arith.constant 80 : index
          %get3A_193 = tpu.vector_load %arg13[%get3A_191, %get3A_192] {strides = array<i32>} : memref<64x128xf32, #tpu.memory_space<vmem>>, vector<1x16xf32>,
          %get3A_194 = vector.shape_cast %get3A_193 : vector<1x16xf32> to vector<16xf32>
          %mul3A_195 = arith.mulf %get3A_186, %get3A_190 : vector<16xf32>
          %swap3A_196 = arith.index_cast %add3A_160 : i32 to index
          %swap3A_197 = arith.constant 16 : index
          %swap3A_198 = tpu.vector_load %arg14[%swap3A_196, %swap3A_197] {strides = array<i32>} : memref<64x128xf32, #tpu.memory_space<vmem>>, vector<1x16xf32>,
          %swap3A_199 = vector.shape_cast %swap3A_198 : vector<1x16xf32> to vector<16xf32>
          %swap3A_200 = vector.shape_cast %mul3A_195 : vector<16xf32> to vector<1x16xf32>
          tpu.vector_store %arg14[%swap3A_196, %swap3A_197], %swap3A_200 {strides = array<i32>} : memref<64x128xf32, #tpu.memory_space<vmem>>, vector<1x16xf32>,
          %mul3A_201 = arith.mulf %get3A_186, %get3A_194 : vector<16xf32>
          %swap3A_202 = arith.index_cast %add3A_160 : i32 to index
          %swap3A_203 = arith.constant 80 : index
          %swap3A_204 = tpu.vector_load %arg14[%swap3A_202, %swap3A_203] {strides = array<i32>} : memref<64x128xf32, #tpu.memory_space<vmem>>, vector<1x16xf32>,
          %swap3A_205 = vector.shape_cast %swap3A_204 : vector<1x16xf32> to vector<16xf32>
          %swap3A_206 = vector.shape_cast %mul3A_201 : vector<16xf32> to vector<1x16xf32>
          tpu.vector_store %arg14[%swap3A_202, %swap3A_203], %swap3A_206 {strides = array<i32>} : memref<64x128xf32, #tpu.memory_space<vmem>>, vector<1x16xf32>,
          %get3A_207 = arith.index_cast %add3A_160 : i32 to index
          %get3A_208 = arith.constant 96 : index
          %get3A_209 = tpu.vector_load %arg11[%get3A_207, %get3A_208] {strides = array<i32>} : memref<64x128xf32, #tpu.memory_space<vmem>>, vector<1x16xf32>,
          %get3A_210 = vector.shape_cast %get3A_209 : vector<1x16xf32> to vector<16xf32>
          %get3A_211 = arith.index_cast %add3A_160 : i32 to index
          %get3A_212 = arith.constant 32 : index
          %get3A_213 = tpu.vector_load %arg13[%get3A_211, %get3A_212] {strides = array<i32>} : memref<64x128xf32, #tpu.memory_space<vmem>>, vector<1x16xf32>,
          %get3A_214 = vector.shape_cast %get3A_213 : vector<1x16xf32> to vector<16xf32>
          %get3A_215 = arith.index_cast %add3A_160 : i32 to index
          %get3A_216 = arith.constant 96 : index
          %get3A_217 = tpu.vector_load %arg13[%get3A_215, %get3A_216] {strides = array<i32>} : memref<64x128xf32, #tpu.memory_space<vmem>>, vector<1x16xf32>,
          %get3A_218 = vector.shape_cast %get3A_217 : vector<1x16xf32> to vector<16xf32>
          %mul3A_219 = arith.mulf %get3A_210, %get3A_214 : vector<16xf32>
          %swap3A_220 = arith.index_cast %add3A_160 : i32 to index
          %swap3A_221 = arith.constant 32 : index
          %swap3A_222 = tpu.vector_load %arg14[%swap3A_220, %swap3A_221] {strides = array<i32>} : memref<64x128xf32, #tpu.memory_space<vmem>>, vector<1x16xf32>,
          %swap3A_223 = vector.shape_cast %swap3A_222 : vector<1x16xf32> to vector<16xf32>
          %swap3A_224 = vector.shape_cast %mul3A_219 : vector<16xf32> to vector<1x16xf32>
          tpu.vector_store %arg14[%swap3A_220, %swap3A_221], %swap3A_224 {strides = array<i32>} : memref<64x128xf32, #tpu.memory_space<vmem>>, vector<1x16xf32>,
          %mul3A_225 = arith.mulf %get3A_210, %get3A_218 : vector<16xf32>
          %swap3A_226 = arith.index_cast %add3A_160 : i32 to index
          %swap3A_227 = arith.constant 96 : index
          %swap3A_228 = tpu.vector_load %arg14[%swap3A_226, %swap3A_227] {strides = array<i32>} : memref<64x128xf32, #tpu.memory_space<vmem>>, vector<1x16xf32>,
          %swap3A_229 = vector.shape_cast %swap3A_228 : vector<1x16xf32> to vector<16xf32>
          %swap3A_230 = vector.shape_cast %mul3A_225 : vector<16xf32> to vector<1x16xf32>
          tpu.vector_store %arg14[%swap3A_226, %swap3A_227], %swap3A_230 {strides = array<i32>} : memref<64x128xf32, #tpu.memory_space<vmem>>, vector<1x16xf32>,
          %get3A_231 = arith.index_cast %add3A_160 : i32 to index
          %get3A_232 = arith.constant 112 : index
          %get3A_233 = tpu.vector_load %arg11[%get3A_231, %get3A_232] {strides = array<i32>} : memref<64x128xf32, #tpu.memory_space<vmem>>, vector<1x16xf32>,
          %get3A_234 = vector.shape_cast %get3A_233 : vector<1x16xf32> to vector<16xf32>
          %get3A_235 = arith.index_cast %add3A_160 : i32 to index
          %get3A_236 = arith.constant 48 : index
          %get3A_237 = tpu.vector_load %arg13[%get3A_235, %get3A_236] {strides = array<i32>} : memref<64x128xf32, #tpu.memory_space<vmem>>, vector<1x16xf32>,
          %get3A_238 = vector.shape_cast %get3A_237 : vector<1x16xf32> to vector<16xf32>
          %get3A_239 = arith.index_cast %add3A_160 : i32 to index
          %get3A_240 = arith.constant 112 : index
          %get3A_241 = tpu.vector_load %arg13[%get3A_239, %get3A_240] {strides = array<i32>} : memref<64x128xf32, #tpu.memory_space<vmem>>, vector<1x16xf32>,
          %get3A_242 = vector.shape_cast %get3A_241 : vector<1x16xf32> to vector<16xf32>
          %mul3A_243 = arith.mulf %get3A_234, %get3A_238 : vector<16xf32>
          %swap3A_244 = arith.index_cast %add3A_160 : i32 to index
          %swap3A_245 = arith.constant 48 : index
          %swap3A_246 = tpu.vector_load %arg14[%swap3A_244, %swap3A_245] {strides = array<i32>} : memref<64x128xf32, #tpu.memory_space<vmem>>, vector<1x16xf32>,
          %swap3A_247 = vector.shape_cast %swap3A_246 : vector<1x16xf32> to vector<16xf32>
          %swap3A_248 = vector.shape_cast %mul3A_243 : vector<16xf32> to vector<1x16xf32>
          tpu.vector_store %arg14[%swap3A_244, %swap3A_245], %swap3A_248 {strides = array<i32>} : memref<64x128xf32, #tpu.memory_space<vmem>>, vector<1x16xf32>,
          %mul3A_249 = arith.mulf %get3A_234, %get3A_242 : vector<16xf32>
          %swap3A_250 = arith.index_cast %add3A_160 : i32 to index
          %swap3A_251 = arith.constant 112 : index
          %swap3A_252 = tpu.vector_load %arg14[%swap3A_250, %swap3A_251] {strides = array<i32>} : memref<64x128xf32, #tpu.memory_space<vmem>>, vector<1x16xf32>,
          %swap3A_253 = vector.shape_cast %swap3A_252 : vector<1x16xf32> to vector<16xf32>
          %swap3A_254 = vector.shape_cast %mul3A_249 : vector<16xf32> to vector<1x16xf32>
          tpu.vector_store %arg14[%swap3A_250, %swap3A_251], %swap3A_254 {strides = array<i32>} : memref<64x128xf32, #tpu.memory_space<vmem>>, vector<1x16xf32>,
        }
        %scan3A_155 = arith.constant 64 : i32
      } else {
      }
      %run_scoped3A_150 = arith.constant 2 : i32
      "tpu.region"() ({
        %run_scoped3A_151 = tpu.sem_alloc : memref<!tpu.dma_semaphore, #tpu.memory_space<semaphore_mem>>
        %dma_start3A_152 = arith.constant 0 : i32
        %dma_start3A_153 = tpu.memref_slice %arg9[%run_scoped3A_150, %dma_start3A_152] : memref<3x64xi32, #tpu.memory_space<vmem>> -> memref<1x64xi32, #tpu.memory_space<vmem>>
        %dma_start3A_154 = tpu.memref_squeeze %dma_start3A_153 : memref<1x64xi32, #tpu.memory_space<vmem>> -> memref<64xi32, #tpu.memory_space<vmem>>
        %dma_start3A_155 = arith.constant 0 : i32
        %dma_start3A_156 = arith.constant 0 : i32
        %dma_start3A_157 = tpu.memref_slice %arg6[%dma_start3A_155, %dma_start3A_156] : memref<10240x128xf32, #tpu.memory_space<vmem_shared>> -> memref<10240x128xf32, #tpu.memory_space<vmem_shared>>
        tpu.enqueue_indirect_dma source(%arg14 : memref<64x128xf32, #tpu.memory_space<vmem>>) target(%dma_start3A_157 : memref<10240x128xf32, #tpu.memory_space<vmem_shared>>) offsets(%dma_start3A_154 : memref<64xi32, #tpu.memory_space<vmem>>) semaphore(%run_scoped3A_151 : memref<!tpu.dma_semaphore, #tpu.memory_space<semaphore_mem>>) {add = true}
        %dma_wait3A_158 = arith.constant 0 : i32
        %dma_wait3A_159 = tpu.memref_slice %arg9[%run_scoped3A_150, %dma_wait3A_158] : memref<3x64xi32, #tpu.memory_space<vmem>> -> memref<1x64xi32, #tpu.memory_space<vmem>>
        %dma_wait3A_160 = tpu.memref_squeeze %dma_wait3A_159 : memref<1x64xi32, #tpu.memory_space<vmem>> -> memref<64xi32, #tpu.memory_space<vmem>>
        %dma_wait3A_161 = arith.constant 0 : i32
        %dma_wait3A_162 = arith.constant 0 : i32
        %dma_wait3A_163 = tpu.memref_slice %arg6[%dma_wait3A_161, %dma_wait3A_162] : memref<10240x128xf32, #tpu.memory_space<vmem_shared>> -> memref<10240x128xf32, #tpu.memory_space<vmem_shared>>
        tpu.wait_indirect_dma semaphore(%run_scoped3A_151 : memref<!tpu.dma_semaphore, #tpu.memory_space<semaphore_mem>>) src(%arg14 : memref<64x128xf32, #tpu.memory_space<vmem>>) dst(%dma_wait3A_163 : memref<10240x128xf32, #tpu.memory_space<vmem_shared>>)
        tpu.yield
      }) : () -> ()
    }
    %scan3A_31 = arith.constant 79 : i32
    %barrier3A_32 = arith.constant 0 : index
    tpu.barrier barrier_id(%barrier3A_32)
    %add3A_33 = arith.constant 0 : i32
    %add3A_34 = arith.addi %add3A_33, %arg0 : i32
    %mul3A_35 = arith.constant 10240 : i32
    %mul3A_36 = arith.muli %add3A_34, %mul3A_35 : i32
    %mul3A_37 = arith.constant 640 : i32
    %mul3A_38 = arith.muli %arg1, %mul3A_37 : i32
    %add3A_39 = arith.addi %mul3A_36, %mul3A_38 : i32
    %mul3A_40 = arith.constant 640 : i32
    %mul3A_41 = arith.muli %arg1, %mul3A_40 : i32
    "tpu.region"() ({
      %run_scoped3A = tpu.sem_alloc : memref<!tpu.dma_semaphore, #tpu.memory_space<semaphore_mem>>
      %dma_start3A_81 = arith.constant 0 : i32
      %dma_start3A_82 = tpu.memref_slice %arg5[%add3A_39, %dma_start3A_81] : memref<40960x128xf32, #tpu.memory_space<hbm>> -> memref<640x128xf32, #tpu.memory_space<hbm>>
      %dma_start3A_83 = arith.constant 0 : i32
      %dma_start3A_84 = tpu.memref_slice %arg6[%mul3A_41, %dma_start3A_83] : memref<10240x128xf32, #tpu.memory_space<vmem_shared>> -> memref<640x128xf32, #tpu.memory_space<vmem_shared>>
      tpu.enqueue_dma source(%dma_start3A_84 : memref<640x128xf32, #tpu.memory_space<vmem_shared>>) target(%dma_start3A_82 : memref<640x128xf32, #tpu.memory_space<hbm>>) target_semaphore(%run_scoped3A : memref<!tpu.dma_semaphore, #tpu.memory_space<semaphore_mem>>)
      %dma_wait3A = arith.constant 0 : i32
      %dma_wait3A_85 = tpu.memref_slice %arg5[%add3A_39, %dma_wait3A] : memref<40960x128xf32, #tpu.memory_space<hbm>> -> memref<640x128xf32, #tpu.memory_space<hbm>>
      %dma_wait3A_86 = arith.constant 0 : i32
      %dma_wait3A_87 = tpu.memref_slice %arg6[%mul3A_41, %dma_wait3A_86] : memref<10240x128xf32, #tpu.memory_space<vmem_shared>> -> memref<640x128xf32, #tpu.memory_space<vmem_shared>>
      tpu.wait_dma2 semaphore(%run_scoped3A : memref<!tpu.dma_semaphore, #tpu.memory_space<semaphore_mem>>) src(%dma_wait3A_87 : memref<640x128xf32, #tpu.memory_space<vmem_shared>>) dst(%dma_wait3A_85 : memref<640x128xf32, #tpu.memory_space<hbm>>)
      tpu.yield
    }) : () -> ()
    %scan3A_42 = arith.constant 0 : i32
    %scan3A_43 = arith.constant 80 : i32
    %scan3A_44 = arith.addi %scan3A_42, %scan3A_43 : i32
    %scan3A_45 = arith.constant 1 : i32
    scf.for %scan3A_81 = %scan3A_42 to %scan3A_44 step %scan3A_45  : i32 {
      %mul3A_82 = arith.constant 1 : i32
      %mul3A_83 = arith.muli %scan3A_81, %mul3A_82 : i32
      %add3A_84 = arith.constant 0 : i32
      %add3A_85 = arith.addi %add3A_84, %mul3A_83 : i32
      %mul3A_86 = arith.constant 640 : i32
      %mul3A_87 = arith.muli %arg1, %mul3A_86 : i32
      %mul3A_88 = arith.constant 8 : i32
      %mul3A_89 = arith.muli %add3A_85, %mul3A_88 : i32
      %add3A_90 = arith.addi %mul3A_87, %mul3A_89 : i32
      "tpu.region"() ({
        %run_scoped3A = tpu.sem_alloc : memref<!tpu.dma_semaphore, #tpu.memory_space<semaphore_mem>>
        %dma_start3A_91 = arith.constant 0 : i32
        %dma_start3A_92 = tpu.memref_slice %arg6[%add3A_90, %dma_start3A_91] : memref<10240x128xf32, #tpu.memory_space<vmem_shared>> -> memref<8x128xf32, #tpu.memory_space<vmem_shared>>
        %dma_start3A_93 = arith.constant 0 : i32
        %dma_start3A_94 = tpu.memref_slice %arg6[%add3A_90, %dma_start3A_93] : memref<10240x128xf32, #tpu.memory_space<vmem_shared>> -> memref<8x128xf32, #tpu.memory_space<vmem_shared>>
        tpu.enqueue_dma source(%arg15 : memref<8x128xf32, #tpu.memory_space<vmem>>) target(%dma_start3A_94 : memref<8x128xf32, #tpu.memory_space<vmem_shared>>) target_semaphore(%run_scoped3A : memref<!tpu.dma_semaphore, #tpu.memory_space<semaphore_mem>>)
        %dma_wait3A = arith.constant 0 : i32
        %dma_wait3A_95 = tpu.memref_slice %arg6[%add3A_90, %dma_wait3A] : memref<10240x128xf32, #tpu.memory_space<vmem_shared>> -> memref<8x128xf32, #tpu.memory_space<vmem_shared>>
        %dma_wait3A_96 = arith.constant 0 : i32
        %dma_wait3A_97 = tpu.memref_slice %arg6[%add3A_90, %dma_wait3A_96] : memref<10240x128xf32, #tpu.memory_space<vmem_shared>> -> memref<8x128xf32, #tpu.memory_space<vmem_shared>>
        tpu.wait_dma2 semaphore(%run_scoped3A : memref<!tpu.dma_semaphore, #tpu.memory_space<semaphore_mem>>) src(%arg15 : memref<8x128xf32, #tpu.memory_space<vmem>>) dst(%dma_wait3A_97 : memref<8x128xf32, #tpu.memory_space<vmem_shared>>)
        tpu.yield
      }) : () -> ()
    }
    %scan3A_46 = arith.constant 80 : i32
    %barrier3A_47 = arith.constant 0 : index
    tpu.barrier barrier_id(%barrier3A_47)
    %add3A_48 = arith.constant 16 : i32
    %add3A_49 = arith.addi %add3A_48, %arg1 : i32
    %mul3A_50 = arith.constant 158 : i32
    %mul3A_51 = arith.muli %add3A_49, %mul3A_50 : i32
    "tpu.region"() ({
      %run_scoped3A = tpu.sem_alloc : memref<!tpu.dma_semaphore, #tpu.memory_space<semaphore_mem>>
      %dma_start3A_81 = arith.constant 0 : i32
      %dma_start3A_82 = arith.constant 0 : i32
      %dma_start3A_83 = tpu.memref_slice %arg2[%mul3A_51, %dma_start3A_81, %dma_start3A_82] : memref<5056x3x64xi32, #tpu.memory_space<hbm>> -> memref<1x3x64xi32, #tpu.memory_space<hbm>>
      %dma_start3A_84 = tpu.memref_squeeze %dma_start3A_83 : memref<1x3x64xi32, #tpu.memory_space<hbm>> -> memref<3x64xi32, #tpu.memory_space<hbm>>
      %dma_start3A_85 = arith.constant 0 : i32
      %dma_start3A_86 = arith.constant 0 : i32
      %dma_start3A_87 = tpu.memref_slice %arg2[%mul3A_51, %dma_start3A_85, %dma_start3A_86] : memref<5056x3x64xi32, #tpu.memory_space<hbm>> -> memref<1x3x64xi32, #tpu.memory_space<hbm>>
      %dma_start3A_88 = tpu.memref_squeeze %dma_start3A_87 : memref<1x3x64xi32, #tpu.memory_space<hbm>> -> memref<3x64xi32, #tpu.memory_space<hbm>>
      tpu.enqueue_dma source(%dma_start3A_88 : memref<3x64xi32, #tpu.memory_space<hbm>>) target(%arg8 : memref<3x64xi32, #tpu.memory_space<vmem>>) target_semaphore(%run_scoped3A : memref<!tpu.dma_semaphore, #tpu.memory_space<semaphore_mem>>)
      %dma_wait3A = arith.constant 0 : i32
      %dma_wait3A_89 = arith.constant 0 : i32
      %dma_wait3A_90 = tpu.memref_slice %arg2[%mul3A_51, %dma_wait3A, %dma_wait3A_89] : memref<5056x3x64xi32, #tpu.memory_space<hbm>> -> memref<1x3x64xi32, #tpu.memory_space<hbm>>
      %dma_wait3A_91 = tpu.memref_squeeze %dma_wait3A_90 : memref<1x3x64xi32, #tpu.memory_space<hbm>> -> memref<3x64xi32, #tpu.memory_space<hbm>>
      %dma_wait3A_92 = arith.constant 0 : i32
      %dma_wait3A_93 = arith.constant 0 : i32
      %dma_wait3A_94 = tpu.memref_slice %arg2[%mul3A_51, %dma_wait3A_92, %dma_wait3A_93] : memref<5056x3x64xi32, #tpu.memory_space<hbm>> -> memref<1x3x64xi32, #tpu.memory_space<hbm>>
      %dma_wait3A_95 = tpu.memref_squeeze %dma_wait3A_94 : memref<1x3x64xi32, #tpu.memory_space<hbm>> -> memref<3x64xi32, #tpu.memory_space<hbm>>
      tpu.wait_dma2 semaphore(%run_scoped3A : memref<!tpu.dma_semaphore, #tpu.memory_space<semaphore_mem>>) src(%dma_wait3A_95 : memref<3x64xi32, #tpu.memory_space<hbm>>) dst(%arg8 : memref<3x64xi32, #tpu.memory_space<vmem>>)
      tpu.yield
    }) : () -> ()
    %dma_start3A_52 = arith.constant 0 : i32
    %dma_start3A_53 = arith.constant 0 : i32
    %dma_start3A_54 = tpu.memref_slice %arg8[%dma_start3A_52, %dma_start3A_53] : memref<3x64xi32, #tpu.memory_space<vmem>> -> memref<1x64xi32, #tpu.memory_space<vmem>>
    %dma_start3A_55 = tpu.memref_squeeze %dma_start3A_54 : memref<1x64xi32, #tpu.memory_space<vmem>> -> memref<64xi32, #tpu.memory_space<vmem>>
    %dma_start3A_56 = arith.constant 0 : i32
    %dma_start3A_57 = arith.constant 0 : i32
    %dma_start3A_58 = tpu.memref_slice %arg3[%dma_start3A_56, %dma_start3A_57] : memref<20480x128xf32, #tpu.memory_space<hbm>> -> memref<20480x128xf32, #tpu.memory_space<hbm>>
    tpu.enqueue_indirect_dma source(%dma_start3A_58 : memref<20480x128xf32, #tpu.memory_space<hbm>>) target(%arg10 : memref<64x128xf32, #tpu.memory_space<vmem>>) offsets(%dma_start3A_55 : memref<64xi32, #tpu.memory_space<vmem>>) semaphore(%arg16 : memref<!tpu.dma_semaphore, #tpu.memory_space<semaphore_mem>>)
    %dma_start3A_59 = arith.constant 1 : i32
    %dma_start3A_60 = arith.constant 0 : i32
    %dma_start3A_61 = tpu.memref_slice %arg8[%dma_start3A_59, %dma_start3A_60] : memref<3x64xi32, #tpu.memory_space<vmem>> -> memref<1x64xi32, #tpu.memory_space<vmem>>
    %dma_start3A_62 = tpu.memref_squeeze %dma_start3A_61 : memref<1x64xi32, #tpu.memory_space<vmem>> -> memref<64xi32, #tpu.memory_space<vmem>>
    %dma_start3A_63 = arith.constant 0 : i32
    %dma_start3A_64 = arith.constant 0 : i32
    %dma_start3A_65 = tpu.memref_slice %arg7[%dma_start3A_63, %dma_start3A_64] : memref<208x128xf32, #tpu.memory_space<vmem_shared>> -> memref<208x128xf32, #tpu.memory_space<vmem_shared>>
    tpu.enqueue_indirect_dma source(%dma_start3A_65 : memref<208x128xf32, #tpu.memory_space<vmem_shared>>) target(%arg12 : memref<64x128xf32, #tpu.memory_space<vmem>>) offsets(%dma_start3A_62 : memref<64xi32, #tpu.memory_space<vmem>>) semaphore(%arg18 : memref<!tpu.dma_semaphore, #tpu.memory_space<semaphore_mem>>)
    %scan3A_66 = arith.constant 0 : i32
    %scan3A_67 = arith.constant 79 : i32
    %scan3A_68 = arith.addi %scan3A_66, %scan3A_67 : i32
    %scan3A_69 = arith.constant 1 : i32
    scf.for %scan3A_81 = %scan3A_66 to %scan3A_68 step %scan3A_69  : i32 {
      %mul3A_82 = arith.constant 1 : i32
      %mul3A_83 = arith.muli %scan3A_81, %mul3A_82 : i32
      %add3A_84 = arith.constant 0 : i32
      %add3A_85 = arith.addi %add3A_84, %mul3A_83 : i32
      %mul3A_86 = arith.constant 2 : i32
      %mul3A_87 = arith.muli %mul3A_86, %add3A_85 : i32
      %add3A_88 = arith.constant 0 : i32
      %add3A_89 = arith.addi %mul3A_87, %add3A_88 : i32
      %dma_wait3A = arith.constant 0 : i32
      %dma_wait3A_90 = arith.constant 0 : i32
      %dma_wait3A_91 = tpu.memref_slice %arg3[%dma_wait3A, %dma_wait3A_90] : memref<20480x128xf32, #tpu.memory_space<hbm>> -> memref<64x128xf32, #tpu.memory_space<hbm>>
      %dma_wait3A_92 = arith.constant 0 : i32
      %dma_wait3A_93 = arith.constant 0 : i32
      %dma_wait3A_94 = tpu.memref_slice %arg3[%dma_wait3A_92, %dma_wait3A_93] : memref<20480x128xf32, #tpu.memory_space<hbm>> -> memref<64x128xf32, #tpu.memory_space<hbm>>
      tpu.wait_dma2 semaphore(%arg16 : memref<!tpu.dma_semaphore, #tpu.memory_space<semaphore_mem>>) src(%dma_wait3A_94 : memref<64x128xf32, #tpu.memory_space<hbm>>) dst(%arg10 : memref<64x128xf32, #tpu.memory_space<vmem>>)
      %dma_wait3A_95 = arith.constant 0 : i32
      %dma_wait3A_96 = arith.constant 0 : i32
      %dma_wait3A_97 = tpu.memref_slice %arg3[%dma_wait3A_95, %dma_wait3A_96] : memref<20480x128xf32, #tpu.memory_space<hbm>> -> memref<64x128xf32, #tpu.memory_space<hbm>>
      %dma_wait3A_98 = arith.constant 0 : i32
      %dma_wait3A_99 = arith.constant 0 : i32
      %dma_wait3A_100 = tpu.memref_slice %arg3[%dma_wait3A_98, %dma_wait3A_99] : memref<20480x128xf32, #tpu.memory_space<hbm>> -> memref<64x128xf32, #tpu.memory_space<hbm>>
      tpu.wait_dma2 semaphore(%arg18 : memref<!tpu.dma_semaphore, #tpu.memory_space<semaphore_mem>>) src(%dma_wait3A_100 : memref<64x128xf32, #tpu.memory_space<hbm>>) dst(%arg12 : memref<64x128xf32, #tpu.memory_space<vmem>>)
      %add3A_101 = arith.constant 1 : i32
      %add3A_102 = arith.addi %add3A_89, %add3A_101 : i32
      %lt3A = arith.constant 158 : i32
      %lt3A_103 = arith.cmpi slt, %add3A_102, %lt3A : i32
      %convert_element_type3A_104 = arith.extui %lt3A_103 : i1 to i32
      %cond3A_105 = arith.constant 0 : i32
      %cond3A_106 = arith.cmpi ne, %convert_element_type3A_104, %cond3A_105 : i32
      scf.if %cond3A_106 {
        %add3A_151 = arith.addi %mul3A_51, %add3A_89 : i32
        %add3A_152 = arith.constant 1 : i32
        %add3A_153 = arith.addi %add3A_151, %add3A_152 : i32
        "tpu.region"() ({
          %run_scoped3A_168 = tpu.sem_alloc : memref<!tpu.dma_semaphore, #tpu.memory_space<semaphore_mem>>
          %dma_start3A_169 = arith.constant 0 : i32
          %dma_start3A_170 = arith.constant 0 : i32
          %dma_start3A_171 = tpu.memref_slice %arg2[%add3A_153, %dma_start3A_169, %dma_start3A_170] : memref<5056x3x64xi32, #tpu.memory_space<hbm>> -> memref<1x3x64xi32, #tpu.memory_space<hbm>>
          %dma_start3A_172 = tpu.memref_squeeze %dma_start3A_171 : memref<1x3x64xi32, #tpu.memory_space<hbm>> -> memref<3x64xi32, #tpu.memory_space<hbm>>
          %dma_start3A_173 = arith.constant 0 : i32
          %dma_start3A_174 = arith.constant 0 : i32
          %dma_start3A_175 = tpu.memref_slice %arg2[%add3A_153, %dma_start3A_173, %dma_start3A_174] : memref<5056x3x64xi32, #tpu.memory_space<hbm>> -> memref<1x3x64xi32, #tpu.memory_space<hbm>>
          %dma_start3A_176 = tpu.memref_squeeze %dma_start3A_175 : memref<1x3x64xi32, #tpu.memory_space<hbm>> -> memref<3x64xi32, #tpu.memory_space<hbm>>
          tpu.enqueue_dma source(%dma_start3A_176 : memref<3x64xi32, #tpu.memory_space<hbm>>) target(%arg9 : memref<3x64xi32, #tpu.memory_space<vmem>>) target_semaphore(%run_scoped3A_168 : memref<!tpu.dma_semaphore, #tpu.memory_space<semaphore_mem>>)
          %dma_wait3A_177 = arith.constant 0 : i32
          %dma_wait3A_178 = arith.constant 0 : i32
          %dma_wait3A_179 = tpu.memref_slice %arg2[%add3A_153, %dma_wait3A_177, %dma_wait3A_178] : memref<5056x3x64xi32, #tpu.memory_space<hbm>> -> memref<1x3x64xi32, #tpu.memory_space<hbm>>
          %dma_wait3A_180 = tpu.memref_squeeze %dma_wait3A_179 : memref<1x3x64xi32, #tpu.memory_space<hbm>> -> memref<3x64xi32, #tpu.memory_space<hbm>>
          %dma_wait3A_181 = arith.constant 0 : i32
          %dma_wait3A_182 = arith.constant 0 : i32
          %dma_wait3A_183 = tpu.memref_slice %arg2[%add3A_153, %dma_wait3A_181, %dma_wait3A_182] : memref<5056x3x64xi32, #tpu.memory_space<hbm>> -> memref<1x3x64xi32, #tpu.memory_space<hbm>>
          %dma_wait3A_184 = tpu.memref_squeeze %dma_wait3A_183 : memref<1x3x64xi32, #tpu.memory_space<hbm>> -> memref<3x64xi32, #tpu.memory_space<hbm>>
          tpu.wait_dma2 semaphore(%run_scoped3A_168 : memref<!tpu.dma_semaphore, #tpu.memory_space<semaphore_mem>>) src(%dma_wait3A_184 : memref<3x64xi32, #tpu.memory_space<hbm>>) dst(%arg9 : memref<3x64xi32, #tpu.memory_space<vmem>>)
          tpu.yield
        }) : () -> ()
        %dma_start3A_154 = arith.constant 0 : i32
        %dma_start3A_155 = arith.constant 0 : i32
        %dma_start3A_156 = tpu.memref_slice %arg9[%dma_start3A_154, %dma_start3A_155] : memref<3x64xi32, #tpu.memory_space<vmem>> -> memref<1x64xi32, #tpu.memory_space<vmem>>
        %dma_start3A_157 = tpu.memref_squeeze %dma_start3A_156 : memref<1x64xi32, #tpu.memory_space<vmem>> -> memref<64xi32, #tpu.memory_space<vmem>>
        %dma_start3A_158 = arith.constant 0 : i32
        %dma_start3A_159 = arith.constant 0 : i32
        %dma_start3A_160 = tpu.memref_slice %arg3[%dma_start3A_158, %dma_start3A_159] : memref<20480x128xf32, #tpu.memory_space<hbm>> -> memref<20480x128xf32, #tpu.memory_space<hbm>>
        tpu.enqueue_indirect_dma source(%dma_start3A_160 : memref<20480x128xf32, #tpu.memory_space<hbm>>) target(%arg11 : memref<64x128xf32, #tpu.memory_space<vmem>>) offsets(%dma_start3A_157 : memref<64xi32, #tpu.memory_space<vmem>>) semaphore(%arg17 : memref<!tpu.dma_semaphore, #tpu.memory_space<semaphore_mem>>)
        %dma_start3A_161 = arith.constant 1 : i32
        %dma_start3A_162 = arith.constant 0 : i32
        %dma_start3A_163 = tpu.memref_slice %arg9[%dma_start3A_161, %dma_start3A_162] : memref<3x64xi32, #tpu.memory_space<vmem>> -> memref<1x64xi32, #tpu.memory_space<vmem>>
        %dma_start3A_164 = tpu.memref_squeeze %dma_start3A_163 : memref<1x64xi32, #tpu.memory_space<vmem>> -> memref<64xi32, #tpu.memory_space<vmem>>
        %dma_start3A_165 = arith.constant 0 : i32
        %dma_start3A_166 = arith.constant 0 : i32
        %dma_start3A_167 = tpu.memref_slice %arg7[%dma_start3A_165, %dma_start3A_166] : memref<208x128xf32, #tpu.memory_space<vmem_shared>> -> memref<208x128xf32, #tpu.memory_space<vmem_shared>>
        tpu.enqueue_indirect_dma source(%dma_start3A_167 : memref<208x128xf32, #tpu.memory_space<vmem_shared>>) target(%arg13 : memref<64x128xf32, #tpu.memory_space<vmem>>) offsets(%dma_start3A_164 : memref<64xi32, #tpu.memory_space<vmem>>) semaphore(%arg19 : memref<!tpu.dma_semaphore, #tpu.memory_space<semaphore_mem>>)
      } else {
      }
      %eq3A_107 = arith.constant 0 : i32
      %eq3A_108 = arith.cmpi eq, %arg0, %eq3A_107 : i32
      %convert_element_type3A_109 = arith.extui %eq3A_108 : i1 to i32
      %cond3A_110 = arith.constant 0 : i32
      %cond3A_111 = arith.cmpi ne, %convert_element_type3A_109, %cond3A_110 : i32
      scf.if %cond3A_111 {
        %scan3A_151 = arith.constant 0 : i32
        %scan3A_152 = arith.constant 64 : i32
        %scan3A_153 = arith.addi %scan3A_151, %scan3A_152 : i32
        %scan3A_154 = arith.constant 1 : i32
        scf.for %scan3A_156 = %scan3A_151 to %scan3A_153 step %scan3A_154  : i32 {
          %mul3A_157 = arith.constant 1 : i32
          %mul3A_158 = arith.muli %scan3A_156, %mul3A_157 : i32
          %add3A_159 = arith.constant 0 : i32
          %add3A_160 = arith.addi %add3A_159, %mul3A_158 : i32
          %get3A = arith.index_cast %add3A_160 : i32 to index
          %get3A_161 = arith.constant 0 : index
          %get3A_162 = tpu.vector_load %arg10[%get3A, %get3A_161] {strides = array<i32>} : memref<64x128xf32, #tpu.memory_space<vmem>>, vector<1x16xf32>,
          %get3A_163 = vector.shape_cast %get3A_162 : vector<1x16xf32> to vector<16xf32>
          %get3A_164 = arith.index_cast %add3A_160 : i32 to index
          %get3A_165 = arith.constant 0 : index
          %get3A_166 = tpu.vector_load %arg12[%get3A_164, %get3A_165] {strides = array<i32>} : memref<64x128xf32, #tpu.memory_space<vmem>>, vector<1x16xf32>,
          %get3A_167 = vector.shape_cast %get3A_166 : vector<1x16xf32> to vector<16xf32>
          %get3A_168 = arith.index_cast %add3A_160 : i32 to index
          %get3A_169 = arith.constant 64 : index
          %get3A_170 = tpu.vector_load %arg12[%get3A_168, %get3A_169] {strides = array<i32>} : memref<64x128xf32, #tpu.memory_space<vmem>>, vector<1x16xf32>,
          %get3A_171 = vector.shape_cast %get3A_170 : vector<1x16xf32> to vector<16xf32>
          %mul3A_172 = arith.mulf %get3A_163, %get3A_167 : vector<16xf32>
          %swap3A = arith.index_cast %add3A_160 : i32 to index
          %swap3A_173 = arith.constant 0 : index
          %swap3A_174 = tpu.vector_load %arg14[%swap3A, %swap3A_173] {strides = array<i32>} : memref<64x128xf32, #tpu.memory_space<vmem>>, vector<1x16xf32>,
          %swap3A_175 = vector.shape_cast %swap3A_174 : vector<1x16xf32> to vector<16xf32>
          %swap3A_176 = vector.shape_cast %mul3A_172 : vector<16xf32> to vector<1x16xf32>
          tpu.vector_store %arg14[%swap3A, %swap3A_173], %swap3A_176 {strides = array<i32>} : memref<64x128xf32, #tpu.memory_space<vmem>>, vector<1x16xf32>,
          %mul3A_177 = arith.mulf %get3A_163, %get3A_171 : vector<16xf32>
          %swap3A_178 = arith.index_cast %add3A_160 : i32 to index
          %swap3A_179 = arith.constant 64 : index
          %swap3A_180 = tpu.vector_load %arg14[%swap3A_178, %swap3A_179] {strides = array<i32>} : memref<64x128xf32, #tpu.memory_space<vmem>>, vector<1x16xf32>,
          %swap3A_181 = vector.shape_cast %swap3A_180 : vector<1x16xf32> to vector<16xf32>
          %swap3A_182 = vector.shape_cast %mul3A_177 : vector<16xf32> to vector<1x16xf32>
          tpu.vector_store %arg14[%swap3A_178, %swap3A_179], %swap3A_182 {strides = array<i32>} : memref<64x128xf32, #tpu.memory_space<vmem>>, vector<1x16xf32>,
          %get3A_183 = arith.index_cast %add3A_160 : i32 to index
          %get3A_184 = arith.constant 16 : index
          %get3A_185 = tpu.vector_load %arg10[%get3A_183, %get3A_184] {strides = array<i32>} : memref<64x128xf32, #tpu.memory_space<vmem>>, vector<1x16xf32>,
          %get3A_186 = vector.shape_cast %get3A_185 : vector<1x16xf32> to vector<16xf32>
          %get3A_187 = arith.index_cast %add3A_160 : i32 to index
          %get3A_188 = arith.constant 16 : index
          %get3A_189 = tpu.vector_load %arg12[%get3A_187, %get3A_188] {strides = array<i32>} : memref<64x128xf32, #tpu.memory_space<vmem>>, vector<1x16xf32>,
          %get3A_190 = vector.shape_cast %get3A_189 : vector<1x16xf32> to vector<16xf32>
          %get3A_191 = arith.index_cast %add3A_160 : i32 to index
          %get3A_192 = arith.constant 80 : index
          %get3A_193 = tpu.vector_load %arg12[%get3A_191, %get3A_192] {strides = array<i32>} : memref<64x128xf32, #tpu.memory_space<vmem>>, vector<1x16xf32>,
          %get3A_194 = vector.shape_cast %get3A_193 : vector<1x16xf32> to vector<16xf32>
          %mul3A_195 = arith.mulf %get3A_186, %get3A_190 : vector<16xf32>
          %swap3A_196 = arith.index_cast %add3A_160 : i32 to index
          %swap3A_197 = arith.constant 16 : index
          %swap3A_198 = tpu.vector_load %arg14[%swap3A_196, %swap3A_197] {strides = array<i32>} : memref<64x128xf32, #tpu.memory_space<vmem>>, vector<1x16xf32>,
          %swap3A_199 = vector.shape_cast %swap3A_198 : vector<1x16xf32> to vector<16xf32>
          %swap3A_200 = vector.shape_cast %mul3A_195 : vector<16xf32> to vector<1x16xf32>
          tpu.vector_store %arg14[%swap3A_196, %swap3A_197], %swap3A_200 {strides = array<i32>} : memref<64x128xf32, #tpu.memory_space<vmem>>, vector<1x16xf32>,
          %mul3A_201 = arith.mulf %get3A_186, %get3A_194 : vector<16xf32>
          %swap3A_202 = arith.index_cast %add3A_160 : i32 to index
          %swap3A_203 = arith.constant 80 : index
          %swap3A_204 = tpu.vector_load %arg14[%swap3A_202, %swap3A_203] {strides = array<i32>} : memref<64x128xf32, #tpu.memory_space<vmem>>, vector<1x16xf32>,
          %swap3A_205 = vector.shape_cast %swap3A_204 : vector<1x16xf32> to vector<16xf32>
          %swap3A_206 = vector.shape_cast %mul3A_201 : vector<16xf32> to vector<1x16xf32>
          tpu.vector_store %arg14[%swap3A_202, %swap3A_203], %swap3A_206 {strides = array<i32>} : memref<64x128xf32, #tpu.memory_space<vmem>>, vector<1x16xf32>,
          %get3A_207 = arith.index_cast %add3A_160 : i32 to index
          %get3A_208 = arith.constant 32 : index
          %get3A_209 = tpu.vector_load %arg10[%get3A_207, %get3A_208] {strides = array<i32>} : memref<64x128xf32, #tpu.memory_space<vmem>>, vector<1x16xf32>,
          %get3A_210 = vector.shape_cast %get3A_209 : vector<1x16xf32> to vector<16xf32>
          %get3A_211 = arith.index_cast %add3A_160 : i32 to index
          %get3A_212 = arith.constant 32 : index
          %get3A_213 = tpu.vector_load %arg12[%get3A_211, %get3A_212] {strides = array<i32>} : memref<64x128xf32, #tpu.memory_space<vmem>>, vector<1x16xf32>,
          %get3A_214 = vector.shape_cast %get3A_213 : vector<1x16xf32> to vector<16xf32>
          %get3A_215 = arith.index_cast %add3A_160 : i32 to index
          %get3A_216 = arith.constant 96 : index
          %get3A_217 = tpu.vector_load %arg12[%get3A_215, %get3A_216] {strides = array<i32>} : memref<64x128xf32, #tpu.memory_space<vmem>>, vector<1x16xf32>,
          %get3A_218 = vector.shape_cast %get3A_217 : vector<1x16xf32> to vector<16xf32>
          %mul3A_219 = arith.mulf %get3A_210, %get3A_214 : vector<16xf32>
          %swap3A_220 = arith.index_cast %add3A_160 : i32 to index
          %swap3A_221 = arith.constant 32 : index
          %swap3A_222 = tpu.vector_load %arg14[%swap3A_220, %swap3A_221] {strides = array<i32>} : memref<64x128xf32, #tpu.memory_space<vmem>>, vector<1x16xf32>,
          %swap3A_223 = vector.shape_cast %swap3A_222 : vector<1x16xf32> to vector<16xf32>
          %swap3A_224 = vector.shape_cast %mul3A_219 : vector<16xf32> to vector<1x16xf32>
          tpu.vector_store %arg14[%swap3A_220, %swap3A_221], %swap3A_224 {strides = array<i32>} : memref<64x128xf32, #tpu.memory_space<vmem>>, vector<1x16xf32>,
          %mul3A_225 = arith.mulf %get3A_210, %get3A_218 : vector<16xf32>
          %swap3A_226 = arith.index_cast %add3A_160 : i32 to index
          %swap3A_227 = arith.constant 96 : index
          %swap3A_228 = tpu.vector_load %arg14[%swap3A_226, %swap3A_227] {strides = array<i32>} : memref<64x128xf32, #tpu.memory_space<vmem>>, vector<1x16xf32>,
          %swap3A_229 = vector.shape_cast %swap3A_228 : vector<1x16xf32> to vector<16xf32>
          %swap3A_230 = vector.shape_cast %mul3A_225 : vector<16xf32> to vector<1x16xf32>
          tpu.vector_store %arg14[%swap3A_226, %swap3A_227], %swap3A_230 {strides = array<i32>} : memref<64x128xf32, #tpu.memory_space<vmem>>, vector<1x16xf32>,
          %get3A_231 = arith.index_cast %add3A_160 : i32 to index
          %get3A_232 = arith.constant 48 : index
          %get3A_233 = tpu.vector_load %arg10[%get3A_231, %get3A_232] {strides = array<i32>} : memref<64x128xf32, #tpu.memory_space<vmem>>, vector<1x16xf32>,
          %get3A_234 = vector.shape_cast %get3A_233 : vector<1x16xf32> to vector<16xf32>
          %get3A_235 = arith.index_cast %add3A_160 : i32 to index
          %get3A_236 = arith.constant 48 : index
          %get3A_237 = tpu.vector_load %arg12[%get3A_235, %get3A_236] {strides = array<i32>} : memref<64x128xf32, #tpu.memory_space<vmem>>, vector<1x16xf32>,
          %get3A_238 = vector.shape_cast %get3A_237 : vector<1x16xf32> to vector<16xf32>
          %get3A_239 = arith.index_cast %add3A_160 : i32 to index
          %get3A_240 = arith.constant 112 : index
          %get3A_241 = tpu.vector_load %arg12[%get3A_239, %get3A_240] {strides = array<i32>} : memref<64x128xf32, #tpu.memory_space<vmem>>, vector<1x16xf32>,
          %get3A_242 = vector.shape_cast %get3A_241 : vector<1x16xf32> to vector<16xf32>
          %mul3A_243 = arith.mulf %get3A_234, %get3A_238 : vector<16xf32>
          %swap3A_244 = arith.index_cast %add3A_160 : i32 to index
          %swap3A_245 = arith.constant 48 : index
          %swap3A_246 = tpu.vector_load %arg14[%swap3A_244, %swap3A_245] {strides = array<i32>} : memref<64x128xf32, #tpu.memory_space<vmem>>, vector<1x16xf32>,
          %swap3A_247 = vector.shape_cast %swap3A_246 : vector<1x16xf32> to vector<16xf32>
          %swap3A_248 = vector.shape_cast %mul3A_243 : vector<16xf32> to vector<1x16xf32>
          tpu.vector_store %arg14[%swap3A_244, %swap3A_245], %swap3A_248 {strides = array<i32>} : memref<64x128xf32, #tpu.memory_space<vmem>>, vector<1x16xf32>,
          %mul3A_249 = arith.mulf %get3A_234, %get3A_242 : vector<16xf32>
          %swap3A_250 = arith.index_cast %add3A_160 : i32 to index
          %swap3A_251 = arith.constant 112 : index
          %swap3A_252 = tpu.vector_load %arg14[%swap3A_250, %swap3A_251] {strides = array<i32>} : memref<64x128xf32, #tpu.memory_space<vmem>>, vector<1x16xf32>,
          %swap3A_253 = vector.shape_cast %swap3A_252 : vector<1x16xf32> to vector<16xf32>
          %swap3A_254 = vector.shape_cast %mul3A_249 : vector<16xf32> to vector<1x16xf32>
          tpu.vector_store %arg14[%swap3A_250, %swap3A_251], %swap3A_254 {strides = array<i32>} : memref<64x128xf32, #tpu.memory_space<vmem>>, vector<1x16xf32>,
        }
        %scan3A_155 = arith.constant 64 : i32
      } else {
      }
      %eq3A_112 = arith.constant 1 : i32
      %eq3A_113 = arith.cmpi eq, %arg0, %eq3A_112 : i32
      %convert_element_type3A_114 = arith.extui %eq3A_113 : i1 to i32
      %cond3A_115 = arith.constant 0 : i32
      %cond3A_116 = arith.cmpi ne, %convert_element_type3A_114, %cond3A_115 : i32
      scf.if %cond3A_116 {
        %scan3A_151 = arith.constant 0 : i32
        %scan3A_152 = arith.constant 64 : i32
        %scan3A_153 = arith.addi %scan3A_151, %scan3A_152 : i32
        %scan3A_154 = arith.constant 1 : i32
        scf.for %scan3A_156 = %scan3A_151 to %scan3A_153 step %scan3A_154  : i32 {
          %mul3A_157 = arith.constant 1 : i32
          %mul3A_158 = arith.muli %scan3A_156, %mul3A_157 : i32
          %add3A_159 = arith.constant 0 : i32
          %add3A_160 = arith.addi %add3A_159, %mul3A_158 : i32
          %get3A = arith.index_cast %add3A_160 : i32 to index
          %get3A_161 = arith.constant 64 : index
          %get3A_162 = tpu.vector_load %arg10[%get3A, %get3A_161] {strides = array<i32>} : memref<64x128xf32, #tpu.memory_space<vmem>>, vector<1x16xf32>,
          %get3A_163 = vector.shape_cast %get3A_162 : vector<1x16xf32> to vector<16xf32>
          %get3A_164 = arith.index_cast %add3A_160 : i32 to index
          %get3A_165 = arith.constant 0 : index
          %get3A_166 = tpu.vector_load %arg12[%get3A_164, %get3A_165] {strides = array<i32>} : memref<64x128xf32, #tpu.memory_space<vmem>>, vector<1x16xf32>,
          %get3A_167 = vector.shape_cast %get3A_166 : vector<1x16xf32> to vector<16xf32>
          %get3A_168 = arith.index_cast %add3A_160 : i32 to index
          %get3A_169 = arith.constant 64 : index
          %get3A_170 = tpu.vector_load %arg12[%get3A_168, %get3A_169] {strides = array<i32>} : memref<64x128xf32, #tpu.memory_space<vmem>>, vector<1x16xf32>,
          %get3A_171 = vector.shape_cast %get3A_170 : vector<1x16xf32> to vector<16xf32>
          %mul3A_172 = arith.mulf %get3A_163, %get3A_167 : vector<16xf32>
          %swap3A = arith.index_cast %add3A_160 : i32 to index
          %swap3A_173 = arith.constant 0 : index
          %swap3A_174 = tpu.vector_load %arg14[%swap3A, %swap3A_173] {strides = array<i32>} : memref<64x128xf32, #tpu.memory_space<vmem>>, vector<1x16xf32>,
          %swap3A_175 = vector.shape_cast %swap3A_174 : vector<1x16xf32> to vector<16xf32>
          %swap3A_176 = vector.shape_cast %mul3A_172 : vector<16xf32> to vector<1x16xf32>
          tpu.vector_store %arg14[%swap3A, %swap3A_173], %swap3A_176 {strides = array<i32>} : memref<64x128xf32, #tpu.memory_space<vmem>>, vector<1x16xf32>,
          %mul3A_177 = arith.mulf %get3A_163, %get3A_171 : vector<16xf32>
          %swap3A_178 = arith.index_cast %add3A_160 : i32 to index
          %swap3A_179 = arith.constant 64 : index
          %swap3A_180 = tpu.vector_load %arg14[%swap3A_178, %swap3A_179] {strides = array<i32>} : memref<64x128xf32, #tpu.memory_space<vmem>>, vector<1x16xf32>,
          %swap3A_181 = vector.shape_cast %swap3A_180 : vector<1x16xf32> to vector<16xf32>
          %swap3A_182 = vector.shape_cast %mul3A_177 : vector<16xf32> to vector<1x16xf32>
          tpu.vector_store %arg14[%swap3A_178, %swap3A_179], %swap3A_182 {strides = array<i32>} : memref<64x128xf32, #tpu.memory_space<vmem>>, vector<1x16xf32>,
          %get3A_183 = arith.index_cast %add3A_160 : i32 to index
          %get3A_184 = arith.constant 80 : index
          %get3A_185 = tpu.vector_load %arg10[%get3A_183, %get3A_184] {strides = array<i32>} : memref<64x128xf32, #tpu.memory_space<vmem>>, vector<1x16xf32>,
          %get3A_186 = vector.shape_cast %get3A_185 : vector<1x16xf32> to vector<16xf32>
          %get3A_187 = arith.index_cast %add3A_160 : i32 to index
          %get3A_188 = arith.constant 16 : index
          %get3A_189 = tpu.vector_load %arg12[%get3A_187, %get3A_188] {strides = array<i32>} : memref<64x128xf32, #tpu.memory_space<vmem>>, vector<1x16xf32>,
          %get3A_190 = vector.shape_cast %get3A_189 : vector<1x16xf32> to vector<16xf32>
          %get3A_191 = arith.index_cast %add3A_160 : i32 to index
          %get3A_192 = arith.constant 80 : index
          %get3A_193 = tpu.vector_load %arg12[%get3A_191, %get3A_192] {strides = array<i32>} : memref<64x128xf32, #tpu.memory_space<vmem>>, vector<1x16xf32>,
          %get3A_194 = vector.shape_cast %get3A_193 : vector<1x16xf32> to vector<16xf32>
          %mul3A_195 = arith.mulf %get3A_186, %get3A_190 : vector<16xf32>
          %swap3A_196 = arith.index_cast %add3A_160 : i32 to index
          %swap3A_197 = arith.constant 16 : index
          %swap3A_198 = tpu.vector_load %arg14[%swap3A_196, %swap3A_197] {strides = array<i32>} : memref<64x128xf32, #tpu.memory_space<vmem>>, vector<1x16xf32>,
          %swap3A_199 = vector.shape_cast %swap3A_198 : vector<1x16xf32> to vector<16xf32>
          %swap3A_200 = vector.shape_cast %mul3A_195 : vector<16xf32> to vector<1x16xf32>
          tpu.vector_store %arg14[%swap3A_196, %swap3A_197], %swap3A_200 {strides = array<i32>} : memref<64x128xf32, #tpu.memory_space<vmem>>, vector<1x16xf32>,
          %mul3A_201 = arith.mulf %get3A_186, %get3A_194 : vector<16xf32>
          %swap3A_202 = arith.index_cast %add3A_160 : i32 to index
          %swap3A_203 = arith.constant 80 : index
          %swap3A_204 = tpu.vector_load %arg14[%swap3A_202, %swap3A_203] {strides = array<i32>} : memref<64x128xf32, #tpu.memory_space<vmem>>, vector<1x16xf32>,
          %swap3A_205 = vector.shape_cast %swap3A_204 : vector<1x16xf32> to vector<16xf32>
          %swap3A_206 = vector.shape_cast %mul3A_201 : vector<16xf32> to vector<1x16xf32>
          tpu.vector_store %arg14[%swap3A_202, %swap3A_203], %swap3A_206 {strides = array<i32>} : memref<64x128xf32, #tpu.memory_space<vmem>>, vector<1x16xf32>,
          %get3A_207 = arith.index_cast %add3A_160 : i32 to index
          %get3A_208 = arith.constant 96 : index
          %get3A_209 = tpu.vector_load %arg10[%get3A_207, %get3A_208] {strides = array<i32>} : memref<64x128xf32, #tpu.memory_space<vmem>>, vector<1x16xf32>,
          %get3A_210 = vector.shape_cast %get3A_209 : vector<1x16xf32> to vector<16xf32>
          %get3A_211 = arith.index_cast %add3A_160 : i32 to index
          %get3A_212 = arith.constant 32 : index
          %get3A_213 = tpu.vector_load %arg12[%get3A_211, %get3A_212] {strides = array<i32>} : memref<64x128xf32, #tpu.memory_space<vmem>>, vector<1x16xf32>,
          %get3A_214 = vector.shape_cast %get3A_213 : vector<1x16xf32> to vector<16xf32>
          %get3A_215 = arith.index_cast %add3A_160 : i32 to index
          %get3A_216 = arith.constant 96 : index
          %get3A_217 = tpu.vector_load %arg12[%get3A_215, %get3A_216] {strides = array<i32>} : memref<64x128xf32, #tpu.memory_space<vmem>>, vector<1x16xf32>,
          %get3A_218 = vector.shape_cast %get3A_217 : vector<1x16xf32> to vector<16xf32>
          %mul3A_219 = arith.mulf %get3A_210, %get3A_214 : vector<16xf32>
          %swap3A_220 = arith.index_cast %add3A_160 : i32 to index
          %swap3A_221 = arith.constant 32 : index
          %swap3A_222 = tpu.vector_load %arg14[%swap3A_220, %swap3A_221] {strides = array<i32>} : memref<64x128xf32, #tpu.memory_space<vmem>>, vector<1x16xf32>,
          %swap3A_223 = vector.shape_cast %swap3A_222 : vector<1x16xf32> to vector<16xf32>
          %swap3A_224 = vector.shape_cast %mul3A_219 : vector<16xf32> to vector<1x16xf32>
          tpu.vector_store %arg14[%swap3A_220, %swap3A_221], %swap3A_224 {strides = array<i32>} : memref<64x128xf32, #tpu.memory_space<vmem>>, vector<1x16xf32>,
          %mul3A_225 = arith.mulf %get3A_210, %get3A_218 : vector<16xf32>
          %swap3A_226 = arith.index_cast %add3A_160 : i32 to index
          %swap3A_227 = arith.constant 96 : index
          %swap3A_228 = tpu.vector_load %arg14[%swap3A_226, %swap3A_227] {strides = array<i32>} : memref<64x128xf32, #tpu.memory_space<vmem>>, vector<1x16xf32>,
          %swap3A_229 = vector.shape_cast %swap3A_228 : vector<1x16xf32> to vector<16xf32>
          %swap3A_230 = vector.shape_cast %mul3A_225 : vector<16xf32> to vector<1x16xf32>
          tpu.vector_store %arg14[%swap3A_226, %swap3A_227], %swap3A_230 {strides = array<i32>} : memref<64x128xf32, #tpu.memory_space<vmem>>, vector<1x16xf32>,
          %get3A_231 = arith.index_cast %add3A_160 : i32 to index
          %get3A_232 = arith.constant 112 : index
          %get3A_233 = tpu.vector_load %arg10[%get3A_231, %get3A_232] {strides = array<i32>} : memref<64x128xf32, #tpu.memory_space<vmem>>, vector<1x16xf32>,
          %get3A_234 = vector.shape_cast %get3A_233 : vector<1x16xf32> to vector<16xf32>
          %get3A_235 = arith.index_cast %add3A_160 : i32 to index
          %get3A_236 = arith.constant 48 : index
          %get3A_237 = tpu.vector_load %arg12[%get3A_235, %get3A_236] {strides = array<i32>} : memref<64x128xf32, #tpu.memory_space<vmem>>, vector<1x16xf32>,
          %get3A_238 = vector.shape_cast %get3A_237 : vector<1x16xf32> to vector<16xf32>
          %get3A_239 = arith.index_cast %add3A_160 : i32 to index
          %get3A_240 = arith.constant 112 : index
          %get3A_241 = tpu.vector_load %arg12[%get3A_239, %get3A_240] {strides = array<i32>} : memref<64x128xf32, #tpu.memory_space<vmem>>, vector<1x16xf32>,
          %get3A_242 = vector.shape_cast %get3A_241 : vector<1x16xf32> to vector<16xf32>
          %mul3A_243 = arith.mulf %get3A_234, %get3A_238 : vector<16xf32>
          %swap3A_244 = arith.index_cast %add3A_160 : i32 to index
          %swap3A_245 = arith.constant 48 : index
          %swap3A_246 = tpu.vector_load %arg14[%swap3A_244, %swap3A_245] {strides = array<i32>} : memref<64x128xf32, #tpu.memory_space<vmem>>, vector<1x16xf32>,
          %swap3A_247 = vector.shape_cast %swap3A_246 : vector<1x16xf32> to vector<16xf32>
          %swap3A_248 = vector.shape_cast %mul3A_243 : vector<16xf32> to vector<1x16xf32>
          tpu.vector_store %arg14[%swap3A_244, %swap3A_245], %swap3A_248 {strides = array<i32>} : memref<64x128xf32, #tpu.memory_space<vmem>>, vector<1x16xf32>,
          %mul3A_249 = arith.mulf %get3A_234, %get3A_242 : vector<16xf32>
          %swap3A_250 = arith.index_cast %add3A_160 : i32 to index
          %swap3A_251 = arith.constant 112 : index
          %swap3A_252 = tpu.vector_load %arg14[%swap3A_250, %swap3A_251] {strides = array<i32>} : memref<64x128xf32, #tpu.memory_space<vmem>>, vector<1x16xf32>,
          %swap3A_253 = vector.shape_cast %swap3A_252 : vector<1x16xf32> to vector<16xf32>
          %swap3A_254 = vector.shape_cast %mul3A_249 : vector<16xf32> to vector<1x16xf32>
          tpu.vector_store %arg14[%swap3A_250, %swap3A_251], %swap3A_254 {strides = array<i32>} : memref<64x128xf32, #tpu.memory_space<vmem>>, vector<1x16xf32>,
        }
        %scan3A_155 = arith.constant 64 : i32
      } else {
      }
      %run_scoped3A = arith.constant 2 : i32
      "tpu.region"() ({
        %run_scoped3A_151 = tpu.sem_alloc : memref<!tpu.dma_semaphore, #tpu.memory_space<semaphore_mem>>
        %dma_start3A_152 = arith.constant 0 : i32
        %dma_start3A_153 = tpu.memref_slice %arg8[%run_scoped3A, %dma_start3A_152] : memref<3x64xi32, #tpu.memory_space<vmem>> -> memref<1x64xi32, #tpu.memory_space<vmem>>
        %dma_start3A_154 = tpu.memref_squeeze %dma_start3A_153 : memref<1x64xi32, #tpu.memory_space<vmem>> -> memref<64xi32, #tpu.memory_space<vmem>>
        %dma_start3A_155 = arith.constant 0 : i32
        %dma_start3A_156 = arith.constant 0 : i32
        %dma_start3A_157 = tpu.memref_slice %arg6[%dma_start3A_155, %dma_start3A_156] : memref<10240x128xf32, #tpu.memory_space<vmem_shared>> -> memref<10240x128xf32, #tpu.memory_space<vmem_shared>>
        tpu.enqueue_indirect_dma source(%arg14 : memref<64x128xf32, #tpu.memory_space<vmem>>) target(%dma_start3A_157 : memref<10240x128xf32, #tpu.memory_space<vmem_shared>>) offsets(%dma_start3A_154 : memref<64xi32, #tpu.memory_space<vmem>>) semaphore(%run_scoped3A_151 : memref<!tpu.dma_semaphore, #tpu.memory_space<semaphore_mem>>) {add = true}
        %dma_wait3A_158 = arith.constant 0 : i32
        %dma_wait3A_159 = tpu.memref_slice %arg8[%run_scoped3A, %dma_wait3A_158] : memref<3x64xi32, #tpu.memory_space<vmem>> -> memref<1x64xi32, #tpu.memory_space<vmem>>
        %dma_wait3A_160 = tpu.memref_squeeze %dma_wait3A_159 : memref<1x64xi32, #tpu.memory_space<vmem>> -> memref<64xi32, #tpu.memory_space<vmem>>
        %dma_wait3A_161 = arith.constant 0 : i32
        %dma_wait3A_162 = arith.constant 0 : i32
        %dma_wait3A_163 = tpu.memref_slice %arg6[%dma_wait3A_161, %dma_wait3A_162] : memref<10240x128xf32, #tpu.memory_space<vmem_shared>> -> memref<10240x128xf32, #tpu.memory_space<vmem_shared>>
        tpu.wait_indirect_dma semaphore(%run_scoped3A_151 : memref<!tpu.dma_semaphore, #tpu.memory_space<semaphore_mem>>) src(%arg14 : memref<64x128xf32, #tpu.memory_space<vmem>>) dst(%dma_wait3A_163 : memref<10240x128xf32, #tpu.memory_space<vmem_shared>>)
        tpu.yield
      }) : () -> ()
      %mul3A_117 = arith.constant 2 : i32
      %mul3A_118 = arith.muli %mul3A_117, %add3A_85 : i32
      %add3A_119 = arith.constant 1 : i32
      %add3A_120 = arith.addi %mul3A_118, %add3A_119 : i32
      %dma_wait3A_121 = arith.constant 0 : i32
      %dma_wait3A_122 = arith.constant 0 : i32
      %dma_wait3A_123 = tpu.memref_slice %arg3[%dma_wait3A_121, %dma_wait3A_122] : memref<20480x128xf32, #tpu.memory_space<hbm>> -> memref<64x128xf32, #tpu.memory_space<hbm>>
      %dma_wait3A_124 = arith.constant 0 : i32
      %dma_wait3A_125 = arith.constant 0 : i32
      %dma_wait3A_126 = tpu.memref_slice %arg3[%dma_wait3A_124, %dma_wait3A_125] : memref<20480x128xf32, #tpu.memory_space<hbm>> -> memref<64x128xf32, #tpu.memory_space<hbm>>
      tpu.wait_dma2 semaphore(%arg17 : memref<!tpu.dma_semaphore, #tpu.memory_space<semaphore_mem>>) src(%dma_wait3A_126 : memref<64x128xf32, #tpu.memory_space<hbm>>) dst(%arg11 : memref<64x128xf32, #tpu.memory_space<vmem>>)
      %dma_wait3A_127 = arith.constant 0 : i32
      %dma_wait3A_128 = arith.constant 0 : i32
      %dma_wait3A_129 = tpu.memref_slice %arg3[%dma_wait3A_127, %dma_wait3A_128] : memref<20480x128xf32, #tpu.memory_space<hbm>> -> memref<64x128xf32, #tpu.memory_space<hbm>>
      %dma_wait3A_130 = arith.constant 0 : i32
      %dma_wait3A_131 = arith.constant 0 : i32
      %dma_wait3A_132 = tpu.memref_slice %arg3[%dma_wait3A_130, %dma_wait3A_131] : memref<20480x128xf32, #tpu.memory_space<hbm>> -> memref<64x128xf32, #tpu.memory_space<hbm>>
      tpu.wait_dma2 semaphore(%arg19 : memref<!tpu.dma_semaphore, #tpu.memory_space<semaphore_mem>>) src(%dma_wait3A_132 : memref<64x128xf32, #tpu.memory_space<hbm>>) dst(%arg13 : memref<64x128xf32, #tpu.memory_space<vmem>>)
      %add3A_133 = arith.constant 1 : i32
      %add3A_134 = arith.addi %add3A_120, %add3A_133 : i32
      %lt3A_135 = arith.constant 158 : i32
      %lt3A_136 = arith.cmpi slt, %add3A_134, %lt3A_135 : i32
      %convert_element_type3A_137 = arith.extui %lt3A_136 : i1 to i32
      %cond3A_138 = arith.constant 0 : i32
      %cond3A_139 = arith.cmpi ne, %convert_element_type3A_137, %cond3A_138 : i32
      scf.if %cond3A_139 {
        %add3A_151 = arith.addi %mul3A_51, %add3A_120 : i32
        %add3A_152 = arith.constant 1 : i32
        %add3A_153 = arith.addi %add3A_151, %add3A_152 : i32
        "tpu.region"() ({
          %run_scoped3A_168 = tpu.sem_alloc : memref<!tpu.dma_semaphore, #tpu.memory_space<semaphore_mem>>
          %dma_start3A_169 = arith.constant 0 : i32
          %dma_start3A_170 = arith.constant 0 : i32
          %dma_start3A_171 = tpu.memref_slice %arg2[%add3A_153, %dma_start3A_169, %dma_start3A_170] : memref<5056x3x64xi32, #tpu.memory_space<hbm>> -> memref<1x3x64xi32, #tpu.memory_space<hbm>>
          %dma_start3A_172 = tpu.memref_squeeze %dma_start3A_171 : memref<1x3x64xi32, #tpu.memory_space<hbm>> -> memref<3x64xi32, #tpu.memory_space<hbm>>
          %dma_start3A_173 = arith.constant 0 : i32
          %dma_start3A_174 = arith.constant 0 : i32
          %dma_start3A_175 = tpu.memref_slice %arg2[%add3A_153, %dma_start3A_173, %dma_start3A_174] : memref<5056x3x64xi32, #tpu.memory_space<hbm>> -> memref<1x3x64xi32, #tpu.memory_space<hbm>>
          %dma_start3A_176 = tpu.memref_squeeze %dma_start3A_175 : memref<1x3x64xi32, #tpu.memory_space<hbm>> -> memref<3x64xi32, #tpu.memory_space<hbm>>
          tpu.enqueue_dma source(%dma_start3A_176 : memref<3x64xi32, #tpu.memory_space<hbm>>) target(%arg8 : memref<3x64xi32, #tpu.memory_space<vmem>>) target_semaphore(%run_scoped3A_168 : memref<!tpu.dma_semaphore, #tpu.memory_space<semaphore_mem>>)
          %dma_wait3A_177 = arith.constant 0 : i32
          %dma_wait3A_178 = arith.constant 0 : i32
          %dma_wait3A_179 = tpu.memref_slice %arg2[%add3A_153, %dma_wait3A_177, %dma_wait3A_178] : memref<5056x3x64xi32, #tpu.memory_space<hbm>> -> memref<1x3x64xi32, #tpu.memory_space<hbm>>
          %dma_wait3A_180 = tpu.memref_squeeze %dma_wait3A_179 : memref<1x3x64xi32, #tpu.memory_space<hbm>> -> memref<3x64xi32, #tpu.memory_space<hbm>>
          %dma_wait3A_181 = arith.constant 0 : i32
          %dma_wait3A_182 = arith.constant 0 : i32
          %dma_wait3A_183 = tpu.memref_slice %arg2[%add3A_153, %dma_wait3A_181, %dma_wait3A_182] : memref<5056x3x64xi32, #tpu.memory_space<hbm>> -> memref<1x3x64xi32, #tpu.memory_space<hbm>>
          %dma_wait3A_184 = tpu.memref_squeeze %dma_wait3A_183 : memref<1x3x64xi32, #tpu.memory_space<hbm>> -> memref<3x64xi32, #tpu.memory_space<hbm>>
          tpu.wait_dma2 semaphore(%run_scoped3A_168 : memref<!tpu.dma_semaphore, #tpu.memory_space<semaphore_mem>>) src(%dma_wait3A_184 : memref<3x64xi32, #tpu.memory_space<hbm>>) dst(%arg8 : memref<3x64xi32, #tpu.memory_space<vmem>>)
          tpu.yield
        }) : () -> ()
        %dma_start3A_154 = arith.constant 0 : i32
        %dma_start3A_155 = arith.constant 0 : i32
        %dma_start3A_156 = tpu.memref_slice %arg8[%dma_start3A_154, %dma_start3A_155] : memref<3x64xi32, #tpu.memory_space<vmem>> -> memref<1x64xi32, #tpu.memory_space<vmem>>
        %dma_start3A_157 = tpu.memref_squeeze %dma_start3A_156 : memref<1x64xi32, #tpu.memory_space<vmem>> -> memref<64xi32, #tpu.memory_space<vmem>>
        %dma_start3A_158 = arith.constant 0 : i32
        %dma_start3A_159 = arith.constant 0 : i32
        %dma_start3A_160 = tpu.memref_slice %arg3[%dma_start3A_158, %dma_start3A_159] : memref<20480x128xf32, #tpu.memory_space<hbm>> -> memref<20480x128xf32, #tpu.memory_space<hbm>>
        tpu.enqueue_indirect_dma source(%dma_start3A_160 : memref<20480x128xf32, #tpu.memory_space<hbm>>) target(%arg10 : memref<64x128xf32, #tpu.memory_space<vmem>>) offsets(%dma_start3A_157 : memref<64xi32, #tpu.memory_space<vmem>>) semaphore(%arg16 : memref<!tpu.dma_semaphore, #tpu.memory_space<semaphore_mem>>)
        %dma_start3A_161 = arith.constant 1 : i32
        %dma_start3A_162 = arith.constant 0 : i32
        %dma_start3A_163 = tpu.memref_slice %arg8[%dma_start3A_161, %dma_start3A_162] : memref<3x64xi32, #tpu.memory_space<vmem>> -> memref<1x64xi32, #tpu.memory_space<vmem>>
        %dma_start3A_164 = tpu.memref_squeeze %dma_start3A_163 : memref<1x64xi32, #tpu.memory_space<vmem>> -> memref<64xi32, #tpu.memory_space<vmem>>
        %dma_start3A_165 = arith.constant 0 : i32
        %dma_start3A_166 = arith.constant 0 : i32
        %dma_start3A_167 = tpu.memref_slice %arg7[%dma_start3A_165, %dma_start3A_166] : memref<208x128xf32, #tpu.memory_space<vmem_shared>> -> memref<208x128xf32, #tpu.memory_space<vmem_shared>>
        tpu.enqueue_indirect_dma source(%dma_start3A_167 : memref<208x128xf32, #tpu.memory_space<vmem_shared>>) target(%arg12 : memref<64x128xf32, #tpu.memory_space<vmem>>) offsets(%dma_start3A_164 : memref<64xi32, #tpu.memory_space<vmem>>) semaphore(%arg18 : memref<!tpu.dma_semaphore, #tpu.memory_space<semaphore_mem>>)
      } else {
      }
      %eq3A_140 = arith.constant 0 : i32
      %eq3A_141 = arith.cmpi eq, %arg0, %eq3A_140 : i32
      %convert_element_type3A_142 = arith.extui %eq3A_141 : i1 to i32
      %cond3A_143 = arith.constant 0 : i32
      %cond3A_144 = arith.cmpi ne, %convert_element_type3A_142, %cond3A_143 : i32
      scf.if %cond3A_144 {
        %scan3A_151 = arith.constant 0 : i32
        %scan3A_152 = arith.constant 64 : i32
        %scan3A_153 = arith.addi %scan3A_151, %scan3A_152 : i32
        %scan3A_154 = arith.constant 1 : i32
        scf.for %scan3A_156 = %scan3A_151 to %scan3A_153 step %scan3A_154  : i32 {
          %mul3A_157 = arith.constant 1 : i32
          %mul3A_158 = arith.muli %scan3A_156, %mul3A_157 : i32
          %add3A_159 = arith.constant 0 : i32
          %add3A_160 = arith.addi %add3A_159, %mul3A_158 : i32
          %get3A = arith.index_cast %add3A_160 : i32 to index
          %get3A_161 = arith.constant 0 : index
          %get3A_162 = tpu.vector_load %arg11[%get3A, %get3A_161] {strides = array<i32>} : memref<64x128xf32, #tpu.memory_space<vmem>>, vector<1x16xf32>,
          %get3A_163 = vector.shape_cast %get3A_162 : vector<1x16xf32> to vector<16xf32>
          %get3A_164 = arith.index_cast %add3A_160 : i32 to index
          %get3A_165 = arith.constant 0 : index
          %get3A_166 = tpu.vector_load %arg13[%get3A_164, %get3A_165] {strides = array<i32>} : memref<64x128xf32, #tpu.memory_space<vmem>>, vector<1x16xf32>,
          %get3A_167 = vector.shape_cast %get3A_166 : vector<1x16xf32> to vector<16xf32>
          %get3A_168 = arith.index_cast %add3A_160 : i32 to index
          %get3A_169 = arith.constant 64 : index
          %get3A_170 = tpu.vector_load %arg13[%get3A_168, %get3A_169] {strides = array<i32>} : memref<64x128xf32, #tpu.memory_space<vmem>>, vector<1x16xf32>,
          %get3A_171 = vector.shape_cast %get3A_170 : vector<1x16xf32> to vector<16xf32>
          %mul3A_172 = arith.mulf %get3A_163, %get3A_167 : vector<16xf32>
          %swap3A = arith.index_cast %add3A_160 : i32 to index
          %swap3A_173 = arith.constant 0 : index
          %swap3A_174 = tpu.vector_load %arg14[%swap3A, %swap3A_173] {strides = array<i32>} : memref<64x128xf32, #tpu.memory_space<vmem>>, vector<1x16xf32>,
          %swap3A_175 = vector.shape_cast %swap3A_174 : vector<1x16xf32> to vector<16xf32>
          %swap3A_176 = vector.shape_cast %mul3A_172 : vector<16xf32> to vector<1x16xf32>
          tpu.vector_store %arg14[%swap3A, %swap3A_173], %swap3A_176 {strides = array<i32>} : memref<64x128xf32, #tpu.memory_space<vmem>>, vector<1x16xf32>,
          %mul3A_177 = arith.mulf %get3A_163, %get3A_171 : vector<16xf32>
          %swap3A_178 = arith.index_cast %add3A_160 : i32 to index
          %swap3A_179 = arith.constant 64 : index
          %swap3A_180 = tpu.vector_load %arg14[%swap3A_178, %swap3A_179] {strides = array<i32>} : memref<64x128xf32, #tpu.memory_space<vmem>>, vector<1x16xf32>,
          %swap3A_181 = vector.shape_cast %swap3A_180 : vector<1x16xf32> to vector<16xf32>
          %swap3A_182 = vector.shape_cast %mul3A_177 : vector<16xf32> to vector<1x16xf32>
          tpu.vector_store %arg14[%swap3A_178, %swap3A_179], %swap3A_182 {strides = array<i32>} : memref<64x128xf32, #tpu.memory_space<vmem>>, vector<1x16xf32>,
          %get3A_183 = arith.index_cast %add3A_160 : i32 to index
          %get3A_184 = arith.constant 16 : index
          %get3A_185 = tpu.vector_load %arg11[%get3A_183, %get3A_184] {strides = array<i32>} : memref<64x128xf32, #tpu.memory_space<vmem>>, vector<1x16xf32>,
          %get3A_186 = vector.shape_cast %get3A_185 : vector<1x16xf32> to vector<16xf32>
          %get3A_187 = arith.index_cast %add3A_160 : i32 to index
          %get3A_188 = arith.constant 16 : index
          %get3A_189 = tpu.vector_load %arg13[%get3A_187, %get3A_188] {strides = array<i32>} : memref<64x128xf32, #tpu.memory_space<vmem>>, vector<1x16xf32>,
          %get3A_190 = vector.shape_cast %get3A_189 : vector<1x16xf32> to vector<16xf32>
          %get3A_191 = arith.index_cast %add3A_160 : i32 to index
          %get3A_192 = arith.constant 80 : index
          %get3A_193 = tpu.vector_load %arg13[%get3A_191, %get3A_192] {strides = array<i32>} : memref<64x128xf32, #tpu.memory_space<vmem>>, vector<1x16xf32>,
          %get3A_194 = vector.shape_cast %get3A_193 : vector<1x16xf32> to vector<16xf32>
          %mul3A_195 = arith.mulf %get3A_186, %get3A_190 : vector<16xf32>
          %swap3A_196 = arith.index_cast %add3A_160 : i32 to index
          %swap3A_197 = arith.constant 16 : index
          %swap3A_198 = tpu.vector_load %arg14[%swap3A_196, %swap3A_197] {strides = array<i32>} : memref<64x128xf32, #tpu.memory_space<vmem>>, vector<1x16xf32>,
          %swap3A_199 = vector.shape_cast %swap3A_198 : vector<1x16xf32> to vector<16xf32>
          %swap3A_200 = vector.shape_cast %mul3A_195 : vector<16xf32> to vector<1x16xf32>
          tpu.vector_store %arg14[%swap3A_196, %swap3A_197], %swap3A_200 {strides = array<i32>} : memref<64x128xf32, #tpu.memory_space<vmem>>, vector<1x16xf32>,
          %mul3A_201 = arith.mulf %get3A_186, %get3A_194 : vector<16xf32>
          %swap3A_202 = arith.index_cast %add3A_160 : i32 to index
          %swap3A_203 = arith.constant 80 : index
          %swap3A_204 = tpu.vector_load %arg14[%swap3A_202, %swap3A_203] {strides = array<i32>} : memref<64x128xf32, #tpu.memory_space<vmem>>, vector<1x16xf32>,
          %swap3A_205 = vector.shape_cast %swap3A_204 : vector<1x16xf32> to vector<16xf32>
          %swap3A_206 = vector.shape_cast %mul3A_201 : vector<16xf32> to vector<1x16xf32>
          tpu.vector_store %arg14[%swap3A_202, %swap3A_203], %swap3A_206 {strides = array<i32>} : memref<64x128xf32, #tpu.memory_space<vmem>>, vector<1x16xf32>,
          %get3A_207 = arith.index_cast %add3A_160 : i32 to index
          %get3A_208 = arith.constant 32 : index
          %get3A_209 = tpu.vector_load %arg11[%get3A_207, %get3A_208] {strides = array<i32>} : memref<64x128xf32, #tpu.memory_space<vmem>>, vector<1x16xf32>,
          %get3A_210 = vector.shape_cast %get3A_209 : vector<1x16xf32> to vector<16xf32>
          %get3A_211 = arith.index_cast %add3A_160 : i32 to index
          %get3A_212 = arith.constant 32 : index
          %get3A_213 = tpu.vector_load %arg13[%get3A_211, %get3A_212] {strides = array<i32>} : memref<64x128xf32, #tpu.memory_space<vmem>>, vector<1x16xf32>,
          %get3A_214 = vector.shape_cast %get3A_213 : vector<1x16xf32> to vector<16xf32>
          %get3A_215 = arith.index_cast %add3A_160 : i32 to index
          %get3A_216 = arith.constant 96 : index
          %get3A_217 = tpu.vector_load %arg13[%get3A_215, %get3A_216] {strides = array<i32>} : memref<64x128xf32, #tpu.memory_space<vmem>>, vector<1x16xf32>,
          %get3A_218 = vector.shape_cast %get3A_217 : vector<1x16xf32> to vector<16xf32>
          %mul3A_219 = arith.mulf %get3A_210, %get3A_214 : vector<16xf32>
          %swap3A_220 = arith.index_cast %add3A_160 : i32 to index
          %swap3A_221 = arith.constant 32 : index
          %swap3A_222 = tpu.vector_load %arg14[%swap3A_220, %swap3A_221] {strides = array<i32>} : memref<64x128xf32, #tpu.memory_space<vmem>>, vector<1x16xf32>,
          %swap3A_223 = vector.shape_cast %swap3A_222 : vector<1x16xf32> to vector<16xf32>
          %swap3A_224 = vector.shape_cast %mul3A_219 : vector<16xf32> to vector<1x16xf32>
          tpu.vector_store %arg14[%swap3A_220, %swap3A_221], %swap3A_224 {strides = array<i32>} : memref<64x128xf32, #tpu.memory_space<vmem>>, vector<1x16xf32>,
          %mul3A_225 = arith.mulf %get3A_210, %get3A_218 : vector<16xf32>
          %swap3A_226 = arith.index_cast %add3A_160 : i32 to index
          %swap3A_227 = arith.constant 96 : index
          %swap3A_228 = tpu.vector_load %arg14[%swap3A_226, %swap3A_227] {strides = array<i32>} : memref<64x128xf32, #tpu.memory_space<vmem>>, vector<1x16xf32>,
          %swap3A_229 = vector.shape_cast %swap3A_228 : vector<1x16xf32> to vector<16xf32>
          %swap3A_230 = vector.shape_cast %mul3A_225 : vector<16xf32> to vector<1x16xf32>
          tpu.vector_store %arg14[%swap3A_226, %swap3A_227], %swap3A_230 {strides = array<i32>} : memref<64x128xf32, #tpu.memory_space<vmem>>, vector<1x16xf32>,
          %get3A_231 = arith.index_cast %add3A_160 : i32 to index
          %get3A_232 = arith.constant 48 : index
          %get3A_233 = tpu.vector_load %arg11[%get3A_231, %get3A_232] {strides = array<i32>} : memref<64x128xf32, #tpu.memory_space<vmem>>, vector<1x16xf32>,
          %get3A_234 = vector.shape_cast %get3A_233 : vector<1x16xf32> to vector<16xf32>
          %get3A_235 = arith.index_cast %add3A_160 : i32 to index
          %get3A_236 = arith.constant 48 : index
          %get3A_237 = tpu.vector_load %arg13[%get3A_235, %get3A_236] {strides = array<i32>} : memref<64x128xf32, #tpu.memory_space<vmem>>, vector<1x16xf32>,
          %get3A_238 = vector.shape_cast %get3A_237 : vector<1x16xf32> to vector<16xf32>
          %get3A_239 = arith.index_cast %add3A_160 : i32 to index
          %get3A_240 = arith.constant 112 : index
          %get3A_241 = tpu.vector_load %arg13[%get3A_239, %get3A_240] {strides = array<i32>} : memref<64x128xf32, #tpu.memory_space<vmem>>, vector<1x16xf32>,
          %get3A_242 = vector.shape_cast %get3A_241 : vector<1x16xf32> to vector<16xf32>
          %mul3A_243 = arith.mulf %get3A_234, %get3A_238 : vector<16xf32>
          %swap3A_244 = arith.index_cast %add3A_160 : i32 to index
          %swap3A_245 = arith.constant 48 : index
          %swap3A_246 = tpu.vector_load %arg14[%swap3A_244, %swap3A_245] {strides = array<i32>} : memref<64x128xf32, #tpu.memory_space<vmem>>, vector<1x16xf32>,
          %swap3A_247 = vector.shape_cast %swap3A_246 : vector<1x16xf32> to vector<16xf32>
          %swap3A_248 = vector.shape_cast %mul3A_243 : vector<16xf32> to vector<1x16xf32>
          tpu.vector_store %arg14[%swap3A_244, %swap3A_245], %swap3A_248 {strides = array<i32>} : memref<64x128xf32, #tpu.memory_space<vmem>>, vector<1x16xf32>,
          %mul3A_249 = arith.mulf %get3A_234, %get3A_242 : vector<16xf32>
          %swap3A_250 = arith.index_cast %add3A_160 : i32 to index
          %swap3A_251 = arith.constant 112 : index
          %swap3A_252 = tpu.vector_load %arg14[%swap3A_250, %swap3A_251] {strides = array<i32>} : memref<64x128xf32, #tpu.memory_space<vmem>>, vector<1x16xf32>,
          %swap3A_253 = vector.shape_cast %swap3A_252 : vector<1x16xf32> to vector<16xf32>
          %swap3A_254 = vector.shape_cast %mul3A_249 : vector<16xf32> to vector<1x16xf32>
          tpu.vector_store %arg14[%swap3A_250, %swap3A_251], %swap3A_254 {strides = array<i32>} : memref<64x128xf32, #tpu.memory_space<vmem>>, vector<1x16xf32>,
        }
        %scan3A_155 = arith.constant 64 : i32
      } else {
      }
      %eq3A_145 = arith.constant 1 : i32
      %eq3A_146 = arith.cmpi eq, %arg0, %eq3A_145 : i32
      %convert_element_type3A_147 = arith.extui %eq3A_146 : i1 to i32
      %cond3A_148 = arith.constant 0 : i32
      %cond3A_149 = arith.cmpi ne, %convert_element_type3A_147, %cond3A_148 : i32
      scf.if %cond3A_149 {
        %scan3A_151 = arith.constant 0 : i32
        %scan3A_152 = arith.constant 64 : i32
        %scan3A_153 = arith.addi %scan3A_151, %scan3A_152 : i32
        %scan3A_154 = arith.constant 1 : i32
        scf.for %scan3A_156 = %scan3A_151 to %scan3A_153 step %scan3A_154  : i32 {
          %mul3A_157 = arith.constant 1 : i32
          %mul3A_158 = arith.muli %scan3A_156, %mul3A_157 : i32
          %add3A_159 = arith.constant 0 : i32
          %add3A_160 = arith.addi %add3A_159, %mul3A_158 : i32
          %get3A = arith.index_cast %add3A_160 : i32 to index
          %get3A_161 = arith.constant 64 : index
          %get3A_162 = tpu.vector_load %arg11[%get3A, %get3A_161] {strides = array<i32>} : memref<64x128xf32, #tpu.memory_space<vmem>>, vector<1x16xf32>,
          %get3A_163 = vector.shape_cast %get3A_162 : vector<1x16xf32> to vector<16xf32>
          %get3A_164 = arith.index_cast %add3A_160 : i32 to index
          %get3A_165 = arith.constant 0 : index
          %get3A_166 = tpu.vector_load %arg13[%get3A_164, %get3A_165] {strides = array<i32>} : memref<64x128xf32, #tpu.memory_space<vmem>>, vector<1x16xf32>,
          %get3A_167 = vector.shape_cast %get3A_166 : vector<1x16xf32> to vector<16xf32>
          %get3A_168 = arith.index_cast %add3A_160 : i32 to index
          %get3A_169 = arith.constant 64 : index
          %get3A_170 = tpu.vector_load %arg13[%get3A_168, %get3A_169] {strides = array<i32>} : memref<64x128xf32, #tpu.memory_space<vmem>>, vector<1x16xf32>,
          %get3A_171 = vector.shape_cast %get3A_170 : vector<1x16xf32> to vector<16xf32>
          %mul3A_172 = arith.mulf %get3A_163, %get3A_167 : vector<16xf32>
          %swap3A = arith.index_cast %add3A_160 : i32 to index
          %swap3A_173 = arith.constant 0 : index
          %swap3A_174 = tpu.vector_load %arg14[%swap3A, %swap3A_173] {strides = array<i32>} : memref<64x128xf32, #tpu.memory_space<vmem>>, vector<1x16xf32>,
          %swap3A_175 = vector.shape_cast %swap3A_174 : vector<1x16xf32> to vector<16xf32>
          %swap3A_176 = vector.shape_cast %mul3A_172 : vector<16xf32> to vector<1x16xf32>
          tpu.vector_store %arg14[%swap3A, %swap3A_173], %swap3A_176 {strides = array<i32>} : memref<64x128xf32, #tpu.memory_space<vmem>>, vector<1x16xf32>,
          %mul3A_177 = arith.mulf %get3A_163, %get3A_171 : vector<16xf32>
          %swap3A_178 = arith.index_cast %add3A_160 : i32 to index
          %swap3A_179 = arith.constant 64 : index
          %swap3A_180 = tpu.vector_load %arg14[%swap3A_178, %swap3A_179] {strides = array<i32>} : memref<64x128xf32, #tpu.memory_space<vmem>>, vector<1x16xf32>,
          %swap3A_181 = vector.shape_cast %swap3A_180 : vector<1x16xf32> to vector<16xf32>
          %swap3A_182 = vector.shape_cast %mul3A_177 : vector<16xf32> to vector<1x16xf32>
          tpu.vector_store %arg14[%swap3A_178, %swap3A_179], %swap3A_182 {strides = array<i32>} : memref<64x128xf32, #tpu.memory_space<vmem>>, vector<1x16xf32>,
          %get3A_183 = arith.index_cast %add3A_160 : i32 to index
          %get3A_184 = arith.constant 80 : index
          %get3A_185 = tpu.vector_load %arg11[%get3A_183, %get3A_184] {strides = array<i32>} : memref<64x128xf32, #tpu.memory_space<vmem>>, vector<1x16xf32>,
          %get3A_186 = vector.shape_cast %get3A_185 : vector<1x16xf32> to vector<16xf32>
          %get3A_187 = arith.index_cast %add3A_160 : i32 to index
          %get3A_188 = arith.constant 16 : index
          %get3A_189 = tpu.vector_load %arg13[%get3A_187, %get3A_188] {strides = array<i32>} : memref<64x128xf32, #tpu.memory_space<vmem>>, vector<1x16xf32>,
          %get3A_190 = vector.shape_cast %get3A_189 : vector<1x16xf32> to vector<16xf32>
          %get3A_191 = arith.index_cast %add3A_160 : i32 to index
          %get3A_192 = arith.constant 80 : index
          %get3A_193 = tpu.vector_load %arg13[%get3A_191, %get3A_192] {strides = array<i32>} : memref<64x128xf32, #tpu.memory_space<vmem>>, vector<1x16xf32>,
          %get3A_194 = vector.shape_cast %get3A_193 : vector<1x16xf32> to vector<16xf32>
          %mul3A_195 = arith.mulf %get3A_186, %get3A_190 : vector<16xf32>
          %swap3A_196 = arith.index_cast %add3A_160 : i32 to index
          %swap3A_197 = arith.constant 16 : index
          %swap3A_198 = tpu.vector_load %arg14[%swap3A_196, %swap3A_197] {strides = array<i32>} : memref<64x128xf32, #tpu.memory_space<vmem>>, vector<1x16xf32>,
          %swap3A_199 = vector.shape_cast %swap3A_198 : vector<1x16xf32> to vector<16xf32>
          %swap3A_200 = vector.shape_cast %mul3A_195 : vector<16xf32> to vector<1x16xf32>
          tpu.vector_store %arg14[%swap3A_196, %swap3A_197], %swap3A_200 {strides = array<i32>} : memref<64x128xf32, #tpu.memory_space<vmem>>, vector<1x16xf32>,
          %mul3A_201 = arith.mulf %get3A_186, %get3A_194 : vector<16xf32>
          %swap3A_202 = arith.index_cast %add3A_160 : i32 to index
          %swap3A_203 = arith.constant 80 : index
          %swap3A_204 = tpu.vector_load %arg14[%swap3A_202, %swap3A_203] {strides = array<i32>} : memref<64x128xf32, #tpu.memory_space<vmem>>, vector<1x16xf32>,
          %swap3A_205 = vector.shape_cast %swap3A_204 : vector<1x16xf32> to vector<16xf32>
          %swap3A_206 = vector.shape_cast %mul3A_201 : vector<16xf32> to vector<1x16xf32>
          tpu.vector_store %arg14[%swap3A_202, %swap3A_203], %swap3A_206 {strides = array<i32>} : memref<64x128xf32, #tpu.memory_space<vmem>>, vector<1x16xf32>,
          %get3A_207 = arith.index_cast %add3A_160 : i32 to index
          %get3A_208 = arith.constant 96 : index
          %get3A_209 = tpu.vector_load %arg11[%get3A_207, %get3A_208] {strides = array<i32>} : memref<64x128xf32, #tpu.memory_space<vmem>>, vector<1x16xf32>,
          %get3A_210 = vector.shape_cast %get3A_209 : vector<1x16xf32> to vector<16xf32>
          %get3A_211 = arith.index_cast %add3A_160 : i32 to index
          %get3A_212 = arith.constant 32 : index
          %get3A_213 = tpu.vector_load %arg13[%get3A_211, %get3A_212] {strides = array<i32>} : memref<64x128xf32, #tpu.memory_space<vmem>>, vector<1x16xf32>,
          %get3A_214 = vector.shape_cast %get3A_213 : vector<1x16xf32> to vector<16xf32>
          %get3A_215 = arith.index_cast %add3A_160 : i32 to index
          %get3A_216 = arith.constant 96 : index
          %get3A_217 = tpu.vector_load %arg13[%get3A_215, %get3A_216] {strides = array<i32>} : memref<64x128xf32, #tpu.memory_space<vmem>>, vector<1x16xf32>,
          %get3A_218 = vector.shape_cast %get3A_217 : vector<1x16xf32> to vector<16xf32>
          %mul3A_219 = arith.mulf %get3A_210, %get3A_214 : vector<16xf32>
          %swap3A_220 = arith.index_cast %add3A_160 : i32 to index
          %swap3A_221 = arith.constant 32 : index
          %swap3A_222 = tpu.vector_load %arg14[%swap3A_220, %swap3A_221] {strides = array<i32>} : memref<64x128xf32, #tpu.memory_space<vmem>>, vector<1x16xf32>,
          %swap3A_223 = vector.shape_cast %swap3A_222 : vector<1x16xf32> to vector<16xf32>
          %swap3A_224 = vector.shape_cast %mul3A_219 : vector<16xf32> to vector<1x16xf32>
          tpu.vector_store %arg14[%swap3A_220, %swap3A_221], %swap3A_224 {strides = array<i32>} : memref<64x128xf32, #tpu.memory_space<vmem>>, vector<1x16xf32>,
          %mul3A_225 = arith.mulf %get3A_210, %get3A_218 : vector<16xf32>
          %swap3A_226 = arith.index_cast %add3A_160 : i32 to index
          %swap3A_227 = arith.constant 96 : index
          %swap3A_228 = tpu.vector_load %arg14[%swap3A_226, %swap3A_227] {strides = array<i32>} : memref<64x128xf32, #tpu.memory_space<vmem>>, vector<1x16xf32>,
          %swap3A_229 = vector.shape_cast %swap3A_228 : vector<1x16xf32> to vector<16xf32>
          %swap3A_230 = vector.shape_cast %mul3A_225 : vector<16xf32> to vector<1x16xf32>
          tpu.vector_store %arg14[%swap3A_226, %swap3A_227], %swap3A_230 {strides = array<i32>} : memref<64x128xf32, #tpu.memory_space<vmem>>, vector<1x16xf32>,
          %get3A_231 = arith.index_cast %add3A_160 : i32 to index
          %get3A_232 = arith.constant 112 : index
          %get3A_233 = tpu.vector_load %arg11[%get3A_231, %get3A_232] {strides = array<i32>} : memref<64x128xf32, #tpu.memory_space<vmem>>, vector<1x16xf32>,
          %get3A_234 = vector.shape_cast %get3A_233 : vector<1x16xf32> to vector<16xf32>
          %get3A_235 = arith.index_cast %add3A_160 : i32 to index
          %get3A_236 = arith.constant 48 : index
          %get3A_237 = tpu.vector_load %arg13[%get3A_235, %get3A_236] {strides = array<i32>} : memref<64x128xf32, #tpu.memory_space<vmem>>, vector<1x16xf32>,
          %get3A_238 = vector.shape_cast %get3A_237 : vector<1x16xf32> to vector<16xf32>
          %get3A_239 = arith.index_cast %add3A_160 : i32 to index
          %get3A_240 = arith.constant 112 : index
          %get3A_241 = tpu.vector_load %arg13[%get3A_239, %get3A_240] {strides = array<i32>} : memref<64x128xf32, #tpu.memory_space<vmem>>, vector<1x16xf32>,
          %get3A_242 = vector.shape_cast %get3A_241 : vector<1x16xf32> to vector<16xf32>
          %mul3A_243 = arith.mulf %get3A_234, %get3A_238 : vector<16xf32>
          %swap3A_244 = arith.index_cast %add3A_160 : i32 to index
          %swap3A_245 = arith.constant 48 : index
          %swap3A_246 = tpu.vector_load %arg14[%swap3A_244, %swap3A_245] {strides = array<i32>} : memref<64x128xf32, #tpu.memory_space<vmem>>, vector<1x16xf32>,
          %swap3A_247 = vector.shape_cast %swap3A_246 : vector<1x16xf32> to vector<16xf32>
          %swap3A_248 = vector.shape_cast %mul3A_243 : vector<16xf32> to vector<1x16xf32>
          tpu.vector_store %arg14[%swap3A_244, %swap3A_245], %swap3A_248 {strides = array<i32>} : memref<64x128xf32, #tpu.memory_space<vmem>>, vector<1x16xf32>,
          %mul3A_249 = arith.mulf %get3A_234, %get3A_242 : vector<16xf32>
          %swap3A_250 = arith.index_cast %add3A_160 : i32 to index
          %swap3A_251 = arith.constant 112 : index
          %swap3A_252 = tpu.vector_load %arg14[%swap3A_250, %swap3A_251] {strides = array<i32>} : memref<64x128xf32, #tpu.memory_space<vmem>>, vector<1x16xf32>,
          %swap3A_253 = vector.shape_cast %swap3A_252 : vector<1x16xf32> to vector<16xf32>
          %swap3A_254 = vector.shape_cast %mul3A_249 : vector<16xf32> to vector<1x16xf32>
          tpu.vector_store %arg14[%swap3A_250, %swap3A_251], %swap3A_254 {strides = array<i32>} : memref<64x128xf32, #tpu.memory_space<vmem>>, vector<1x16xf32>,
        }
        %scan3A_155 = arith.constant 64 : i32
      } else {
      }
      %run_scoped3A_150 = arith.constant 2 : i32
      "tpu.region"() ({
        %run_scoped3A_151 = tpu.sem_alloc : memref<!tpu.dma_semaphore, #tpu.memory_space<semaphore_mem>>
        %dma_start3A_152 = arith.constant 0 : i32
        %dma_start3A_153 = tpu.memref_slice %arg9[%run_scoped3A_150, %dma_start3A_152] : memref<3x64xi32, #tpu.memory_space<vmem>> -> memref<1x64xi32, #tpu.memory_space<vmem>>
        %dma_start3A_154 = tpu.memref_squeeze %dma_start3A_153 : memref<1x64xi32, #tpu.memory_space<vmem>> -> memref<64xi32, #tpu.memory_space<vmem>>
        %dma_start3A_155 = arith.constant 0 : i32
        %dma_start3A_156 = arith.constant 0 : i32
        %dma_start3A_157 = tpu.memref_slice %arg6[%dma_start3A_155, %dma_start3A_156] : memref<10240x128xf32, #tpu.memory_space<vmem_shared>> -> memref<10240x128xf32, #tpu.memory_space<vmem_shared>>
        tpu.enqueue_indirect_dma source(%arg14 : memref<64x128xf32, #tpu.memory_space<vmem>>) target(%dma_start3A_157 : memref<10240x128xf32, #tpu.memory_space<vmem_shared>>) offsets(%dma_start3A_154 : memref<64xi32, #tpu.memory_space<vmem>>) semaphore(%run_scoped3A_151 : memref<!tpu.dma_semaphore, #tpu.memory_space<semaphore_mem>>) {add = true}
        %dma_wait3A_158 = arith.constant 0 : i32
        %dma_wait3A_159 = tpu.memref_slice %arg9[%run_scoped3A_150, %dma_wait3A_158] : memref<3x64xi32, #tpu.memory_space<vmem>> -> memref<1x64xi32, #tpu.memory_space<vmem>>
        %dma_wait3A_160 = tpu.memref_squeeze %dma_wait3A_159 : memref<1x64xi32, #tpu.memory_space<vmem>> -> memref<64xi32, #tpu.memory_space<vmem>>
        %dma_wait3A_161 = arith.constant 0 : i32
        %dma_wait3A_162 = arith.constant 0 : i32
        %dma_wait3A_163 = tpu.memref_slice %arg6[%dma_wait3A_161, %dma_wait3A_162] : memref<10240x128xf32, #tpu.memory_space<vmem_shared>> -> memref<10240x128xf32, #tpu.memory_space<vmem_shared>>
        tpu.wait_indirect_dma semaphore(%run_scoped3A_151 : memref<!tpu.dma_semaphore, #tpu.memory_space<semaphore_mem>>) src(%arg14 : memref<64x128xf32, #tpu.memory_space<vmem>>) dst(%dma_wait3A_163 : memref<10240x128xf32, #tpu.memory_space<vmem_shared>>)
        tpu.yield
      }) : () -> ()
    }
    %scan3A_70 = arith.constant 79 : i32
    %barrier3A_71 = arith.constant 0 : index
    tpu.barrier barrier_id(%barrier3A_71)
    %add3A_72 = arith.constant 2 : i32
    %add3A_73 = arith.addi %add3A_72, %arg0 : i32
    %mul3A_74 = arith.constant 10240 : i32
    %mul3A_75 = arith.muli %add3A_73, %mul3A_74 : i32
    %mul3A_76 = arith.constant 640 : i32
    %mul3A_77 = arith.muli %arg1, %mul3A_76 : i32
    %add3A_78 = arith.addi %mul3A_75, %mul3A_77 : i32
    %mul3A_79 = arith.constant 640 : i32
    %mul3A_80 = arith.muli %arg1, %mul3A_79 : i32
    "tpu.region"() ({
      %run_scoped3A = tpu.sem_alloc : memref<!tpu.dma_semaphore, #tpu.memory_space<semaphore_mem>>
      %dma_start3A_81 = arith.constant 0 : i32
      %dma_start3A_82 = tpu.memref_slice %arg5[%add3A_78, %dma_start3A_81] : memref<40960x128xf32, #tpu.memory_space<hbm>> -> memref<640x128xf32, #tpu.memory_space<hbm>>
      %dma_start3A_83 = arith.constant 0 : i32
      %dma_start3A_84 = tpu.memref_slice %arg6[%mul3A_80, %dma_start3A_83] : memref<10240x128xf32, #tpu.memory_space<vmem_shared>> -> memref<640x128xf32, #tpu.memory_space<vmem_shared>>
      tpu.enqueue_dma source(%dma_start3A_84 : memref<640x128xf32, #tpu.memory_space<vmem_shared>>) target(%dma_start3A_82 : memref<640x128xf32, #tpu.memory_space<hbm>>) target_semaphore(%run_scoped3A : memref<!tpu.dma_semaphore, #tpu.memory_space<semaphore_mem>>)
      %dma_wait3A = arith.constant 0 : i32
      %dma_wait3A_85 = tpu.memref_slice %arg5[%add3A_78, %dma_wait3A] : memref<40960x128xf32, #tpu.memory_space<hbm>> -> memref<640x128xf32, #tpu.memory_space<hbm>>
      %dma_wait3A_86 = arith.constant 0 : i32
      %dma_wait3A_87 = tpu.memref_slice %arg6[%mul3A_80, %dma_wait3A_86] : memref<10240x128xf32, #tpu.memory_space<vmem_shared>> -> memref<640x128xf32, #tpu.memory_space<vmem_shared>>
      tpu.wait_dma2 semaphore(%run_scoped3A : memref<!tpu.dma_semaphore, #tpu.memory_space<semaphore_mem>>) src(%dma_wait3A_87 : memref<640x128xf32, #tpu.memory_space<vmem_shared>>) dst(%dma_wait3A_85 : memref<640x128xf32, #tpu.memory_space<hbm>>)
      tpu.yield
    }) : () -> ()
    return
  }
}

module attributes {stable_mosaic.version = 14 : i64} {
  func.func @body(%arg0: memref<20480x128xf32, #tpu.memory_space<vmem>>, %arg1: memref<10000x128xf32, #tpu.memory_space<vmem>>, %arg2: memref<200x64xf32, #tpu.memory_space<vmem>>, %arg3: memref<1x64xf32, #tpu.memory_space<vmem>>, %arg4: memref<64x64xf32, #tpu.memory_space<vmem>>, %arg5: memref<128x128xf32, #tpu.memory_space<vmem>>, %arg6: memref<208x128xf32, #tpu.memory_space<vmem>>, %arg7: memref<2x10240xf32, #tpu.memory_space<vmem>>, %arg8: memref<10000x128xf32, #tpu.memory_space<vmem>>, %arg9: memref<200x64xf32, #tpu.memory_space<vmem>>) attributes {dimension_semantics = [], scalar_prefetch = 0 : i64, scratch_operands = 0 : i64, tpu.core_type = #tpu.core_type<tc>} {
    %get3A = arith.constant 0 : index
    %get3A_0 = arith.constant 0 : index
    %get3A_1 = vector.load %arg0[%get3A, %get3A_0] : memref<20480x128xf32, #tpu.memory_space<vmem>>, vector<20480x128xf32>
    %slice3A = vector.extract_strided_slice %get3A_1 {offsets = [0, 0], sizes = [20480, 1], strides = [1, 1]} : vector<20480x128xf32> to vector<20480x1xf32>
    %squeeze3A = vector.shape_cast %slice3A : vector<20480x1xf32> to vector<20480xf32>
    %reshape3A = vector.shape_cast %squeeze3A : vector<20480xf32> to vector<2x10240xf32>
    %slice3A_2 = vector.extract_strided_slice %reshape3A {offsets = [0, 0], sizes = [2, 10000], strides = [1, 1]} : vector<2x10240xf32> to vector<2x10000xf32>
    %gt3A = arith.constant 0.000000e+00 : f32
    %gt3A_3 = vector.broadcast %gt3A : f32 to vector<2x10000xf32>
    %gt3A_4 = arith.cmpf ogt, %slice3A_2, %gt3A_3 : vector<2x10000xf32>
    %rsqrt3A = math.rsqrt %slice3A_2 : vector<2x10000xf32>
    %jit3A = arith.constant 0.000000e+00 : f32
    %broadcast_in_dim3A = vector.broadcast %jit3A : f32 to vector<2x10000xf32>
    %select_n3A = arith.select %gt3A_4, %rsqrt3A, %broadcast_in_dim3A : vector<2x10000xi1>, vector<2x10000xf32>
    %broadcast_in_dim3A_5 = arith.constant 0.000000e+00 : f32
    %broadcast_in_dim3A_6 = vector.broadcast %broadcast_in_dim3A_5 : f32 to vector<2x240xf32>
    %concatenate3A = tpu.concatenate %select_n3A, %broadcast_in_dim3A_6 in 1 : vector<2x10000xf32>, vector<2x240xf32> -> vector<2x10240xf32>
    %swap3A = arith.constant 0 : index
    %swap3A_7 = arith.constant 0 : index
    %swap3A_8 = vector.load %arg7[%swap3A, %swap3A_7] : memref<2x10240xf32, #tpu.memory_space<vmem>>, vector<2x10240xf32>
    tpu.vector_store %arg7[%swap3A, %swap3A_7], %concatenate3A {strides = array<i32>} : memref<2x10240xf32, #tpu.memory_space<vmem>>, vector<2x10240xf32>,
    %get3A_9 = arith.constant 0 : index
    %get3A_10 = arith.constant 0 : index
    %get3A_11 = vector.load %arg2[%get3A_9, %get3A_10] : memref<200x64xf32, #tpu.memory_space<vmem>>, vector<200x64xf32>
    %get3A_12 = arith.constant 0 : index
    %get3A_13 = arith.constant 0 : index
    %get3A_14 = vector.load %arg3[%get3A_12, %get3A_13] : memref<1x64xf32, #tpu.memory_space<vmem>>, vector<1x64xf32>
    %concatenate3A_15 = tpu.concatenate %get3A_11, %get3A_14 in 0 : vector<200x64xf32>, vector<1x64xf32> -> vector<201x64xf32>
    %mul3A = arith.constant 2.09439516 : f32
    %mul3A_16 = vector.broadcast %mul3A : f32 to vector<201x64xf32>
    %mul3A_17 = arith.mulf %concatenate3A_15, %mul3A_16 : vector<201x64xf32>
    %cos3A = math.cos %mul3A_17 : vector<201x64xf32>
    %sin3A = math.sin %mul3A_17 : vector<201x64xf32>
    %concatenate3A_18 = tpu.concatenate %cos3A, %sin3A in 1 : vector<201x64xf32>, vector<201x64xf32> -> vector<201x128xf32>
    %broadcast_in_dim3A_19 = arith.constant 0.000000e+00 : f32
    %broadcast_in_dim3A_20 = vector.broadcast %broadcast_in_dim3A_19 : f32 to vector<7x128xf32>
    %concatenate3A_21 = tpu.concatenate %concatenate3A_18, %broadcast_in_dim3A_20 in 0 : vector<201x128xf32>, vector<7x128xf32> -> vector<208x128xf32>
    %swap3A_22 = arith.constant 0 : index
    %swap3A_23 = arith.constant 0 : index
    %swap3A_24 = vector.load %arg6[%swap3A_22, %swap3A_23] : memref<208x128xf32, #tpu.memory_space<vmem>>, vector<208x128xf32>
    tpu.vector_store %arg6[%swap3A_22, %swap3A_23], %concatenate3A_21 {strides = array<i32>} : memref<208x128xf32, #tpu.memory_space<vmem>>, vector<208x128xf32>,
    %get3A_25 = arith.constant 0 : index
    %get3A_26 = arith.constant 0 : index
    %get3A_27 = vector.load %arg1[%get3A_25, %get3A_26] : memref<10000x128xf32, #tpu.memory_space<vmem>>, vector<10000x128xf32>
    %slice3A_28 = vector.extract_strided_slice %concatenate3A_18 {offsets = [200, 0], sizes = [1, 64], strides = [1, 1]} : vector<201x128xf32> to vector<1x64xf32>
    %squeeze3A_29 = vector.shape_cast %slice3A_28 : vector<1x64xf32> to vector<64xf32>
    %slice3A_30 = vector.extract_strided_slice %concatenate3A_18 {offsets = [200, 0], sizes = [1, 64], strides = [1, 1]} : vector<201x128xf32> to vector<1x64xf32>
    %squeeze3A_31 = vector.shape_cast %slice3A_30 : vector<1x64xf32> to vector<64xf32>
    %concatenate3A_32 = tpu.concatenate %squeeze3A_29, %squeeze3A_31 in 0 : vector<64xf32>, vector<64xf32> -> vector<128xf32>
    %slice3A_33 = vector.extract_strided_slice %concatenate3A_18 {offsets = [200, 64], sizes = [1, 64], strides = [1, 1]} : vector<201x128xf32> to vector<1x64xf32>
    %squeeze3A_34 = vector.shape_cast %slice3A_33 : vector<1x64xf32> to vector<64xf32>
    %slice3A_35 = vector.extract_strided_slice %concatenate3A_18 {offsets = [200, 64], sizes = [1, 64], strides = [1, 1]} : vector<201x128xf32> to vector<1x64xf32>
    %squeeze3A_36 = vector.shape_cast %slice3A_35 : vector<1x64xf32> to vector<64xf32>
    %concatenate3A_37 = tpu.concatenate %squeeze3A_34, %squeeze3A_36 in 0 : vector<64xf32>, vector<64xf32> -> vector<128xf32>
    %get3A_38 = arith.constant 0 : index
    %get3A_39 = arith.constant 0 : index
    %get3A_40 = vector.load %arg5[%get3A_38, %get3A_39] : memref<128x128xf32, #tpu.memory_space<vmem>>, vector<128x128xf32>
    %slice3A_41 = vector.extract_strided_slice %get3A_40 {offsets = [0, 0], sizes = [64, 128], strides = [1, 1]} : vector<128x128xf32> to vector<64x128xf32>
    %slice3A_42 = vector.extract_strided_slice %get3A_40 {offsets = [64, 0], sizes = [64, 128], strides = [1, 1]} : vector<128x128xf32> to vector<64x128xf32>
    %neg3A = arith.constant 0.000000e+00 : f32
    %neg3A_43 = vector.broadcast %neg3A : f32 to vector<64x128xf32>
    %neg3A_44 = arith.subf %neg3A_43, %slice3A_42 : vector<64x128xf32>
    %concatenate3A_45 = tpu.concatenate %slice3A_41, %neg3A_44 in 0 : vector<64x128xf32>, vector<64x128xf32> -> vector<128x128xf32>
    %slice3A_46 = vector.extract_strided_slice %get3A_40 {offsets = [64, 0], sizes = [64, 128], strides = [1, 1]} : vector<128x128xf32> to vector<64x128xf32>
    %slice3A_47 = vector.extract_strided_slice %get3A_40 {offsets = [0, 0], sizes = [64, 128], strides = [1, 1]} : vector<128x128xf32> to vector<64x128xf32>
    %concatenate3A_48 = tpu.concatenate %slice3A_46, %slice3A_47 in 0 : vector<64x128xf32>, vector<64x128xf32> -> vector<128x128xf32>
    %broadcast_in_dim3A_49 = vector.shape_cast %concatenate3A_32 : vector<128xf32> to vector<1x128xf32>
    %mul3A_50 = vector.broadcast %broadcast_in_dim3A_49 : vector<1x128xf32> to vector<10000x128xf32>
    %mul3A_51 = arith.mulf %get3A_27, %mul3A_50 : vector<10000x128xf32>
    %dot_general3A = arith.constant dense<0.000000e+00> : vector<10000x128xf32>
    %dot_general3A_52 = tpu.matmul %mul3A_51, %concatenate3A_45, %dot_general3A {dimension_numbers = #tpu.dot_dimension_numbers<[1], [0], [0], [1], [0, 0, 1, 1], [], []>, transpose_lhs_hint = false} : vector<10000x128xf32>, vector<128x128xf32>, vector<10000x128xf32> -> vector<10000x128xf32>
    %broadcast_in_dim3A_53 = vector.shape_cast %concatenate3A_37 : vector<128xf32> to vector<1x128xf32>
    %mul3A_54 = vector.broadcast %broadcast_in_dim3A_53 : vector<1x128xf32> to vector<10000x128xf32>
    %mul3A_55 = arith.mulf %get3A_27, %mul3A_54 : vector<10000x128xf32>
    %dot_general3A_56 = arith.constant dense<0.000000e+00> : vector<10000x128xf32>
    %dot_general3A_57 = tpu.matmul %mul3A_55, %concatenate3A_48, %dot_general3A_56 {dimension_numbers = #tpu.dot_dimension_numbers<[1], [0], [0], [1], [0, 0, 1, 1], [], []>, transpose_lhs_hint = false} : vector<10000x128xf32>, vector<128x128xf32>, vector<10000x128xf32> -> vector<10000x128xf32>
    %add3A = arith.addf %dot_general3A_52, %dot_general3A_57 : vector<10000x128xf32>
    %swap3A_58 = arith.constant 0 : index
    %swap3A_59 = arith.constant 0 : index
    %swap3A_60 = vector.load %arg8[%swap3A_58, %swap3A_59] : memref<10000x128xf32, #tpu.memory_space<vmem>>, vector<10000x128xf32>
    tpu.vector_store %arg8[%swap3A_58, %swap3A_59], %add3A {strides = array<i32>} : memref<10000x128xf32, #tpu.memory_space<vmem>>, vector<10000x128xf32>,
    %get3A_61 = arith.constant 0 : index
    %get3A_62 = arith.constant 0 : index
    %get3A_63 = vector.load %arg4[%get3A_61, %get3A_62] : memref<64x64xf32, #tpu.memory_space<vmem>>, vector<64x64xf32>
    %dot_general3A_64 = arith.constant dense<0.000000e+00> : vector<201x64xf32>
    %dot_general3A_65 = tpu.matmul %concatenate3A_15, %get3A_63, %dot_general3A_64 {dimension_numbers = #tpu.dot_dimension_numbers<[1], [0], [0], [1], [0, 0, 1, 1], [], []>, transpose_lhs_hint = false} : vector<201x64xf32>, vector<64x64xf32>, vector<201x64xf32> -> vector<201x64xf32>
    %slice3A_66 = vector.extract_strided_slice %dot_general3A_65 {offsets = [0, 0], sizes = [200, 64], strides = [1, 1]} : vector<201x64xf32> to vector<200x64xf32>
    %swap3A_67 = arith.constant 0 : index
    %swap3A_68 = arith.constant 0 : index
    %swap3A_69 = vector.load %arg9[%swap3A_67, %swap3A_68] : memref<200x64xf32, #tpu.memory_space<vmem>>, vector<200x64xf32>
    tpu.vector_store %arg9[%swap3A_67, %swap3A_68], %slice3A_66 {strides = array<i32>} : memref<200x64xf32, #tpu.memory_space<vmem>>, vector<200x64xf32>,
    return
  }
}

module attributes {stable_mosaic.version = 14 : i64} {
  func.func @body(%arg0: i32, %arg1: memref<2048x128xf32, #tpu.memory_space<vmem>>, %arg2: memref<2x2048xf32, #tpu.memory_space<vmem>>, %arg3: memref<2x2048x128xf32, #tpu.memory_space<vmem>>) attributes {dimension_semantics = [#tpu.dimension_semantics<arbitrary>], iteration_bounds = array<i64: 5>, scalar_prefetch = 0 : i64, scratch_operands = 0 : i64, tpu.core_type = #tpu.core_type<tc>, window_params = [{transform_indices = @transform_0, window_bounds = array<i64: 2048, 128>}, {transform_indices = @transform_1, window_bounds = array<i64: 2, 2048>}, {transform_indices = @transform_2, window_bounds = array<i64: 2, 2048, 128>}]} {
    %get3A = arith.constant 0 : index
    %get3A_0 = arith.constant 0 : index
    %get3A_1 = vector.load %arg1[%get3A, %get3A_0] : memref<2048x128xf32, #tpu.memory_space<vmem>>, vector<2048x128xf32>
    %get3A_2 = arith.constant 0 : index
    %get3A_3 = arith.constant 0 : index
    %get3A_4 = vector.load %arg2[%get3A_2, %get3A_3] : memref<2x2048xf32, #tpu.memory_space<vmem>>, vector<2x2048xf32>
    %slice3A = vector.extract_strided_slice %get3A_4 {offsets = [0, 0], sizes = [1, 2048], strides = [1, 1]} : vector<2x2048xf32> to vector<1x2048xf32>
    %squeeze3A = vector.shape_cast %slice3A : vector<1x2048xf32> to vector<2048xf32>
    %broadcast_in_dim3A = vector.shape_cast %squeeze3A : vector<2048xf32> to vector<2048x1xf32>
    %mul3A = vector.broadcast %broadcast_in_dim3A : vector<2048x1xf32> to vector<2048x128xf32>
    %mul3A_5 = arith.mulf %get3A_1, %mul3A : vector<2048x128xf32>
    %swap3A = arith.constant 0 : index
    %swap3A_6 = arith.constant 0 : index
    %swap3A_7 = arith.constant 0 : index
    %swap3A_8 = vector.load %arg3[%swap3A, %swap3A_6, %swap3A_7] : memref<2x2048x128xf32, #tpu.memory_space<vmem>>, vector<1x2048x128xf32>
    %swap3A_9 = vector.shape_cast %swap3A_8 : vector<1x2048x128xf32> to vector<2048x128xf32>
    %swap3A_10 = vector.shape_cast %mul3A_5 : vector<2048x128xf32> to vector<1x2048x128xf32>
    tpu.vector_store %arg3[%swap3A, %swap3A_6, %swap3A_7], %swap3A_10 {strides = array<i32>} : memref<2x2048x128xf32, #tpu.memory_space<vmem>>, vector<1x2048x128xf32>,
    %slice3A_11 = vector.extract_strided_slice %get3A_4 {offsets = [1, 0], sizes = [1, 2048], strides = [1, 1]} : vector<2x2048xf32> to vector<1x2048xf32>
    %squeeze3A_12 = vector.shape_cast %slice3A_11 : vector<1x2048xf32> to vector<2048xf32>
    %broadcast_in_dim3A_13 = vector.shape_cast %squeeze3A_12 : vector<2048xf32> to vector<2048x1xf32>
    %mul3A_14 = vector.broadcast %broadcast_in_dim3A_13 : vector<2048x1xf32> to vector<2048x128xf32>
    %mul3A_15 = arith.mulf %get3A_1, %mul3A_14 : vector<2048x128xf32>
    %swap3A_16 = arith.constant 1 : index
    %swap3A_17 = arith.constant 0 : index
    %swap3A_18 = arith.constant 0 : index
    %swap3A_19 = vector.load %arg3[%swap3A_16, %swap3A_17, %swap3A_18] : memref<2x2048x128xf32, #tpu.memory_space<vmem>>, vector<1x2048x128xf32>
    %swap3A_20 = vector.shape_cast %swap3A_19 : vector<1x2048x128xf32> to vector<2048x128xf32>
    %swap3A_21 = vector.shape_cast %mul3A_15 : vector<2048x128xf32> to vector<1x2048x128xf32>
    tpu.vector_store %arg3[%swap3A_16, %swap3A_17, %swap3A_18], %swap3A_21 {strides = array<i32>} : memref<2x2048x128xf32, #tpu.memory_space<vmem>>, vector<1x2048x128xf32>,
    return
  }
  func.func @transform_0(%arg0: i32) -> (i32, i32) {
    %c0_i32 = arith.constant 0 : i32
    %c0_i32_0 = arith.constant 0 : i32
    return %arg0, %c0_i32 : i32, i32
  }
  func.func @transform_1(%arg0: i32) -> (i32, i32) {
    %c0_i32 = arith.constant 0 : i32
    %c0_i32_0 = arith.constant 0 : i32
    return %c0_i32, %arg0 : i32, i32
  }
  func.func @transform_2(%arg0: i32) -> (i32, i32, i32) {
    %c0_i32 = arith.constant 0 : i32
    %c0_i32_0 = arith.constant 0 : i32
    %c0_i32_1 = arith.constant 0 : i32
    return %c0_i32, %arg0, %c0_i32_0 : i32, i32, i32
  }
}

module attributes {stable_mosaic.version = 14 : i64} {
  func.func @body(%arg0: i32, %arg1: memref<4x2048x128xf32, #tpu.memory_space<vmem>>, %arg2: memref<2x2048xf32, #tpu.memory_space<vmem>>, %arg3: memref<2048x128xf32, #tpu.memory_space<vmem>>, %arg4: memref<128x128xf32, #tpu.memory_space<vmem>>, %arg5: memref<128x128xf32, #tpu.memory_space<vmem>>, %arg6: memref<2048x128xf32, #tpu.memory_space<vmem>>) attributes {dimension_semantics = [#tpu.dimension_semantics<arbitrary>], iteration_bounds = array<i64: 5>, scalar_prefetch = 0 : i64, scratch_operands = 0 : i64, tpu.core_type = #tpu.core_type<tc>, window_params = [{transform_indices = @transform_0, window_bounds = array<i64: 4, 2048, 128>}, {transform_indices = @transform_1, window_bounds = array<i64: 2, 2048>}, {transform_indices = @transform_2, window_bounds = array<i64: 2048, 128>}, {pipeline_mode = #tpu.pipeline_mode<synchronous>, transform_indices = @transform_3, window_bounds = array<i64: 128, 128>}, {pipeline_mode = #tpu.pipeline_mode<synchronous>, transform_indices = @transform_4, window_bounds = array<i64: 128, 128>}, {transform_indices = @transform_5, window_bounds = array<i64: 2048, 128>}]} {
    %get3A = arith.constant 0 : index
    %get3A_0 = arith.constant 0 : index
    %get3A_1 = arith.constant 0 : index
    %get3A_2 = vector.load %arg1[%get3A, %get3A_0, %get3A_1] : memref<4x2048x128xf32, #tpu.memory_space<vmem>>, vector<4x2048x128xf32>
    %get3A_3 = arith.constant 0 : index
    %get3A_4 = arith.constant 0 : index
    %get3A_5 = vector.load %arg2[%get3A_3, %get3A_4] : memref<2x2048xf32, #tpu.memory_space<vmem>>, vector<2x2048xf32>
    %get3A_6 = arith.constant 0 : index
    %get3A_7 = arith.constant 0 : index
    %get3A_8 = vector.load %arg3[%get3A_6, %get3A_7] : memref<2048x128xf32, #tpu.memory_space<vmem>>, vector<2048x128xf32>
    %slice3A = vector.extract_strided_slice %get3A_2 {offsets = [0, 0, 0], sizes = [1, 2048, 64], strides = [1, 1, 1]} : vector<4x2048x128xf32> to vector<1x2048x64xf32>
    %squeeze3A = vector.shape_cast %slice3A : vector<1x2048x64xf32> to vector<2048x64xf32>
    %slice3A_9 = vector.extract_strided_slice %get3A_2 {offsets = [1, 0, 0], sizes = [1, 2048, 64], strides = [1, 1, 1]} : vector<4x2048x128xf32> to vector<1x2048x64xf32>
    %squeeze3A_10 = vector.shape_cast %slice3A_9 : vector<1x2048x64xf32> to vector<2048x64xf32>
    %concatenate3A = tpu.concatenate %squeeze3A, %squeeze3A_10 in 1 : vector<2048x64xf32>, vector<2048x64xf32> -> vector<2048x128xf32>
    %slice3A_11 = vector.extract_strided_slice %get3A_2 {offsets = [0, 0, 64], sizes = [1, 2048, 64], strides = [1, 1, 1]} : vector<4x2048x128xf32> to vector<1x2048x64xf32>
    %squeeze3A_12 = vector.shape_cast %slice3A_11 : vector<1x2048x64xf32> to vector<2048x64xf32>
    %slice3A_13 = vector.extract_strided_slice %get3A_2 {offsets = [1, 0, 64], sizes = [1, 2048, 64], strides = [1, 1, 1]} : vector<4x2048x128xf32> to vector<1x2048x64xf32>
    %squeeze3A_14 = vector.shape_cast %slice3A_13 : vector<1x2048x64xf32> to vector<2048x64xf32>
    %concatenate3A_15 = tpu.concatenate %squeeze3A_12, %squeeze3A_14 in 1 : vector<2048x64xf32>, vector<2048x64xf32> -> vector<2048x128xf32>
    %get3A_16 = arith.constant 0 : index
    %get3A_17 = arith.constant 0 : index
    %get3A_18 = vector.load %arg4[%get3A_16, %get3A_17] : memref<128x128xf32, #tpu.memory_space<vmem>>, vector<128x128xf32>
    %slice3A_19 = vector.extract_strided_slice %get3A_18 {offsets = [0, 0], sizes = [64, 128], strides = [1, 1]} : vector<128x128xf32> to vector<64x128xf32>
    %slice3A_20 = vector.extract_strided_slice %get3A_18 {offsets = [64, 0], sizes = [64, 128], strides = [1, 1]} : vector<128x128xf32> to vector<64x128xf32>
    %neg3A = arith.constant 0.000000e+00 : f32
    %neg3A_21 = vector.broadcast %neg3A : f32 to vector<64x128xf32>
    %neg3A_22 = arith.subf %neg3A_21, %slice3A_20 : vector<64x128xf32>
    %concatenate3A_23 = tpu.concatenate %slice3A_19, %neg3A_22 in 0 : vector<64x128xf32>, vector<64x128xf32> -> vector<128x128xf32>
    %slice3A_24 = vector.extract_strided_slice %get3A_18 {offsets = [64, 0], sizes = [64, 128], strides = [1, 1]} : vector<128x128xf32> to vector<64x128xf32>
    %slice3A_25 = vector.extract_strided_slice %get3A_18 {offsets = [0, 0], sizes = [64, 128], strides = [1, 1]} : vector<128x128xf32> to vector<64x128xf32>
    %concatenate3A_26 = tpu.concatenate %slice3A_24, %slice3A_25 in 0 : vector<64x128xf32>, vector<64x128xf32> -> vector<128x128xf32>
    %dot_general3A = arith.constant dense<0.000000e+00> : vector<2048x128xf32>
    %dot_general3A_27 = tpu.matmul %concatenate3A, %concatenate3A_23, %dot_general3A {dimension_numbers = #tpu.dot_dimension_numbers<[1], [0], [0], [1], [0, 0, 1, 1], [], []>, transpose_lhs_hint = false} : vector<2048x128xf32>, vector<128x128xf32>, vector<2048x128xf32> -> vector<2048x128xf32>
    %dot_general3A_28 = arith.constant dense<0.000000e+00> : vector<2048x128xf32>
    %dot_general3A_29 = tpu.matmul %concatenate3A_15, %concatenate3A_26, %dot_general3A_28 {dimension_numbers = #tpu.dot_dimension_numbers<[1], [0], [0], [1], [0, 0, 1, 1], [], []>, transpose_lhs_hint = false} : vector<2048x128xf32>, vector<128x128xf32>, vector<2048x128xf32> -> vector<2048x128xf32>
    %add3A = arith.addf %dot_general3A_27, %dot_general3A_29 : vector<2048x128xf32>
    %slice3A_30 = vector.extract_strided_slice %get3A_5 {offsets = [0, 0], sizes = [1, 2048], strides = [1, 1]} : vector<2x2048xf32> to vector<1x2048xf32>
    %squeeze3A_31 = vector.shape_cast %slice3A_30 : vector<1x2048xf32> to vector<2048xf32>
    %broadcast_in_dim3A = vector.shape_cast %squeeze3A_31 : vector<2048xf32> to vector<2048x1xf32>
    %mul3A = vector.broadcast %broadcast_in_dim3A : vector<2048x1xf32> to vector<2048x128xf32>
    %mul3A_32 = arith.mulf %mul3A, %add3A : vector<2048x128xf32>
    %add3A_33 = arith.addf %get3A_8, %mul3A_32 : vector<2048x128xf32>
    %slice3A_34 = vector.extract_strided_slice %get3A_2 {offsets = [2, 0, 0], sizes = [1, 2048, 64], strides = [1, 1, 1]} : vector<4x2048x128xf32> to vector<1x2048x64xf32>
    %squeeze3A_35 = vector.shape_cast %slice3A_34 : vector<1x2048x64xf32> to vector<2048x64xf32>
    %slice3A_36 = vector.extract_strided_slice %get3A_2 {offsets = [3, 0, 0], sizes = [1, 2048, 64], strides = [1, 1, 1]} : vector<4x2048x128xf32> to vector<1x2048x64xf32>
    %squeeze3A_37 = vector.shape_cast %slice3A_36 : vector<1x2048x64xf32> to vector<2048x64xf32>
    %concatenate3A_38 = tpu.concatenate %squeeze3A_35, %squeeze3A_37 in 1 : vector<2048x64xf32>, vector<2048x64xf32> -> vector<2048x128xf32>
    %slice3A_39 = vector.extract_strided_slice %get3A_2 {offsets = [2, 0, 64], sizes = [1, 2048, 64], strides = [1, 1, 1]} : vector<4x2048x128xf32> to vector<1x2048x64xf32>
    %squeeze3A_40 = vector.shape_cast %slice3A_39 : vector<1x2048x64xf32> to vector<2048x64xf32>
    %slice3A_41 = vector.extract_strided_slice %get3A_2 {offsets = [3, 0, 64], sizes = [1, 2048, 64], strides = [1, 1, 1]} : vector<4x2048x128xf32> to vector<1x2048x64xf32>
    %squeeze3A_42 = vector.shape_cast %slice3A_41 : vector<1x2048x64xf32> to vector<2048x64xf32>
    %concatenate3A_43 = tpu.concatenate %squeeze3A_40, %squeeze3A_42 in 1 : vector<2048x64xf32>, vector<2048x64xf32> -> vector<2048x128xf32>
    %get3A_44 = arith.constant 0 : index
    %get3A_45 = arith.constant 0 : index
    %get3A_46 = vector.load %arg5[%get3A_44, %get3A_45] : memref<128x128xf32, #tpu.memory_space<vmem>>, vector<128x128xf32>
    %slice3A_47 = vector.extract_strided_slice %get3A_46 {offsets = [0, 0], sizes = [64, 128], strides = [1, 1]} : vector<128x128xf32> to vector<64x128xf32>
    %slice3A_48 = vector.extract_strided_slice %get3A_46 {offsets = [64, 0], sizes = [64, 128], strides = [1, 1]} : vector<128x128xf32> to vector<64x128xf32>
    %neg3A_49 = arith.constant 0.000000e+00 : f32
    %neg3A_50 = vector.broadcast %neg3A_49 : f32 to vector<64x128xf32>
    %neg3A_51 = arith.subf %neg3A_50, %slice3A_48 : vector<64x128xf32>
    %concatenate3A_52 = tpu.concatenate %slice3A_47, %neg3A_51 in 0 : vector<64x128xf32>, vector<64x128xf32> -> vector<128x128xf32>
    %slice3A_53 = vector.extract_strided_slice %get3A_46 {offsets = [64, 0], sizes = [64, 128], strides = [1, 1]} : vector<128x128xf32> to vector<64x128xf32>
    %slice3A_54 = vector.extract_strided_slice %get3A_46 {offsets = [0, 0], sizes = [64, 128], strides = [1, 1]} : vector<128x128xf32> to vector<64x128xf32>
    %concatenate3A_55 = tpu.concatenate %slice3A_53, %slice3A_54 in 0 : vector<64x128xf32>, vector<64x128xf32> -> vector<128x128xf32>
    %dot_general3A_56 = arith.constant dense<0.000000e+00> : vector<2048x128xf32>
    %dot_general3A_57 = tpu.matmul %concatenate3A_38, %concatenate3A_52, %dot_general3A_56 {dimension_numbers = #tpu.dot_dimension_numbers<[1], [0], [0], [1], [0, 0, 1, 1], [], []>, transpose_lhs_hint = false} : vector<2048x128xf32>, vector<128x128xf32>, vector<2048x128xf32> -> vector<2048x128xf32>
    %dot_general3A_58 = arith.constant dense<0.000000e+00> : vector<2048x128xf32>
    %dot_general3A_59 = tpu.matmul %concatenate3A_43, %concatenate3A_55, %dot_general3A_58 {dimension_numbers = #tpu.dot_dimension_numbers<[1], [0], [0], [1], [0, 0, 1, 1], [], []>, transpose_lhs_hint = false} : vector<2048x128xf32>, vector<128x128xf32>, vector<2048x128xf32> -> vector<2048x128xf32>
    %add3A_60 = arith.addf %dot_general3A_57, %dot_general3A_59 : vector<2048x128xf32>
    %slice3A_61 = vector.extract_strided_slice %get3A_5 {offsets = [1, 0], sizes = [1, 2048], strides = [1, 1]} : vector<2x2048xf32> to vector<1x2048xf32>
    %squeeze3A_62 = vector.shape_cast %slice3A_61 : vector<1x2048xf32> to vector<2048xf32>
    %broadcast_in_dim3A_63 = vector.shape_cast %squeeze3A_62 : vector<2048xf32> to vector<2048x1xf32>
    %mul3A_64 = vector.broadcast %broadcast_in_dim3A_63 : vector<2048x1xf32> to vector<2048x128xf32>
    %mul3A_65 = arith.mulf %mul3A_64, %add3A_60 : vector<2048x128xf32>
    %add3A_66 = arith.addf %add3A_33, %mul3A_65 : vector<2048x128xf32>
    %mul3A_67 = arith.constant 0.333333343 : f32
    %mul3A_68 = vector.broadcast %mul3A_67 : f32 to vector<2048x128xf32>
    %mul3A_69 = arith.mulf %add3A_66, %mul3A_68 : vector<2048x128xf32>
    %swap3A = arith.constant 0 : index
    %swap3A_70 = arith.constant 0 : index
    %swap3A_71 = vector.load %arg6[%swap3A, %swap3A_70] : memref<2048x128xf32, #tpu.memory_space<vmem>>, vector<2048x128xf32>
    tpu.vector_store %arg6[%swap3A, %swap3A_70], %mul3A_69 {strides = array<i32>} : memref<2048x128xf32, #tpu.memory_space<vmem>>, vector<2048x128xf32>,
    return
  }
  func.func @transform_0(%arg0: i32) -> (i32, i32, i32) {
    %c0_i32 = arith.constant 0 : i32
    %c0_i32_0 = arith.constant 0 : i32
    %c0_i32_1 = arith.constant 0 : i32
    return %c0_i32, %arg0, %c0_i32_0 : i32, i32, i32
  }
  func.func @transform_1(%arg0: i32) -> (i32, i32) {
    %c0_i32 = arith.constant 0 : i32
    %c0_i32_0 = arith.constant 0 : i32
    return %c0_i32, %arg0 : i32, i32
  }
  func.func @transform_2(%arg0: i32) -> (i32, i32) {
    %c0_i32 = arith.constant 0 : i32
    %c0_i32_0 = arith.constant 0 : i32
    return %arg0, %c0_i32 : i32, i32
  }
  func.func @transform_3(%arg0: i32) -> (i32, i32) {
    %c0_i32 = arith.constant 0 : i32
    %c0_i32_0 = arith.constant 0 : i32
    %c0_i32_1 = arith.constant 0 : i32
    return %c0_i32, %c0_i32_0 : i32, i32
  }
  func.func @transform_4(%arg0: i32) -> (i32, i32) {
    %c0_i32 = arith.constant 0 : i32
    %c0_i32_0 = arith.constant 0 : i32
    %c0_i32_1 = arith.constant 0 : i32
    return %c0_i32, %c0_i32_0 : i32, i32
  }
  func.func @transform_5(%arg0: i32) -> (i32, i32) {
    %c0_i32 = arith.constant 0 : i32
    %c0_i32_0 = arith.constant 0 : i32
    return %arg0, %c0_i32 : i32, i32
  }
}

</mosaic_0001>

<sc_bundles>
// kernel: kernel.10.cloned.1.call-start
scs
__scs_entry_jumppad:
0x0: {  	(pc) =	sbr.rel $0x88, $3  }
0x1: {  	(tag) =	ssettag $0x0;
	lr =	simm.s32 $0x1  }
0x2: {  	[smem:$0x3F98] =	sst lr;
	_ =	strace $0xD0000000  }
0x3: {  	_ = 	snop  }
0x4: {  	_ = 	snop  }
0x5: {  	_ = 	snop  }
0x6: {  	_ = 	snop  }
0x7: {  	_ = 	snop  }
__scs_overlays_trampoline_lowered:
0x8: {  	[smem:$0x3FA7] =	sst s0  }
0x9: {  	[smem:$0x3FA8] =	sst s1  }
0xa: {  	[smem:$0x3FA9] =	sst s2  }
0xb: {  	[smem:$0x3FAA] =	sst s3  }
0xc: {  	[smem:$0x3FAB] =	sst s4  }
0xd: {  	[smem:$0x3FAC] =	sst s5  }
0xe: {  	[smem:$0x3FAD] =	sst s6  }
0xf: {  	[smem:$0x3FAE] =	sst s7  }
0x10: {  	[smem:$0x3FAF] =	sst s8  }
0x11: {  	[smem:$0x3FB0] =	sst s9;
	s0 =	simm.s32 @!p0 $0x0  }
0x12: {  	s1 =	sld [smem:$0x3F96];
	s0 =	simm.s32 @p0 $0x1  }
0x13: {  	[smem:$0x3FB1] =	sst s0;
	s0 =	simm.s32 @!p1 $0x0  }
0x14: {  	s2 =	sld [smem:$0x3F95];
	s0 =	simm.s32 @p1 $0x1  }
0x15: {  	[smem:$0x3FB2] =	sst s0;
	s0 =	simm.s32 @!p2 $0x0  }
0x16: {  	s3 =	sld [smem:$0x3FDB];
	s0 =	simm.s32 @p2 $0x1  }
0x17: {  	s4 =	simm.s32 $0x1BF5;
	[smem:$0x3FB4] =	sst s0  }
0x18: {  	s0 =	sld [smem:$0x3F97];
	_ =	swait.ge [sflag:s4], $0x0  }
0x19: {  	s7 =	sld [smem:$0x3F98]  }
0x1a: {  	s8 =	sadd.s32 $0xFFFFE003, lr  }
0x1b: {  	s9 =	sadd.s32 $0xFFFFFEF7, lr;
	s5 =	simm.s32 $0xFFFFFFFF;
	p2 =	slt.u32 s8, $0xFFFFF086  }
0x1c: {  	p1 =	slt.u32 s9, $0xF7A;
	s5 =	simm.s32 @!p2 $0x0  }
0x1d: {  	s5 =	simm.s32 @p1 $0x1;
	p0 =	seq.s32 s7, s2  }
0x1e: {  	s7 =	smul.u32 @!p0 $0xF7A, s2;
	p2 =	seq.s32 @!p0 s5, $0x0  }
0x1f: {  	s9 =	smul.u32 $0xF7A, s1;
	s8 =	simm.s32 @!p0 $0x1BF5;
	p2 =	por !p2, p0  }
0x20: {  	[sflag:s8] =	ssyncset.s32 @!p0 $0xFFFFF086;
	s6 =	sadd.s32 @!p0 s3, s7;
	s7 =	simm.s32 @!p0 $0x108  }
0x21: {  	s3 =	sadd.s32 s3, s9;
	s6 =	sadd.s32 @!p0 $0x88, s6;
	s7 =	simm.s32 @p2 $0x1082  }
0x22: {  	[simem:s7], [sflag:s8] =	dma.local @!p0 [hbm:s6], $0xF7A  }
0x23: {  	s9 =	sor.u32 $0xD0000000, s2;
	s6 =	simm.s32 $0x108;
	_ =	swait.ge @!p0 [sflag:s8], $0x0  }
0x24: {  	s3 =	sadd.s32 $0x88, s3;
	s6 =	simm.s32 @!p1 $0x1082;
	[sflag:s4] =	ssyncset.s32 $0xFFFFF086  }
0x25: {  	[simem:s6], [sflag:s4] =	dma.local [hbm:s3], $0xF7A  }
0x26: {  	[smem:$0x3F98] =	sst s1;
	(tag) =	ssettag s2;
	_ =	strace s9  }
0x27: {  	s1 =	sld [smem:$0x3FA8]  }
0x28: {  	s2 =	sld [smem:$0x3FA9]  }
0x29: {  	s4 =	sld [smem:$0x3FAB]  }
0x2a: {  	p0 =	seq.s32 s5, $0x0;
	s5 =	sld [smem:$0x3FAC]  }
0x2b: {  	s6 =	sld [smem:$0x3FAD]  }
0x2c: {  	s7 =	sld [smem:$0x3FAE]  }
0x2d: {  	s3 =	simm.s32 $0x108;
	s8 =	sld [smem:$0x3FAF]  }
0x2e: {  	s3 =	simm.s32 @!p0 $0x1082;
	s9 =	sld [smem:$0x3FB0]  }
0x2f: {  	lr =	sadd.s32 s0, s3;
	s0 =	sld [smem:$0x3FA7]  }
0x30: {  	s3 =	sld [smem:$0x3FAA]  }
0x31: {  	[smem:$0x3FB3] =	sst s10  }
0x32: {  	s10 =	sld [smem:$0x3FB1];
	_ =	sdelay $0x3  }
0x33: {  	p0 =	seq.s32 s10, $0x1;
	s10 =	sld [smem:$0x3FB3];
	_ =	sdelay $0x3  }
0x34: {  	[smem:$0x3FB3] =	sst s10  }
0x35: {  	s10 =	sld [smem:$0x3FB2];
	_ =	sdelay $0x3  }
0x36: {  	p1 =	seq.s32 s10, $0x1;
	s10 =	sld [smem:$0x3FB3];
	_ =	sdelay $0x3  }
0x37: {  	[smem:$0x3FB3] =	sst s10  }
0x38: {  	s10 =	sld [smem:$0x3FB4]  }
0x39: {  	_ = 	snop;
	(pc) =	sbr.ind lr, $3  }
0x3a: {  	_ = 	snop  }
0x3b: {  	_ = 	snop  }
0x3c: {  	p2 =	seq.s32 s10, $0x1;
	s10 =	sld [smem:$0x3FB3]  }
0x3d: {  	_ =	shalt  }
0x3e: {  	_ =	shalt  }
0x3f: {  	_ =	shalt  }
0x40: {  	_ =	shalt  }
0x41: {  	_ =	shalt  }
0x42: {  	_ =	shalt  }
0x43: {  	_ =	shalt  }
0x44: {  	_ =	shalt  }
0x45: {  	_ =	shalt  }
0x46: {  	_ =	shalt  }
0x47: {  	_ =	shalt  }
0x48: {  	_ =	shalt  }
0x49: {  	_ =	shalt  }
0x4a: {  	_ =	shalt  }
0x4b: {  	_ =	shalt  }
0x4c: {  	_ =	shalt  }
0x4d: {  	_ =	shalt  }
0x4e: {  	_ =	shalt  }
0x4f: {  	_ =	shalt  }
0x50: {  	_ =	shalt  }
0x51: {  	_ =	shalt  }
0x52: {  	_ =	shalt  }
0x53: {  	_ =	shalt  }
0x54: {  	_ =	shalt  }
0x55: {  	_ =	shalt  }
0x56: {  	_ =	shalt  }
0x57: {  	_ =	shalt  }
0x58: {  	_ =	shalt  }
0x59: {  	_ =	shalt  }
0x5a: {  	_ =	shalt  }
0x5b: {  	_ =	shalt  }
0x5c: {  	_ =	shalt  }
0x5d: {  	_ =	shalt  }
0x5e: {  	_ =	shalt  }
0x5f: {  	_ =	shalt  }
0x60: {  	_ =	shalt  }
0x61: {  	_ =	shalt  }
0x62: {  	_ =	shalt  }
0x63: {  	_ =	shalt  }
0x64: {  	_ =	shalt  }
0x65: {  	_ =	shalt  }
0x66: {  	_ =	shalt  }
0x67: {  	_ =	shalt  }
0x68: {  	_ =	shalt  }
0x69: {  	_ =	shalt  }
0x6a: {  	_ =	shalt  }
0x6b: {  	_ =	shalt  }
0x6c: {  	_ =	shalt  }
0x6d: {  	_ =	shalt  }
0x6e: {  	_ =	shalt  }
0x6f: {  	_ =	shalt  }
0x70: {  	_ =	shalt  }
0x71: {  	_ =	shalt  }
0x72: {  	_ =	shalt  }
0x73: {  	_ =	shalt  }
0x74: {  	_ =	shalt  }
0x75: {  	_ =	shalt  }
0x76: {  	_ =	shalt  }
0x77: {  	_ =	shalt  }
0x78: {  	_ =	shalt  }
0x79: {  	_ =	shalt  }
0x7a: {  	_ =	shalt  }
0x7b: {  	_ =	shalt  }
0x7c: {  	_ =	shalt  }
0x7d: {  	_ =	shalt  }
0x7e: {  	_ =	shalt  }
0x7f: {  	_ =	shalt  }
0x80: {  	_ =	shalt  }
0x81: {  	_ =	shalt  }
0x82: {  	_ =	shalt  }
0x83: {  	_ =	shalt  }
0x84: {  	_ =	shalt  }
0x85: {  	_ =	shalt  }
0x86: {  	_ =	shalt  }
0x87: {  	_ =	shalt  }
.Lfunc_end0:
.L_simem_size_0:
called_computation.1_lowered:
.L_overlay_start_0:
0x88: {  	s2 =	sld [smem:$0x3FD9]  }
0x89: {  	s3 =	sld [smem:$0x3FFE];
	_ =	sdelay $0x1  }
0x8a: {  	s1 =	srdreg.scid  }
0x8b: {  	s0 =	sand.u32 $0x1, s1  }
0x8c: {  	s14 =	sshll.u32 s0, $0xA;
	s2 =	sadd.s32 s3, s2  }
0x8d: {  	s2 =	sadd.s32 s2, s14  }
0x8e: {  	[smem:$0x3FBF] =	sst s2  }
0x8f: {  	_ = 	snop  }
0x90: {  	s2 =	sld [smem:$0x3FD0];
	_ =	sdelay $0x2  }
0x91: {  	s15 =	simm.s32 $0xA;
	s4 =	simm.s32 $0x10  }
0x92: {  	[smem:s4], [sflag:s15] =	dma.local [hbm:s2], $0x1  }
0x93: {  	_ =	swait.eq [sflag:s15], $0x1  }
0x94: {  	[sflag:s15] =	ssyncset.done $0x0  }
0x95: {  	[sflag:s15] =	ssyncadd.s32 $0xFFFFFFFF  }
0x96: {  	s16 =	sld [smem:$0x10];
	(tm) =	ssettm $0x1  }
0x97: {  	s17 =	sld [smem:$0x3FFB];
	_ =	sdelay $0x3  }
0x98: {  	_ =	strace s17  }
0x99: {  	s3 =	sld [smem:$0x3FFC];
	_ =	sdelay $0x3  }
0x9a: {  	_ =	strace s3  }
0x9b: {  	s3 =	sld [smem:$0x3FFD];
	_ =	sdelay $0x3  }
0x9c: {  	_ =	strace s3  }
0x9d: {  	_ =	strace $0x8FFFFFFF  }
0x9e: {  	s18 =	sld [smem:$0x3FDB];
	_ =	sdelay $0x1  }
0x9f: {  	s19 =	simm.s32 $_scs_section_size  }
0xa0: {  	s5 =	simm.s32 $_size__tile_overlayer_lowered;
	s6 =	simm.s32 $_tile_overlayer_lowered  }
0xa1: {  	s22 =	simm.s32 $0x1BFF;
	s21 =	sshll.u32 s6, $0x1;
	s3 =	sadd.s32 s19, s18  }
0xa2: {  	s7 =	simm.s32 $0x0;
	s20 =	sshll.u32 s5, $0x1;
	s5 =	sadd.s32 s21, s3  }
0xa3: {  	[timem:s7], [sflag:s22] =	dma.local [hbm:s5], s20  }
0xa4: {  	_ =	swait.ge [sflag:s22], s20  }
0xa5: {  	s4 =	ssub.s32 $0x0, s20;
	[sflag:s22] =	ssyncset.done $0x0  }
0xa6: {  	[sflag:s22] =	ssyncadd.s32 s4;
	_ =	sdelay $0x1  }
0xa7: {  	s23 =	simm.s32 $0x1B8B  }
0xa8: {  	_ =	swait.ge [sflag:s23], $0x1  }
0xa9: {  	[sflag:s23] =	ssyncset.done $0x0  }
0xaa: {  	s25 =	simm.s32 $0x1B8E;
	s24 =	sld [smem:$0x3FFE];
	[sflag:s23] =	ssyncadd.s32 $0xFFFFFFFF  }
0xab: {  	s26 =	simm.s32 $execute0_lowered;
	[smem:$0x3FD2] =	sst s25  }
0xac: {  	s5 =	sshll.u32 s26, $0x1;
	_ =	strace $0x80000049;
	[dreg:$0x1] =	wrdreg $0xFFFFFFFF  }
0xad: {  	s28 =	simm.s32 $_size_execute0_lowered;
	s3 =	sadd.s32 s3, s5;
	[dreg:$0x0] =	wrdreg $0x0  }
0xae: {  	s5 =	sshll.u32 s28, $0x1;
	[dreg:$0x2] =	wrdreg s3  }
0xaf: {  	[dreg:$0x3] =	wrdreg s5  }
0xb0: {  	[dreg:$0x4] =	wrdreg $0xC0  }
0xb1: {  	_ =	task [dreg:s7], $0x5FFFF  }
0xb2: {  	[dreg:$0x1] =	wrdreg $0xFFFFFFFF  }
0xb3: {  	[dreg:$0x0] =	wrdreg $0x60  }
0xb4: {  	[dreg:$0x2] =	wrdreg s24  }
0xb5: {  	[dreg:$0x3] =	wrdreg s16  }
0xb6: {  	[dreg:$0x4] =	wrdreg $0x0  }
0xb7: {  	[dreg:$0x5] =	wrdreg $0x140000  }
0xb8: {  	[dreg:$0x6] =	wrdreg $0x9  }
0xb9: {  	_ =	task.clear_ibuf [dreg:s7], $0x7FFFF;
	_ =	strace $0x90000049  }
0xba: {  	s29 =	simm.s32 $0x9;
	_ =	strace $0x8000004B  }
0xbb: {  	_ =	swait.ge [sflag:s29], $0x1  }
0xbc: {  	[sflag:s29] =	ssyncadd.s32 $0xFFFFFFFF  }
0xbd: {  	_ =	strace $0x9000004B  }
0xbe: {  	_ =	sfence  }
0xbf: {  	s30 =	sld [smem:$0x0];
	_ =	sdelay $0x2  }
0xc0: {  	s31 =	sshll.u32 s1, $0xD;
	s1 =	sshrl.u32 s1, $0x2  }
0xc1: {  	s3 =	sand.u32 $0x4000, s31;
	s1 =	sadd.s32 s1, s30  }
0xc2: {  	s0 =	sor.u32 s3, s0;
	s1 =	sshll.u32 s1, $0x11  }
0xc3: {  	s0 =	sor.u32 s1, s0  }
0xc4: {  	s0 =	sadd.s32 $0x8F2B, s0  }
0xc5: {  	[sflag:s0] =	ssyncadd.remote.s32 $0x1  }
0xc6: {  	_ =	sfence.sel $0xFFFF  }
0xc7: {  	[dreg:$0x0] =	wrdreg $0xFFFFFFFF;
	(pc) =	sbr.abs _section_cstart, $3  }
0xc8: {  	[dreg:$0x1] =	wrdreg $0xFFFFFFFF  }
0xc9: {  	_ =	task.clear_ibuf [dreg:s7], $0x2FFFF;
	_ =	strace $0x9FFFFFFF  }
0xca: {  	(tm) =	ssettm $0x7FFFFFFF  }
0xcb: {  	_ =	shalt  }
tec
execute0_lowered:
.L_overlay_start_1:
0x0: {  	(tag) =	ssettag $0x1  }
0x1: {  	s0 =	rddreg [dreg:$0x0]  }
0x2: {  	s1 =	rddreg [dreg:$0x2]  }
0x3: {  	s2 =	srdreg.scid;
	s14 =	stileid.u32  }
0x4: {  	s4 =	rddreg [dreg:$0x3];
	s5 =	simm.s32 $0x0;
	s19 =	simm.s32 $0x1EA80  }
0x5: {  	s20 =	simm.s32 $0x5;
	s22 =	simm.s32 $0x40;
	s3 =	smul.u32 $0x280, s14  }
0x6: {  	s28 =	simm.s32 $0x3;
	s29 =	simm.s32 $0x14880;
	s8 =	smul.u32 $0x50000, s14  }
0x7: {  	s30 =	simm.s32 $0x16A80;
	s31 =	simm.s32 $0x14900;
	s7 =	smul.u32 $0x9E, s14  }
0x8: {  	s2 =	sand.u32 $0x1, s2;
	[smem:$0x7FF] =	sst s5;
	s12 =	smul.u32 $0x2780, s14  }
0x9: {  	s10 =	sadd.s32 $0x51800, s0;
	p0 =	sne.s32 s14, $0x0;
	s6 =	smul.u32 $0x2800, s2  }
0xa: {  	_ =	strace $0x8000004A;
	s9 =	ssub.s32 $0x2, s2;
	p1 =	sne.s32 s2, $0x0  }
0xb: {  	s2 =	simm.s32 $0x1AA80;
	s11 =	sshrl.u32 s9, $0x1;
	s8 =	sshrl.u32 s8, $0x2  }
0xc: {  	s23 =	sadd.s32 s10, s12;
	s12 =	sor.u32 $0x1, s7;
	s3 =	sadd.s32 s3, s6  }
0xd: {  	s6 =	sadd.s32 $0x1800, s0;
	s13 =	ssub.s32 s9, s11;
	s8 =	sadd.s32 s8, s1  }
0xe: {  	s9 =	sadd.s32 $0x9E0, s7;
	[dreg:$0x5] =	wrdreg s23;
	s11 =	sadd.s32 $0x51840, s0  }
0xf: {  	s23 =	simm.s32 $0x2;
	s3 =	sshll.u32 s3, $0x4;
	s24 =	sshll.u32 s9, $0x6  }
0x10: {  	s26 =	smax.u32 s13, $0x1;
	s3 =	sadd.s32 s3, s0;
	s0 =	sadd.s32 s10, s24  }
.Ltmp0:
0x11: {  	[dreg:$0x9] =	wrdreg s26;
	s26 =	simm.s32 $0x1;
	(pc) =	sbr.rel .LBB2_1-.Ltmp0, $4  }
0x12: {  	s24 =	simm.s32 $0x4;
	s15 =	sadd.s32 $0xA0800, s3;
	[dreg:$0x7] =	wrdreg s0  }
0x13: {  	s25 =	sadd.s32 $0xF0800, s3;
	s0 =	sshrl.u32 @!p0 s4, $0x3;
	[dreg:$0x6] =	wrdreg s15  }
0x14: {  	s3 =	simm.s32 $0x1CA80;
	s15 =	sadd.s32 $0x9E1, s7;
	[dreg:$0x8] =	wrdreg s25  }
0x15: {  	v0 =	vimm.f32 $0.0e+00;
	[dreg:$0xa] =	wrdreg s0;
	s0 =	simm.s32 $0x14780;
	s25 =	simm.s32 $0x14980  }
.LBB2_37:
0x16: {  	[bflag:$0x0] =	sbarrier.arrive $0xFFFF  }
0x17: {  	s10 =	rddreg [dreg:$0x8]  }
0x18: {  	s14 =	rddreg [dreg:$0xb]  }
0x19: {  	[hbm:s10], [sflag:s14] =	dma.local [spmem:s13], $0x2800  }
0x1a: {  	_ =	swait.ge [sflag:s20], $0x2800  }
0x1b: {  	s5 =	sadd.s32 $0x1, s5;
	s21 =	rddreg [dreg:$0x9]  }
0x1c: {  	p2 =	sne.s32 s5, s21  }
.Ltmp1:
0x1d: {  	_ = 	snop;
	(pc) =	sbr.rel @!p2 .LBB2_38-.Ltmp1, $3  }
0x1e: {  	_ =	sdelay $0x1  }
0x1f: {  	[sflag:s20] =	ssyncset.done $0x0  }
0x20: {  	[sflag:s20] =	ssyncadd.s32 $0xFFFFD800  }
.LBB2_1:
0x21: {  	s13 =	rddreg [dreg:$0x1]  }
0x22: {  	s10 =	simm.s32 @!p0 $0x1C05;
	s14 =	rddreg [dreg:$0xa]  }
0x23: {  	[spmem:s14], [sflag:s10] =	dma.local @!p0 [hbm:s13], $0xD00  }
0x24: {  	s10 =	simm.s32 @!p0 $0x5  }
0x25: {  	_ =	swait.ge @!p0 [sflag:s10], $0xD00  }
0x26: {  	[sflag:s10] =	ssyncset.done @!p0 $0x0  }
0x27: {  	[sflag:s10] =	ssyncadd.s32 @!p0 $0xFFFFF300  }
0x28: {  	[tilespmem:$0x1EA80] =	vst v0  }
0x29: {  	[tilespmem:$0x1EA90] =	vst v0  }
0x2a: {  	[tilespmem:$0x1EAA0] =	vst v0  }
0x2b: {  	[tilespmem:$0x1EAB0] =	vst v0  }
0x2c: {  	[tilespmem:$0x1EAC0] =	vst v0  }
0x2d: {  	[tilespmem:$0x1EAD0] =	vst v0  }
0x2e: {  	[tilespmem:$0x1EAE0] =	vst v0  }
0x2f: {  	[tilespmem:$0x1EAF0] =	vst v0  }
0x30: {  	[tilespmem:$0x1EB00] =	vst v0  }
0x31: {  	[tilespmem:$0x1EB10] =	vst v0  }
0x32: {  	[tilespmem:$0x1EB20] =	vst v0  }
0x33: {  	[tilespmem:$0x1EB30] =	vst v0  }
0x34: {  	[tilespmem:$0x1EB40] =	vst v0  }
0x35: {  	[tilespmem:$0x1EB50] =	vst v0  }
0x36: {  	[tilespmem:$0x1EB60] =	vst v0  }
0x37: {  	[tilespmem:$0x1EB70] =	vst v0  }
0x38: {  	[tilespmem:$0x1EB80] =	vst v0  }
0x39: {  	[tilespmem:$0x1EB90] =	vst v0  }
0x3a: {  	[tilespmem:$0x1EBA0] =	vst v0  }
0x3b: {  	[tilespmem:$0x1EBB0] =	vst v0  }
0x3c: {  	[tilespmem:$0x1EBC0] =	vst v0  }
0x3d: {  	[tilespmem:$0x1EBD0] =	vst v0  }
0x3e: {  	[tilespmem:$0x1EBE0] =	vst v0  }
0x3f: {  	[tilespmem:$0x1EBF0] =	vst v0  }
0x40: {  	[tilespmem:$0x1EC00] =	vst v0  }
0x41: {  	[tilespmem:$0x1EC10] =	vst v0  }
0x42: {  	[tilespmem:$0x1EC20] =	vst v0  }
0x43: {  	[tilespmem:$0x1EC30] =	vst v0  }
0x44: {  	[tilespmem:$0x1EC40] =	vst v0  }
0x45: {  	[tilespmem:$0x1EC50] =	vst v0  }
0x46: {  	[tilespmem:$0x1EC60] =	vst v0  }
0x47: {  	[tilespmem:$0x1EC70] =	vst v0  }
0x48: {  	[tilespmem:$0x1EC80] =	vst v0  }
0x49: {  	[tilespmem:$0x1EC90] =	vst v0  }
0x4a: {  	[tilespmem:$0x1ECA0] =	vst v0  }
0x4b: {  	[tilespmem:$0x1ECB0] =	vst v0  }
0x4c: {  	[tilespmem:$0x1ECC0] =	vst v0  }
0x4d: {  	[tilespmem:$0x1ECD0] =	vst v0  }
0x4e: {  	[tilespmem:$0x1ECE0] =	vst v0  }
0x4f: {  	[tilespmem:$0x1ECF0] =	vst v0  }
0x50: {  	[tilespmem:$0x1ED00] =	vst v0  }
0x51: {  	[tilespmem:$0x1ED10] =	vst v0  }
0x52: {  	[tilespmem:$0x1ED20] =	vst v0  }
0x53: {  	[tilespmem:$0x1ED30] =	vst v0  }
0x54: {  	[tilespmem:$0x1ED40] =	vst v0  }
0x55: {  	[tilespmem:$0x1ED50] =	vst v0  }
0x56: {  	[tilespmem:$0x1ED60] =	vst v0  }
0x57: {  	[tilespmem:$0x1ED70] =	vst v0  }
0x58: {  	[tilespmem:$0x1ED80] =	vst v0  }
0x59: {  	[tilespmem:$0x1ED90] =	vst v0  }
0x5a: {  	[tilespmem:$0x1EDA0] =	vst v0  }
0x5b: {  	[tilespmem:$0x1EDB0] =	vst v0  }
0x5c: {  	[tilespmem:$0x1EDC0] =	vst v0  }
0x5d: {  	[tilespmem:$0x1EDD0] =	vst v0  }
0x5e: {  	[tilespmem:$0x1EDE0] =	vst v0  }
0x5f: {  	[tilespmem:$0x1EDF0] =	vst v0  }
0x60: {  	[tilespmem:$0x1EE00] =	vst v0  }
0x61: {  	[tilespmem:$0x1EE10] =	vst v0  }
0x62: {  	[tilespmem:$0x1EE20] =	vst v0  }
0x63: {  	[tilespmem:$0x1EE30] =	vst v0  }
0x64: {  	[tilespmem:$0x1EE40] =	vst v0  }
0x65: {  	[tilespmem:$0x1EE50] =	vst v0  }
0x66: {  	[tilespmem:$0x1EE60] =	vst v0  }
0x67: {  	s21 =	sadd.s32 $0x0, s8;
	[tilespmem:$0x1EE70] =	vst v0  }
0x68: {  	[spmem:s21] =	stream.linear.scatter [tilespmem:s19], [sflag:$0x5], $0x400, $0x38;
	[tilespmem:$0x1EE80] =	vst v63  }
0x69: {  	s10 =	simm.s32 $0x1000;
	_ =	swait.ge [sflag:s20], $0x400  }
.LBB2_2:
0x6a: {  	s13 =	sshra.s32 s10, $0x2;
	[sflag:s20] =	ssyncset.done $0x0;
	p2 =	sne.s32 s10, $0x4F000  }
.Ltmp2:
0x6b: {  	s13 =	sadd.s32 s13, s8;
	[sflag:s20] =	ssyncadd.s32 $0xFFFFFC00;
	(pc) =	sbr.rel @p2 .LBB2_2-.Ltmp2, $3  }
0x6c: {  	[spmem:s13] =	stream.linear.scatter [tilespmem:s19], [sflag:$0x5], $0x400, $0x38;
	[tilespmem:$0x1EE80] =	vst v63  }
0x6d: {  	s10 =	sadd.s32 $0x1000, s10;
	_ =	sdelay $0x1  }
0x6e: {  	_ =	swait.ge [sflag:s20], $0x400  }
0x6f: {  	[sflag:s20] =	ssyncset.done $0x0  }
0x70: {  	[sflag:s20] =	ssyncadd.s32 $0xFFFFFC00  }
0x71: {  	[bflag:$0x0] =	sbarrier.arrive $0xFFFF  }
0x72: {  	s10 =	simm.s32 $0x0;
	s14 =	simm.s32 $0x14680;
	s13 =	rddreg [dreg:$0x5]  }
0x73: {  	[tilespmem:s14], [sflag:$0x5] =	stream.linear.gather [hbm4b:s13+s10], $0x180, $0x38;
	[tilespmem:$0x1EE80] =	vst v63  }
0x74: {  	_ =	swait.ge [sflag:s20], $0x180  }
.Ltmp3:
0x75: {  	[sflag:s20] =	ssyncset.done $0x0;
	(pc) =	sbr.rel .LBB2_4-.Ltmp3, $4  }
0x76: {  	s17 =	simm.s32 $0x14A80;
	[sflag:s20] =	ssyncadd.s32 $0xFFFFFE80  }
0x77: {  	[tilespmem:s17], [sflag:$0x1] =	stream.indirect.gather [hbm4b:s6+s22], $0x80, s14, s22, $0xb8;
	[tilespmem:$0x1EE80] =	vst v63  }
0x78: {  	s18 =	simm.s32 $0x14700;
	s21 =	simm.s32 $0x18A80;
	s13 =	simm.s32 $0x0  }
0x79: {  	[tilespmem:s21], [sflag:$0x3] =	stream.indirect.gather [spmem:s4], $0x80, s18, s22, $0xb8;
	[tilespmem:$0x1EE80] =	vst v63  }
.LBB2_17:
0x7a: {  	v9 =	vld [tilespmem:s16+$0x1AAF0];
	[tilespmem:s14+$0x1CA90] =	vst v7  }
0x7b: {  	v4 =	vmul.f32 v4, v3;
	v7 =	vld [tilespmem:s16+$0x16AC0];
	[tilespmem:s14+$0x1CAD0] =	vst v8  }
0x7c: {  	v3 =	vmul.f32 v5, v3;
	v8 =	vld [tilespmem:s16+$0x1AA80]  }
0x7d: {  	v1 =	vmul.f32 v6, v1;
	v10 =	vld [tilespmem:s16+$0x1AAC0];
	[tilespmem:s14+$0x1CAA0] =	vst v4  }
0x7e: {  	v4 =	vld [tilespmem:s16+$0x16AD0];
	[tilespmem:s14+$0x1CAE0] =	vst v3  }
0x7f: {  	v3 =	vld [tilespmem:s16+$0x1AA90];
	[tilespmem:s14+$0x1CAB0] =	vst v1  }
0x80: {  	v1 =	vmul.f32 v9, v2;
	v60 =	vld [tilespmem:s16+$0x1AAD0]  }
0x81: {  	v61 =	vld [tilespmem:s16+$0x16AE0]  }
0x82: {  	[tilespmem:s16+$0x1CAF0] =	vst v1;
	v1 =	vld [tilespmem:s16+$0x1AAA0]  }
0x83: {  	v62 =	vld [tilespmem:s16+$0x1AAE0];
	v8 =	vmul.f32 v8, v7  }
0x84: {  	v63 =	vld [tilespmem:s16+$0x1AAB0];
	v7 =	vmul.f32 v10, v7  }
0x85: {  	[tilespmem:s16+$0x1CA80] =	vst v8;
	v3 =	vmul.f32 v3, v4  }
0x86: {  	[tilespmem:s16+$0x1CAC0] =	vst v7;
	v4 =	vmul.f32 v60, v4  }
0x87: {  	[tilespmem:s16+$0x1CA90] =	vst v3;
	v1 =	vmul.f32 v1, v61  }
0x88: {  	v3 =	vmul.f32 v62, v61;
	[tilespmem:s16+$0x1CAD0] =	vst v4  }
0x89: {  	[tilespmem:s16+$0x1CAA0] =	vst v1;
	v1 =	vmul.f32 v63, v2  }
0x8a: {  	[tilespmem:s16+$0x1CAE0] =	vst v3  }
0x8b: {  	[tilespmem:s16+$0x1CAB0] =	vst v1  }
.LBB2_18:
0x8c: {  	s13 =	sadd.s32 $0x1, s13  }
0x8d: {  	p2 =	sne.s32 s13, $0x4F  }
.Ltmp4:
0x8e: {  	_ = 	snop;
	(pc) =	sbr.rel @!p2 .LBB2_19-.Ltmp4, $4  }
0x8f: {  	[spmem:s1] =	stream.indirect.scatter.add.f32 [tilespmem:s3], [sflag:$0x5], $0x80, s25, s22, $0xb8;
	[tilespmem:$0x1EE80] =	vst v63  }
0x90: {  	_ =	swait.ge [sflag:s20], $0x2000  }
0x91: {  	[sflag:s20] =	ssyncset.done $0x0  }
0x92: {  	[sflag:s20] =	ssyncadd.s32 $0xFFFFE000  }
.LBB2_4:
0x93: {  	_ =	swait.ge [sflag:s26], $0x2000  }
0x94: {  	[sflag:s26] =	ssyncset.done $0x0  }
0x95: {  	s14 =	sshll.u32 s13, $0x1;
	[sflag:s26] =	ssyncadd.s32 $0xFFFFE000  }
0x96: {  	s16 =	sadd.s32 s7, s14;
	_ =	swait.ge [sflag:s28], $0x2000  }
0x97: {  	s16 =	sshll.u32 s16, $0x6;
	[sflag:s28] =	ssyncset.done $0x0  }
0x98: {  	s16 =	sadd.s32 s16, s11;
	[sflag:s28] =	ssyncadd.s32 $0xFFFFE000  }
0x99: {  	[tilespmem:s29], [sflag:$0x5] =	stream.linear.gather [hbm4b:s16+s10], $0x180, $0x38;
	[tilespmem:$0x1EE80] =	vst v63  }
0x9a: {  	_ =	swait.ge [sflag:s20], $0x180  }
.Ltmp5:
0x9b: {  	[sflag:s20] =	ssyncset.done $0x0;
	(pc) =	sbr.rel @p1 .LBB2_8-.Ltmp5, $4  }
0x9c: {  	[sflag:s20] =	ssyncadd.s32 $0xFFFFFE80  }
0x9d: {  	[tilespmem:s30], [sflag:$0x2] =	stream.indirect.gather [hbm4b:s6+s22], $0x80, s29, s22, $0xb8;
	[tilespmem:$0x1EE80] =	vst v63  }
0x9e: {  	s16 =	simm.s32 $0x0  }
0x9f: {  	[tilespmem:s2], [sflag:$0x4] =	stream.indirect.gather [spmem:s4], $0x80, s31, s22, $0xb8;
	[tilespmem:$0x1EE80] =	vst v63  }
0xa0: {  	v1 =	vld [tilespmem:s16+$0x14AB0]  }
0xa1: {  	v2 =	vld [tilespmem:s16+$0x18AF0]  }
0xa2: {  	v5 =	vld [tilespmem:s16+$0x14A80]  }
0xa3: {  	v4 =	vld [tilespmem:s16+$0x18A80]  }
0xa4: {  	v6 =	vld [tilespmem:s16+$0x18AC0]  }
0xa5: {  	v8 =	vld [tilespmem:s16+$0x14A90]  }
0xa6: {  	v7 =	vld [tilespmem:s16+$0x18A90]  }
0xa7: {  	v9 =	vld [tilespmem:s16+$0x18AD0];
	v2 =	vmul.f32 v2, v1  }
0xa8: {  	v3 =	vld [tilespmem:s16+$0x14AA0];
	v10 =	vmul.f32 v4, v5  }
0xa9: {  	v4 =	vld [tilespmem:s16+$0x18AA0];
	[tilespmem:s16+$0x1CAF0] =	vst v2;
	v2 =	vmul.f32 v6, v5  }
0xaa: {  	[tilespmem:s16+$0x1CA80] =	vst v10;
	v5 =	vld [tilespmem:s16+$0x18AE0]  }
0xab: {  	s17 =	simm.s32 $0x80;
	v7 =	vmul.f32 v7, v8;
	v6 =	vld [tilespmem:s16+$0x18AB0];
	[tilespmem:s16+$0x1CAC0] =	vst v2  }
0xac: {  	s18 =	simm.s32 $0x400;
	v8 =	vmul.f32 v9, v8;
	v2 =	vld [tilespmem:s17+$0x14AB0]  }
.LBB2_6:
0xad: {  	p2 =	seq.s32 s18, $0x7E00;
	v9 =	vld [tilespmem:s17+$0x18AF0];
	[tilespmem:s16+$0x1CA90] =	vst v7  }
0xae: {  	v7 =	vld [tilespmem:s17+$0x14A80];
	[tilespmem:s16+$0x1CAD0] =	vst v8;
	v4 =	vmul.f32 v4, v3  }
0xaf: {  	v8 =	vld [tilespmem:s17+$0x18A80];
	v3 =	vmul.f32 v5, v3  }
0xb0: {  	v5 =	vld [tilespmem:s17+$0x18AC0];
	[tilespmem:s16+$0x1CAA0] =	vst v4;
	v4 =	vmul.f32 v6, v1  }
0xb1: {  	v10 =	vld [tilespmem:s17+$0x14A90];
	[tilespmem:s16+$0x1CAE0] =	vst v3;
	v1 =	vmov v2  }
0xb2: {  	v2 =	vld [tilespmem:s17+$0x18A90];
	v6 =	vmul.f32 v9, v1;
	[tilespmem:s16+$0x1CAB0] =	vst v4;
	s16 =	smov.u32 s17  }
0xb3: {  	v9 =	vld [tilespmem:s16+$0x18AD0]  }
.Ltmp6:
0xb4: {  	v8 =	vmul.f32 v8, v7;
	v3 =	vld [tilespmem:s16+$0x14AA0];
	[tilespmem:s16+$0x1CAF0] =	vst v6;
	(pc) =	sbr.rel @!p2 .LBB2_6-.Ltmp6, $4  }
0xb5: {  	v6 =	vmul.f32 v5, v7;
	v4 =	vld [tilespmem:s16+$0x18AA0]  }
0xb6: {  	[tilespmem:s16+$0x1CA80] =	vst v8;
	v5 =	vld [tilespmem:s16+$0x18AE0]  }
0xb7: {  	s17 =	sshra.s32 s18, $0x2;
	[tilespmem:s16+$0x1CAC0] =	vst v6;
	v7 =	vmul.f32 v2, v10;
	v6 =	vld [tilespmem:s16+$0x18AB0]  }
0xb8: {  	s18 =	sadd.s32 $0x200, s18;
	v2 =	vld [tilespmem:s17+$0x14AB0];
	v8 =	vmul.f32 v9, v10  }
0xb9: {  	v9 =	vld [tilespmem:s17+$0x18AF0];
	[tilespmem:s16+$0x1CA90] =	vst v7  }
0xba: {  	v7 =	vld [tilespmem:s17+$0x14A80];
	[tilespmem:s16+$0x1CAD0] =	vst v8;
	v4 =	vmul.f32 v4, v3  }
0xbb: {  	v8 =	vld [tilespmem:s17+$0x18A80];
	v3 =	vmul.f32 v5, v3  }
0xbc: {  	v10 =	vld [tilespmem:s17+$0x18AC0];
	[tilespmem:s16+$0x1CAA0] =	vst v4;
	v1 =	vmul.f32 v6, v1  }
0xbd: {  	v4 =	vld [tilespmem:s17+$0x14A90];
	[tilespmem:s16+$0x1CAE0] =	vst v3  }
0xbe: {  	v3 =	vld [tilespmem:s17+$0x18A90];
	[tilespmem:s16+$0x1CAB0] =	vst v1  }
0xbf: {  	v1 =	vmul.f32 v9, v2;
	v60 =	vld [tilespmem:s17+$0x18AD0]  }
0xc0: {  	v61 =	vld [tilespmem:s17+$0x14AA0]  }
0xc1: {  	[tilespmem:s17+$0x1CAF0] =	vst v1;
	v1 =	vld [tilespmem:s17+$0x18AA0]  }
0xc2: {  	v62 =	vld [tilespmem:s17+$0x18AE0];
	v8 =	vmul.f32 v8, v7  }
0xc3: {  	v63 =	vld [tilespmem:s17+$0x18AB0];
	v7 =	vmul.f32 v10, v7  }
0xc4: {  	[tilespmem:s17+$0x1CA80] =	vst v8;
	v3 =	vmul.f32 v3, v4  }
0xc5: {  	[tilespmem:s17+$0x1CAC0] =	vst v7;
	v4 =	vmul.f32 v60, v4  }
.Ltmp7:
0xc6: {  	[tilespmem:s17+$0x1CA90] =	vst v3;
	v1 =	vmul.f32 v1, v61;
	(pc) =	sbr.rel .LBB2_11-.Ltmp7, $4  }
0xc7: {  	v3 =	vmul.f32 v62, v61;
	[tilespmem:s17+$0x1CAD0] =	vst v4  }
0xc8: {  	[tilespmem:s17+$0x1CAA0] =	vst v1;
	v1 =	vmul.f32 v63, v2  }
0xc9: {  	[tilespmem:s17+$0x1CAE0] =	vst v3  }
0xca: {  	[tilespmem:s17+$0x1CAB0] =	vst v1  }
.LBB2_8:
0xcb: {  	v1 =	vld [tilespmem:s16+$0x14AF0]  }
0xcc: {  	v2 =	vld [tilespmem:s16+$0x18AF0]  }
0xcd: {  	v5 =	vld [tilespmem:s16+$0x14AC0]  }
0xce: {  	v4 =	vld [tilespmem:s16+$0x18A80]  }
0xcf: {  	v6 =	vld [tilespmem:s16+$0x18AC0]  }
0xd0: {  	v8 =	vld [tilespmem:s16+$0x14AD0]  }
0xd1: {  	v7 =	vld [tilespmem:s16+$0x18A90]  }
0xd2: {  	v9 =	vld [tilespmem:s16+$0x18AD0];
	v2 =	vmul.f32 v2, v1  }
0xd3: {  	v3 =	vld [tilespmem:s16+$0x14AE0];
	v10 =	vmul.f32 v4, v5  }
0xd4: {  	v4 =	vld [tilespmem:s16+$0x18AA0];
	[tilespmem:s16+$0x1CAF0] =	vst v2;
	v2 =	vmul.f32 v6, v5  }
0xd5: {  	[tilespmem:s16+$0x1CA80] =	vst v10;
	v5 =	vld [tilespmem:s16+$0x18AE0]  }
0xd6: {  	s17 =	simm.s32 $0x80;
	v7 =	vmul.f32 v7, v8;
	v6 =	vld [tilespmem:s16+$0x18AB0];
	[tilespmem:s16+$0x1CAC0] =	vst v2  }
0xd7: {  	s18 =	simm.s32 $0x400;
	v8 =	vmul.f32 v9, v8;
	v2 =	vld [tilespmem:s17+$0x14AF0]  }
.LBB2_9:
0xd8: {  	p2 =	sne.s32 s18, $0x7E00;
	v9 =	vld [tilespmem:s17+$0x18AF0];
	[tilespmem:s16+$0x1CA90] =	vst v7  }
0xd9: {  	v7 =	vld [tilespmem:s17+$0x14AC0];
	[tilespmem:s16+$0x1CAD0] =	vst v8;
	v4 =	vmul.f32 v4, v3  }
0xda: {  	v8 =	vld [tilespmem:s17+$0x18A80];
	v3 =	vmul.f32 v5, v3  }
0xdb: {  	v5 =	vld [tilespmem:s17+$0x18AC0];
	[tilespmem:s16+$0x1CAA0] =	vst v4;
	v4 =	vmul.f32 v6, v1  }
0xdc: {  	v10 =	vld [tilespmem:s17+$0x14AD0];
	[tilespmem:s16+$0x1CAE0] =	vst v3;
	v1 =	vmov v2  }
0xdd: {  	v2 =	vld [tilespmem:s17+$0x18A90];
	v6 =	vmul.f32 v9, v1;
	[tilespmem:s16+$0x1CAB0] =	vst v4;
	s16 =	smov.u32 s17  }
0xde: {  	v9 =	vld [tilespmem:s16+$0x18AD0]  }
.Ltmp8:
0xdf: {  	v8 =	vmul.f32 v8, v7;
	v3 =	vld [tilespmem:s16+$0x14AE0];
	[tilespmem:s16+$0x1CAF0] =	vst v6;
	(pc) =	sbr.rel @p2 .LBB2_9-.Ltmp8, $4  }
0xe0: {  	v6 =	vmul.f32 v5, v7;
	v4 =	vld [tilespmem:s16+$0x18AA0]  }
0xe1: {  	[tilespmem:s16+$0x1CA80] =	vst v8;
	v5 =	vld [tilespmem:s16+$0x18AE0]  }
0xe2: {  	s17 =	sshra.s32 s18, $0x2;
	[tilespmem:s16+$0x1CAC0] =	vst v6;
	v7 =	vmul.f32 v2, v10;
	v6 =	vld [tilespmem:s16+$0x18AB0]  }
0xe3: {  	s18 =	sadd.s32 $0x200, s18;
	v2 =	vld [tilespmem:s17+$0x14AF0];
	v8 =	vmul.f32 v9, v10  }
0xe4: {  	v9 =	vld [tilespmem:s17+$0x18AF0];
	[tilespmem:s16+$0x1CA90] =	vst v7  }
0xe5: {  	v7 =	vld [tilespmem:s17+$0x14AC0];
	[tilespmem:s16+$0x1CAD0] =	vst v8;
	v4 =	vmul.f32 v4, v3  }
0xe6: {  	v8 =	vld [tilespmem:s17+$0x18A80];
	v3 =	vmul.f32 v5, v3  }
0xe7: {  	v10 =	vld [tilespmem:s17+$0x18AC0];
	[tilespmem:s16+$0x1CAA0] =	vst v4;
	v1 =	vmul.f32 v6, v1  }
0xe8: {  	v4 =	vld [tilespmem:s17+$0x14AD0];
	[tilespmem:s16+$0x1CAE0] =	vst v3  }
0xe9: {  	v3 =	vld [tilespmem:s17+$0x18A90];
	[tilespmem:s16+$0x1CAB0] =	vst v1  }
0xea: {  	v1 =	vmul.f32 v9, v2;
	v60 =	vld [tilespmem:s17+$0x18AD0]  }
0xeb: {  	v61 =	vld [tilespmem:s17+$0x14AE0]  }
0xec: {  	[tilespmem:s17+$0x1CAF0] =	vst v1;
	v1 =	vld [tilespmem:s17+$0x18AA0]  }
0xed: {  	v62 =	vld [tilespmem:s17+$0x18AE0];
	v8 =	vmul.f32 v8, v7  }
0xee: {  	v63 =	vld [tilespmem:s17+$0x18AB0];
	v7 =	vmul.f32 v10, v7  }
0xef: {  	[tilespmem:s17+$0x1CA80] =	vst v8;
	v3 =	vmul.f32 v3, v4  }
0xf0: {  	[tilespmem:s17+$0x1CAC0] =	vst v7;
	v4 =	vmul.f32 v60, v4  }
0xf1: {  	[tilespmem:s17+$0x1CA90] =	vst v3;
	v1 =	vmul.f32 v1, v61  }
0xf2: {  	v3 =	vmul.f32 v62, v61;
	[tilespmem:s17+$0x1CAD0] =	vst v4  }
0xf3: {  	[tilespmem:s17+$0x1CAA0] =	vst v1;
	v1 =	vmul.f32 v63, v2  }
0xf4: {  	[tilespmem:s17+$0x1CAE0] =	vst v3  }
0xf5: {  	[tilespmem:s17+$0x1CAB0] =	vst v1  }
.LBB2_11:
0xf6: {  	[spmem:s1] =	stream.indirect.scatter.add.f32 [tilespmem:s3], [sflag:$0x5], $0x80, s0, s22, $0xb8;
	[tilespmem:$0x1EE80] =	vst v63  }
0xf7: {  	_ =	swait.ge [sflag:s20], $0x2000  }
0xf8: {  	[sflag:s20] =	ssyncset.done $0x0  }
0xf9: {  	[sflag:s20] =	ssyncadd.s32 $0xFFFFE000  }
0xfa: {  	_ =	swait.ge [sflag:s23], $0x2000  }
0xfb: {  	[sflag:s23] =	ssyncset.done $0x0  }
0xfc: {  	p2 =	seq.s32 s13, $0x4E;
	[sflag:s23] =	ssyncadd.s32 $0xFFFFE000  }
0xfd: {  	s14 =	sadd.s32 @!p2 s14, s12;
	_ =	swait.ge [sflag:s24], $0x2000  }
0xfe: {  	s16 =	simm.s32 @!p2 $0x0;
	s14 =	sshll.u32 @!p2 s14, $0x6;
	[sflag:s24] =	ssyncset.done $0x0  }
0xff: {  	s17 =	simm.s32 @!p2 $0x14680;
	s14 =	sadd.s32 @!p2 s14, s11;
	[sflag:s24] =	ssyncadd.s32 $0xFFFFE000  }
0x100: {  	[tilespmem:s17], [sflag:$0x5] =	stream.linear.gather @!p2 [hbm4b:s14+s16], $0x180, $0x38;
	[tilespmem:$0x1EE80] =	vst v63  }
0x101: {  	s14 =	simm.s32 @!p2 $0x5  }
0x102: {  	_ =	swait.ge @!p2 [sflag:s14], $0x180  }
0x103: {  	s16 =	simm.s32 @!p2 $0x14A80;
	[sflag:s14] =	ssyncset.done @!p2 $0x0  }
.Ltmp9:
0x104: {  	[sflag:s14] =	ssyncadd.s32 @!p2 $0xFFFFFE80;
	s14 =	simm.s32 @!p2 $0x40;
	(pc) =	sbr.rel @p1 .LBB2_15-.Ltmp9, $4  }
0x105: {  	[tilespmem:s16], [sflag:$0x1] =	stream.indirect.gather @!p2 [hbm4b:s6+s14], $0x80, s17, s14, $0xb8;
	[tilespmem:$0x1EE80] =	vst v63  }
0x106: {  	s16 =	simm.s32 @!p2 $0x14700;
	s17 =	simm.s32 @!p2 $0x18A80  }
0x107: {  	[tilespmem:s17], [sflag:$0x3] =	stream.indirect.gather @!p2 [spmem:s4], $0x80, s16, s14, $0xb8;
	[tilespmem:$0x1EE80] =	vst v63  }
0x108: {  	s14 =	simm.s32 $0x0  }
0x109: {  	v1 =	vld [tilespmem:s14+$0x16AB0]  }
0x10a: {  	v2 =	vld [tilespmem:s14+$0x1AAF0]  }
0x10b: {  	v5 =	vld [tilespmem:s14+$0x16A80]  }
0x10c: {  	v4 =	vld [tilespmem:s14+$0x1AA80]  }
0x10d: {  	v6 =	vld [tilespmem:s14+$0x1AAC0]  }
0x10e: {  	v8 =	vld [tilespmem:s14+$0x16A90]  }
0x10f: {  	v7 =	vld [tilespmem:s14+$0x1AA90]  }
0x110: {  	v9 =	vld [tilespmem:s14+$0x1AAD0];
	v2 =	vmul.f32 v2, v1  }
0x111: {  	v3 =	vld [tilespmem:s14+$0x16AA0];
	v10 =	vmul.f32 v4, v5  }
0x112: {  	v4 =	vld [tilespmem:s14+$0x1AAA0];
	[tilespmem:s14+$0x1CAF0] =	vst v2;
	v2 =	vmul.f32 v6, v5  }
0x113: {  	[tilespmem:s14+$0x1CA80] =	vst v10;
	v5 =	vld [tilespmem:s14+$0x1AAE0]  }
0x114: {  	s16 =	simm.s32 $0x80;
	v7 =	vmul.f32 v7, v8;
	v6 =	vld [tilespmem:s14+$0x1AAB0];
	[tilespmem:s14+$0x1CAC0] =	vst v2  }
0x115: {  	s17 =	simm.s32 $0x400;
	v8 =	vmul.f32 v9, v8;
	v2 =	vld [tilespmem:s16+$0x16AB0]  }
.LBB2_13:
0x116: {  	p2 =	seq.s32 s17, $0x7E00;
	v9 =	vld [tilespmem:s16+$0x1AAF0];
	[tilespmem:s14+$0x1CA90] =	vst v7  }
0x117: {  	v7 =	vld [tilespmem:s16+$0x16A80];
	[tilespmem:s14+$0x1CAD0] =	vst v8;
	v4 =	vmul.f32 v4, v3  }
0x118: {  	v8 =	vld [tilespmem:s16+$0x1AA80];
	v3 =	vmul.f32 v5, v3  }
0x119: {  	v5 =	vld [tilespmem:s16+$0x1AAC0];
	[tilespmem:s14+$0x1CAA0] =	vst v4;
	v4 =	vmul.f32 v6, v1  }
0x11a: {  	v10 =	vld [tilespmem:s16+$0x16A90];
	[tilespmem:s14+$0x1CAE0] =	vst v3;
	v1 =	vmov v2  }
0x11b: {  	v2 =	vld [tilespmem:s16+$0x1AA90];
	v6 =	vmul.f32 v9, v1;
	[tilespmem:s14+$0x1CAB0] =	vst v4;
	s14 =	smov.u32 s16  }
0x11c: {  	v9 =	vld [tilespmem:s14+$0x1AAD0]  }
.Ltmp10:
0x11d: {  	v8 =	vmul.f32 v8, v7;
	v3 =	vld [tilespmem:s14+$0x16AA0];
	[tilespmem:s14+$0x1CAF0] =	vst v6;
	(pc) =	sbr.rel @!p2 .LBB2_13-.Ltmp10, $4  }
0x11e: {  	v6 =	vmul.f32 v5, v7;
	v4 =	vld [tilespmem:s14+$0x1AAA0]  }
0x11f: {  	[tilespmem:s14+$0x1CA80] =	vst v8;
	v5 =	vld [tilespmem:s14+$0x1AAE0]  }
0x120: {  	s16 =	sshra.s32 s17, $0x2;
	[tilespmem:s14+$0x1CAC0] =	vst v6;
	v7 =	vmul.f32 v2, v10;
	v6 =	vld [tilespmem:s14+$0x1AAB0]  }
0x121: {  	s17 =	sadd.s32 $0x200, s17;
	v2 =	vld [tilespmem:s16+$0x16AB0];
	v8 =	vmul.f32 v9, v10  }
0x122: {  	v9 =	vld [tilespmem:s16+$0x1AAF0];
	[tilespmem:s14+$0x1CA90] =	vst v7  }
0x123: {  	v7 =	vld [tilespmem:s16+$0x16A80];
	[tilespmem:s14+$0x1CAD0] =	vst v8;
	v4 =	vmul.f32 v4, v3  }
0x124: {  	v8 =	vld [tilespmem:s16+$0x1AA80];
	v3 =	vmul.f32 v5, v3  }
0x125: {  	v10 =	vld [tilespmem:s16+$0x1AAC0];
	[tilespmem:s14+$0x1CAA0] =	vst v4;
	v1 =	vmul.f32 v6, v1  }
0x126: {  	v4 =	vld [tilespmem:s16+$0x16A90];
	[tilespmem:s14+$0x1CAE0] =	vst v3  }
0x127: {  	v3 =	vld [tilespmem:s16+$0x1AA90];
	[tilespmem:s14+$0x1CAB0] =	vst v1  }
0x128: {  	v1 =	vmul.f32 v9, v2;
	v60 =	vld [tilespmem:s16+$0x1AAD0]  }
0x129: {  	v61 =	vld [tilespmem:s16+$0x16AA0]  }
0x12a: {  	[tilespmem:s16+$0x1CAF0] =	vst v1;
	v1 =	vld [tilespmem:s16+$0x1AAA0]  }
0x12b: {  	v62 =	vld [tilespmem:s16+$0x1AAE0];
	v8 =	vmul.f32 v8, v7  }
0x12c: {  	v63 =	vld [tilespmem:s16+$0x1AAB0];
	v7 =	vmul.f32 v10, v7  }
0x12d: {  	[tilespmem:s16+$0x1CA80] =	vst v8;
	v3 =	vmul.f32 v3, v4  }
0x12e: {  	[tilespmem:s16+$0x1CAC0] =	vst v7;
	v4 =	vmul.f32 v60, v4  }
.Ltmp11:
0x12f: {  	[tilespmem:s16+$0x1CA90] =	vst v3;
	v1 =	vmul.f32 v1, v61;
	(pc) =	sbr.rel .LBB2_18-.Ltmp11, $4  }
0x130: {  	v3 =	vmul.f32 v62, v61;
	[tilespmem:s16+$0x1CAD0] =	vst v4  }
0x131: {  	[tilespmem:s16+$0x1CAA0] =	vst v1;
	v1 =	vmul.f32 v63, v2  }
0x132: {  	[tilespmem:s16+$0x1CAE0] =	vst v3  }
0x133: {  	[tilespmem:s16+$0x1CAB0] =	vst v1  }
.LBB2_15:
0x134: {  	v1 =	vld [tilespmem:s14+$0x16AF0]  }
0x135: {  	v2 =	vld [tilespmem:s14+$0x1AAF0]  }
0x136: {  	v5 =	vld [tilespmem:s14+$0x16AC0]  }
0x137: {  	v4 =	vld [tilespmem:s14+$0x1AA80]  }
0x138: {  	v6 =	vld [tilespmem:s14+$0x1AAC0]  }
0x139: {  	v8 =	vld [tilespmem:s14+$0x16AD0]  }
0x13a: {  	v7 =	vld [tilespmem:s14+$0x1AA90]  }
0x13b: {  	v9 =	vld [tilespmem:s14+$0x1AAD0];
	v2 =	vmul.f32 v2, v1  }
0x13c: {  	v3 =	vld [tilespmem:s14+$0x16AE0];
	v10 =	vmul.f32 v4, v5  }
0x13d: {  	v4 =	vld [tilespmem:s14+$0x1AAA0];
	[tilespmem:s14+$0x1CAF0] =	vst v2;
	v2 =	vmul.f32 v6, v5  }
0x13e: {  	[tilespmem:s14+$0x1CA80] =	vst v10;
	v5 =	vld [tilespmem:s14+$0x1AAE0]  }
0x13f: {  	s16 =	simm.s32 $0x80;
	v7 =	vmul.f32 v7, v8;
	v6 =	vld [tilespmem:s14+$0x1AAB0];
	[tilespmem:s14+$0x1CAC0] =	vst v2  }
0x140: {  	s17 =	simm.s32 $0x400;
	v8 =	vmul.f32 v9, v8;
	v2 =	vld [tilespmem:s16+$0x16AF0]  }
.LBB2_16:
0x141: {  	p2 =	sne.s32 s17, $0x7E00;
	v9 =	vld [tilespmem:s16+$0x1AAF0];
	[tilespmem:s14+$0x1CA90] =	vst v7  }
0x142: {  	v4 =	vmul.f32 v4, v3;
	v7 =	vld [tilespmem:s16+$0x16AC0];
	[tilespmem:s14+$0x1CAD0] =	vst v8  }
0x143: {  	v3 =	vmul.f32 v5, v3;
	v8 =	vld [tilespmem:s16+$0x1AA80]  }
0x144: {  	v5 =	vld [tilespmem:s16+$0x1AAC0];
	[tilespmem:s14+$0x1CAA0] =	vst v4;
	v4 =	vmul.f32 v6, v1  }
0x145: {  	v1 =	vmov v2;
	v10 =	vld [tilespmem:s16+$0x16AD0];
	[tilespmem:s14+$0x1CAE0] =	vst v3  }
0x146: {  	v2 =	vld [tilespmem:s16+$0x1AA90];
	v6 =	vmul.f32 v9, v1;
	[tilespmem:s14+$0x1CAB0] =	vst v4;
	s14 =	smov.u32 s16  }
0x147: {  	v9 =	vld [tilespmem:s14+$0x1AAD0]  }
.Ltmp12:
0x148: {  	v8 =	vmul.f32 v8, v7;
	v3 =	vld [tilespmem:s14+$0x16AE0];
	[tilespmem:s14+$0x1CAF0] =	vst v6;
	(pc) =	sbr.rel @p2 .LBB2_16-.Ltmp12, $4  }
0x149: {  	v6 =	vmul.f32 v5, v7;
	v4 =	vld [tilespmem:s14+$0x1AAA0]  }
0x14a: {  	[tilespmem:s14+$0x1CA80] =	vst v8;
	v5 =	vld [tilespmem:s14+$0x1AAE0]  }
0x14b: {  	s16 =	sshra.s32 s17, $0x2;
	[tilespmem:s14+$0x1CAC0] =	vst v6;
	v7 =	vmul.f32 v2, v10;
	v6 =	vld [tilespmem:s14+$0x1AAB0]  }
0x14c: {  	s17 =	sadd.s32 $0x200, s17;
	v2 =	vld [tilespmem:s16+$0x16AF0];
	v8 =	vmul.f32 v9, v10  }
.Ltmp13:
0x14d: {  	_ = 	snop;
	(pc) =	sbr.rel .LBB2_17-.Ltmp13, $1  }
0x14e: {  	_ =	sdelay $0x3  }
.LBB2_19:
0x14f: {  	s10 =	stileid.u32  }
0x150: {  	[bflag:$0x0] =	sbarrier.arrive $0xFFFF;
	s10 =	sshll.u32 s10, $0x6  }
0x151: {  	s18 =	rddreg [dreg:$0x6];
	s14 =	sor.u32 $0x1C05, s10  }
0x152: {  	s13 =	sshrl.u32 s8, $0x3;
	[dreg:$0xb] =	wrdreg s14  }
0x153: {  	[hbm:s18], [sflag:s14] =	dma.local [spmem:s13], $0x2800  }
0x154: {  	_ =	swait.ge [sflag:s20], $0x2800  }
0x155: {  	[sflag:s20] =	ssyncset.done $0x0  }
0x156: {  	s21 =	sadd.s32 $0x0, s8;
	[sflag:s20] =	ssyncadd.s32 $0xFFFFD800  }
0x157: {  	[spmem:s21] =	stream.linear.scatter [tilespmem:s19], [sflag:$0x5], $0x400, $0x38;
	[tilespmem:$0x1EE80] =	vst v63  }
0x158: {  	s10 =	simm.s32 $0x1000;
	_ =	swait.ge [sflag:s20], $0x400  }
.LBB2_20:
0x159: {  	s14 =	sshra.s32 s10, $0x2;
	[sflag:s20] =	ssyncset.done $0x0;
	p2 =	sne.s32 s10, $0x4F000  }
.Ltmp14:
0x15a: {  	s14 =	sadd.s32 s14, s8;
	[sflag:s20] =	ssyncadd.s32 $0xFFFFFC00;
	(pc) =	sbr.rel @p2 .LBB2_20-.Ltmp14, $3  }
0x15b: {  	[spmem:s14] =	stream.linear.scatter [tilespmem:s19], [sflag:$0x5], $0x400, $0x38;
	[tilespmem:$0x1EE80] =	vst v63  }
0x15c: {  	s10 =	sadd.s32 $0x1000, s10;
	_ =	sdelay $0x1  }
0x15d: {  	_ =	swait.ge [sflag:s20], $0x400  }
0x15e: {  	[sflag:s20] =	ssyncset.done $0x0  }
0x15f: {  	[sflag:s20] =	ssyncadd.s32 $0xFFFFFC00  }
0x160: {  	[bflag:$0x0] =	sbarrier.arrive $0xFFFF  }
0x161: {  	s14 =	simm.s32 $0x0;
	s16 =	simm.s32 $0x14680;
	s10 =	rddreg [dreg:$0x7]  }
0x162: {  	[tilespmem:s16], [sflag:$0x5] =	stream.linear.gather [hbm4b:s10+s14], $0x180, $0x38;
	[tilespmem:$0x1EE80] =	vst v63  }
0x163: {  	_ =	swait.ge [sflag:s20], $0x180  }
.Ltmp15:
0x164: {  	[sflag:s20] =	ssyncset.done $0x0;
	(pc) =	sbr.rel .LBB2_22-.Ltmp15, $4  }
0x165: {  	s17 =	simm.s32 $0x14A80;
	[sflag:s20] =	ssyncadd.s32 $0xFFFFFE80  }
0x166: {  	[tilespmem:s17], [sflag:$0x1] =	stream.indirect.gather [hbm4b:s6+s22], $0x80, s16, s22, $0xb8;
	[tilespmem:$0x1EE80] =	vst v63  }
0x167: {  	s18 =	simm.s32 $0x14700;
	s21 =	simm.s32 $0x18A80;
	s16 =	simm.s32 $0x0  }
0x168: {  	[tilespmem:s21], [sflag:$0x3] =	stream.indirect.gather [spmem:s4], $0x80, s18, s22, $0xb8;
	[tilespmem:$0x1EE80] =	vst v63  }
.LBB2_35:
0x169: {  	v9 =	vld [tilespmem:s18+$0x1AAF0];
	[tilespmem:s17+$0x1CA90] =	vst v7  }
0x16a: {  	v4 =	vmul.f32 v4, v3;
	v7 =	vld [tilespmem:s18+$0x16AC0];
	[tilespmem:s17+$0x1CAD0] =	vst v8  }
0x16b: {  	v3 =	vmul.f32 v5, v3;
	v8 =	vld [tilespmem:s18+$0x1AA80]  }
0x16c: {  	v1 =	vmul.f32 v6, v1;
	v10 =	vld [tilespmem:s18+$0x1AAC0];
	[tilespmem:s17+$0x1CAA0] =	vst v4  }
0x16d: {  	v4 =	vld [tilespmem:s18+$0x16AD0];
	[tilespmem:s17+$0x1CAE0] =	vst v3  }
0x16e: {  	v3 =	vld [tilespmem:s18+$0x1AA90];
	[tilespmem:s17+$0x1CAB0] =	vst v1  }
0x16f: {  	v1 =	vmul.f32 v9, v2;
	v60 =	vld [tilespmem:s18+$0x1AAD0]  }
0x170: {  	v61 =	vld [tilespmem:s18+$0x16AE0]  }
0x171: {  	[tilespmem:s18+$0x1CAF0] =	vst v1;
	v1 =	vld [tilespmem:s18+$0x1AAA0]  }
0x172: {  	v62 =	vld [tilespmem:s18+$0x1AAE0];
	v8 =	vmul.f32 v8, v7  }
0x173: {  	v63 =	vld [tilespmem:s18+$0x1AAB0];
	v7 =	vmul.f32 v10, v7  }
0x174: {  	[tilespmem:s18+$0x1CA80] =	vst v8;
	v3 =	vmul.f32 v3, v4  }
0x175: {  	[tilespmem:s18+$0x1CAC0] =	vst v7;
	v4 =	vmul.f32 v60, v4  }
0x176: {  	[tilespmem:s18+$0x1CA90] =	vst v3;
	v1 =	vmul.f32 v1, v61  }
0x177: {  	v3 =	vmul.f32 v62, v61;
	[tilespmem:s18+$0x1CAD0] =	vst v4  }
0x178: {  	[tilespmem:s18+$0x1CAA0] =	vst v1;
	v1 =	vmul.f32 v63, v2  }
0x179: {  	[tilespmem:s18+$0x1CAE0] =	vst v3  }
0x17a: {  	[tilespmem:s18+$0x1CAB0] =	vst v1  }
.LBB2_36:
0x17b: {  	s16 =	sadd.s32 $0x1, s16  }
0x17c: {  	p2 =	sne.s32 s16, $0x4F  }
.Ltmp16:
0x17d: {  	_ = 	snop;
	(pc) =	sbr.rel @!p2 .LBB2_37-.Ltmp16, $4  }
0x17e: {  	[spmem:s1] =	stream.indirect.scatter.add.f32 [tilespmem:s3], [sflag:$0x5], $0x80, s25, s22, $0xb8;
	[tilespmem:$0x1EE80] =	vst v63  }
0x17f: {  	_ =	swait.ge [sflag:s20], $0x2000  }
0x180: {  	[sflag:s20] =	ssyncset.done $0x0  }
0x181: {  	[sflag:s20] =	ssyncadd.s32 $0xFFFFE000  }
.LBB2_22:
0x182: {  	_ =	swait.ge [sflag:s26], $0x2000  }
0x183: {  	[sflag:s26] =	ssyncset.done $0x0  }
0x184: {  	s17 =	sshll.u32 s16, $0x1;
	[sflag:s26] =	ssyncadd.s32 $0xFFFFE000  }
0x185: {  	s10 =	sadd.s32 s9, s17;
	_ =	swait.ge [sflag:s28], $0x2000  }
0x186: {  	s10 =	sshll.u32 s10, $0x6;
	[sflag:s28] =	ssyncset.done $0x0  }
0x187: {  	s10 =	sadd.s32 s10, s11;
	[sflag:s28] =	ssyncadd.s32 $0xFFFFE000  }
0x188: {  	[tilespmem:s29], [sflag:$0x5] =	stream.linear.gather [hbm4b:s10+s14], $0x180, $0x38;
	[tilespmem:$0x1EE80] =	vst v63  }
0x189: {  	_ =	swait.ge [sflag:s20], $0x180  }
.Ltmp17:
0x18a: {  	[sflag:s20] =	ssyncset.done $0x0;
	(pc) =	sbr.rel @p1 .LBB2_26-.Ltmp17, $4  }
0x18b: {  	[sflag:s20] =	ssyncadd.s32 $0xFFFFFE80  }
0x18c: {  	[tilespmem:s30], [sflag:$0x2] =	stream.indirect.gather [hbm4b:s6+s22], $0x80, s29, s22, $0xb8;
	[tilespmem:$0x1EE80] =	vst v63  }
0x18d: {  	s18 =	simm.s32 $0x0  }
0x18e: {  	[tilespmem:s2], [sflag:$0x4] =	stream.indirect.gather [spmem:s4], $0x80, s31, s22, $0xb8;
	[tilespmem:$0x1EE80] =	vst v63  }
0x18f: {  	v1 =	vld [tilespmem:s18+$0x14AB0]  }
0x190: {  	v2 =	vld [tilespmem:s18+$0x18AF0]  }
0x191: {  	v5 =	vld [tilespmem:s18+$0x14A80]  }
0x192: {  	v4 =	vld [tilespmem:s18+$0x18A80]  }
0x193: {  	v6 =	vld [tilespmem:s18+$0x18AC0]  }
0x194: {  	v8 =	vld [tilespmem:s18+$0x14A90]  }
0x195: {  	v7 =	vld [tilespmem:s18+$0x18A90]  }
0x196: {  	v9 =	vld [tilespmem:s18+$0x18AD0];
	v2 =	vmul.f32 v2, v1  }
0x197: {  	v3 =	vld [tilespmem:s18+$0x14AA0];
	v10 =	vmul.f32 v4, v5  }
0x198: {  	v4 =	vld [tilespmem:s18+$0x18AA0];
	[tilespmem:s18+$0x1CAF0] =	vst v2;
	v2 =	vmul.f32 v6, v5  }
0x199: {  	[tilespmem:s18+$0x1CA80] =	vst v10;
	v5 =	vld [tilespmem:s18+$0x18AE0]  }
0x19a: {  	s21 =	simm.s32 $0x80;
	v7 =	vmul.f32 v7, v8;
	v6 =	vld [tilespmem:s18+$0x18AB0];
	[tilespmem:s18+$0x1CAC0] =	vst v2  }
0x19b: {  	s10 =	simm.s32 $0x400;
	v8 =	vmul.f32 v9, v8;
	v2 =	vld [tilespmem:s21+$0x14AB0]  }
.LBB2_24:
0x19c: {  	p2 =	seq.s32 s10, $0x7E00;
	v9 =	vld [tilespmem:s21+$0x18AF0];
	[tilespmem:s18+$0x1CA90] =	vst v7  }
0x19d: {  	v7 =	vld [tilespmem:s21+$0x14A80];
	[tilespmem:s18+$0x1CAD0] =	vst v8;
	v4 =	vmul.f32 v4, v3  }
0x19e: {  	v8 =	vld [tilespmem:s21+$0x18A80];
	v3 =	vmul.f32 v5, v3  }
0x19f: {  	v5 =	vld [tilespmem:s21+$0x18AC0];
	[tilespmem:s18+$0x1CAA0] =	vst v4;
	v4 =	vmul.f32 v6, v1  }
0x1a0: {  	v10 =	vld [tilespmem:s21+$0x14A90];
	[tilespmem:s18+$0x1CAE0] =	vst v3;
	v1 =	vmov v2  }
0x1a1: {  	v2 =	vld [tilespmem:s21+$0x18A90];
	v6 =	vmul.f32 v9, v1;
	[tilespmem:s18+$0x1CAB0] =	vst v4;
	s18 =	smov.u32 s21  }
0x1a2: {  	v9 =	vld [tilespmem:s18+$0x18AD0]  }
.Ltmp18:
0x1a3: {  	v8 =	vmul.f32 v8, v7;
	v3 =	vld [tilespmem:s18+$0x14AA0];
	[tilespmem:s18+$0x1CAF0] =	vst v6;
	(pc) =	sbr.rel @!p2 .LBB2_24-.Ltmp18, $4  }
0x1a4: {  	v6 =	vmul.f32 v5, v7;
	v4 =	vld [tilespmem:s18+$0x18AA0]  }
0x1a5: {  	[tilespmem:s18+$0x1CA80] =	vst v8;
	v5 =	vld [tilespmem:s18+$0x18AE0]  }
0x1a6: {  	s21 =	sshra.s32 s10, $0x2;
	[tilespmem:s18+$0x1CAC0] =	vst v6;
	v7 =	vmul.f32 v2, v10;
	v6 =	vld [tilespmem:s18+$0x18AB0]  }
0x1a7: {  	s10 =	sadd.s32 $0x200, s10;
	v2 =	vld [tilespmem:s21+$0x14AB0];
	v8 =	vmul.f32 v9, v10  }
0x1a8: {  	v9 =	vld [tilespmem:s21+$0x18AF0];
	[tilespmem:s18+$0x1CA90] =	vst v7  }
0x1a9: {  	v7 =	vld [tilespmem:s21+$0x14A80];
	[tilespmem:s18+$0x1CAD0] =	vst v8;
	v4 =	vmul.f32 v4, v3  }
0x1aa: {  	v8 =	vld [tilespmem:s21+$0x18A80];
	v3 =	vmul.f32 v5, v3  }
0x1ab: {  	v10 =	vld [tilespmem:s21+$0x18AC0];
	[tilespmem:s18+$0x1CAA0] =	vst v4;
	v1 =	vmul.f32 v6, v1  }
0x1ac: {  	v4 =	vld [tilespmem:s21+$0x14A90];
	[tilespmem:s18+$0x1CAE0] =	vst v3  }
0x1ad: {  	v3 =	vld [tilespmem:s21+$0x18A90];
	[tilespmem:s18+$0x1CAB0] =	vst v1  }
0x1ae: {  	v1 =	vmul.f32 v9, v2;
	v60 =	vld [tilespmem:s21+$0x18AD0]  }
0x1af: {  	v61 =	vld [tilespmem:s21+$0x14AA0]  }
0x1b0: {  	[tilespmem:s21+$0x1CAF0] =	vst v1;
	v1 =	vld [tilespmem:s21+$0x18AA0]  }
0x1b1: {  	v62 =	vld [tilespmem:s21+$0x18AE0];
	v8 =	vmul.f32 v8, v7  }
0x1b2: {  	v63 =	vld [tilespmem:s21+$0x18AB0];
	v7 =	vmul.f32 v10, v7  }
0x1b3: {  	[tilespmem:s21+$0x1CA80] =	vst v8;
	v3 =	vmul.f32 v3, v4  }
0x1b4: {  	[tilespmem:s21+$0x1CAC0] =	vst v7;
	v4 =	vmul.f32 v60, v4  }
.Ltmp19:
0x1b5: {  	[tilespmem:s21+$0x1CA90] =	vst v3;
	v1 =	vmul.f32 v1, v61;
	(pc) =	sbr.rel .LBB2_29-.Ltmp19, $4  }
0x1b6: {  	v3 =	vmul.f32 v62, v61;
	[tilespmem:s21+$0x1CAD0] =	vst v4  }
0x1b7: {  	[tilespmem:s21+$0x1CAA0] =	vst v1;
	v1 =	vmul.f32 v63, v2  }
0x1b8: {  	[tilespmem:s21+$0x1CAE0] =	vst v3  }
0x1b9: {  	[tilespmem:s21+$0x1CAB0] =	vst v1  }
.LBB2_26:
0x1ba: {  	v1 =	vld [tilespmem:s18+$0x14AF0]  }
0x1bb: {  	v2 =	vld [tilespmem:s18+$0x18AF0]  }
0x1bc: {  	v5 =	vld [tilespmem:s18+$0x14AC0]  }
0x1bd: {  	v4 =	vld [tilespmem:s18+$0x18A80]  }
0x1be: {  	v6 =	vld [tilespmem:s18+$0x18AC0]  }
0x1bf: {  	v8 =	vld [tilespmem:s18+$0x14AD0]  }
0x1c0: {  	v7 =	vld [tilespmem:s18+$0x18A90]  }
0x1c1: {  	v9 =	vld [tilespmem:s18+$0x18AD0];
	v2 =	vmul.f32 v2, v1  }
0x1c2: {  	v3 =	vld [tilespmem:s18+$0x14AE0];
	v10 =	vmul.f32 v4, v5  }
0x1c3: {  	v4 =	vld [tilespmem:s18+$0x18AA0];
	[tilespmem:s18+$0x1CAF0] =	vst v2;
	v2 =	vmul.f32 v6, v5  }
0x1c4: {  	[tilespmem:s18+$0x1CA80] =	vst v10;
	v5 =	vld [tilespmem:s18+$0x18AE0]  }
0x1c5: {  	s21 =	simm.s32 $0x80;
	v7 =	vmul.f32 v7, v8;
	v6 =	vld [tilespmem:s18+$0x18AB0];
	[tilespmem:s18+$0x1CAC0] =	vst v2  }
0x1c6: {  	s10 =	simm.s32 $0x400;
	v8 =	vmul.f32 v9, v8;
	v2 =	vld [tilespmem:s21+$0x14AF0]  }
.LBB2_27:
0x1c7: {  	p2 =	sne.s32 s10, $0x7E00;
	v9 =	vld [tilespmem:s21+$0x18AF0];
	[tilespmem:s18+$0x1CA90] =	vst v7  }
0x1c8: {  	v7 =	vld [tilespmem:s21+$0x14AC0];
	[tilespmem:s18+$0x1CAD0] =	vst v8;
	v4 =	vmul.f32 v4, v3  }
0x1c9: {  	v8 =	vld [tilespmem:s21+$0x18A80];
	v3 =	vmul.f32 v5, v3  }
0x1ca: {  	v5 =	vld [tilespmem:s21+$0x18AC0];
	[tilespmem:s18+$0x1CAA0] =	vst v4;
	v4 =	vmul.f32 v6, v1  }
0x1cb: {  	v10 =	vld [tilespmem:s21+$0x14AD0];
	[tilespmem:s18+$0x1CAE0] =	vst v3;
	v1 =	vmov v2  }
0x1cc: {  	v2 =	vld [tilespmem:s21+$0x18A90];
	v6 =	vmul.f32 v9, v1;
	[tilespmem:s18+$0x1CAB0] =	vst v4;
	s18 =	smov.u32 s21  }
0x1cd: {  	v9 =	vld [tilespmem:s18+$0x18AD0]  }
.Ltmp20:
0x1ce: {  	v8 =	vmul.f32 v8, v7;
	v3 =	vld [tilespmem:s18+$0x14AE0];
	[tilespmem:s18+$0x1CAF0] =	vst v6;
	(pc) =	sbr.rel @p2 .LBB2_27-.Ltmp20, $4  }
0x1cf: {  	v6 =	vmul.f32 v5, v7;
	v4 =	vld [tilespmem:s18+$0x18AA0]  }
0x1d0: {  	[tilespmem:s18+$0x1CA80] =	vst v8;
	v5 =	vld [tilespmem:s18+$0x18AE0]  }
0x1d1: {  	s21 =	sshra.s32 s10, $0x2;
	[tilespmem:s18+$0x1CAC0] =	vst v6;
	v7 =	vmul.f32 v2, v10;
	v6 =	vld [tilespmem:s18+$0x18AB0]  }
0x1d2: {  	s10 =	sadd.s32 $0x200, s10;
	v2 =	vld [tilespmem:s21+$0x14AF0];
	v8 =	vmul.f32 v9, v10  }
0x1d3: {  	v9 =	vld [tilespmem:s21+$0x18AF0];
	[tilespmem:s18+$0x1CA90] =	vst v7  }
0x1d4: {  	v7 =	vld [tilespmem:s21+$0x14AC0];
	[tilespmem:s18+$0x1CAD0] =	vst v8;
	v4 =	vmul.f32 v4, v3  }
0x1d5: {  	v8 =	vld [tilespmem:s21+$0x18A80];
	v3 =	vmul.f32 v5, v3  }
0x1d6: {  	v10 =	vld [tilespmem:s21+$0x18AC0];
	[tilespmem:s18+$0x1CAA0] =	vst v4;
	v1 =	vmul.f32 v6, v1  }
0x1d7: {  	v4 =	vld [tilespmem:s21+$0x14AD0];
	[tilespmem:s18+$0x1CAE0] =	vst v3  }
0x1d8: {  	v3 =	vld [tilespmem:s21+$0x18A90];
	[tilespmem:s18+$0x1CAB0] =	vst v1  }
0x1d9: {  	v1 =	vmul.f32 v9, v2;
	v60 =	vld [tilespmem:s21+$0x18AD0]  }
0x1da: {  	v61 =	vld [tilespmem:s21+$0x14AE0]  }
0x1db: {  	[tilespmem:s21+$0x1CAF0] =	vst v1;
	v1 =	vld [tilespmem:s21+$0x18AA0]  }
0x1dc: {  	v62 =	vld [tilespmem:s21+$0x18AE0];
	v8 =	vmul.f32 v8, v7  }
0x1dd: {  	v63 =	vld [tilespmem:s21+$0x18AB0];
	v7 =	vmul.f32 v10, v7  }
0x1de: {  	[tilespmem:s21+$0x1CA80] =	vst v8;
	v3 =	vmul.f32 v3, v4  }
0x1df: {  	[tilespmem:s21+$0x1CAC0] =	vst v7;
	v4 =	vmul.f32 v60, v4  }
0x1e0: {  	[tilespmem:s21+$0x1CA90] =	vst v3;
	v1 =	vmul.f32 v1, v61  }
0x1e1: {  	v3 =	vmul.f32 v62, v61;
	[tilespmem:s21+$0x1CAD0] =	vst v4  }
0x1e2: {  	[tilespmem:s21+$0x1CAA0] =	vst v1;
	v1 =	vmul.f32 v63, v2  }
0x1e3: {  	[tilespmem:s21+$0x1CAE0] =	vst v3  }
0x1e4: {  	[tilespmem:s21+$0x1CAB0] =	vst v1  }
.LBB2_29:
0x1e5: {  	[spmem:s1] =	stream.indirect.scatter.add.f32 [tilespmem:s3], [sflag:$0x5], $0x80, s0, s22, $0xb8;
	[tilespmem:$0x1EE80] =	vst v63  }
0x1e6: {  	_ =	swait.ge [sflag:s20], $0x2000  }
0x1e7: {  	[sflag:s20] =	ssyncset.done $0x0  }
0x1e8: {  	[sflag:s20] =	ssyncadd.s32 $0xFFFFE000  }
0x1e9: {  	_ =	swait.ge [sflag:s23], $0x2000  }
0x1ea: {  	[sflag:s23] =	ssyncset.done $0x0  }
0x1eb: {  	p2 =	seq.s32 s16, $0x4E;
	[sflag:s23] =	ssyncadd.s32 $0xFFFFE000  }
0x1ec: {  	s10 =	sadd.s32 @!p2 s17, s15;
	_ =	swait.ge [sflag:s24], $0x2000  }
0x1ed: {  	s17 =	simm.s32 @!p2 $0x0;
	s10 =	sshll.u32 @!p2 s10, $0x6;
	[sflag:s24] =	ssyncset.done $0x0  }
0x1ee: {  	s18 =	simm.s32 @!p2 $0x14680;
	s10 =	sadd.s32 @!p2 s10, s11;
	[sflag:s24] =	ssyncadd.s32 $0xFFFFE000  }
0x1ef: {  	[tilespmem:s18], [sflag:$0x5] =	stream.linear.gather @!p2 [hbm4b:s10+s17], $0x180, $0x38;
	[tilespmem:$0x1EE80] =	vst v63  }
0x1f0: {  	s10 =	simm.s32 @!p2 $0x5  }
0x1f1: {  	_ =	swait.ge @!p2 [sflag:s10], $0x180  }
0x1f2: {  	s17 =	simm.s32 @!p2 $0x14A80;
	[sflag:s10] =	ssyncset.done @!p2 $0x0  }
.Ltmp21:
0x1f3: {  	[sflag:s10] =	ssyncadd.s32 @!p2 $0xFFFFFE80;
	s10 =	simm.s32 @!p2 $0x40;
	(pc) =	sbr.rel @p1 .LBB2_33-.Ltmp21, $4  }
0x1f4: {  	[tilespmem:s17], [sflag:$0x1] =	stream.indirect.gather @!p2 [hbm4b:s6+s10], $0x80, s18, s10, $0xb8;
	[tilespmem:$0x1EE80] =	vst v63  }
0x1f5: {  	s17 =	simm.s32 @!p2 $0x14700;
	s18 =	simm.s32 @!p2 $0x18A80  }
0x1f6: {  	[tilespmem:s18], [sflag:$0x3] =	stream.indirect.gather @!p2 [spmem:s4], $0x80, s17, s10, $0xb8;
	[tilespmem:$0x1EE80] =	vst v63  }
0x1f7: {  	s17 =	simm.s32 $0x0  }
0x1f8: {  	v1 =	vld [tilespmem:s17+$0x16AB0]  }
0x1f9: {  	v2 =	vld [tilespmem:s17+$0x1AAF0]  }
0x1fa: {  	v5 =	vld [tilespmem:s17+$0x16A80]  }
0x1fb: {  	v4 =	vld [tilespmem:s17+$0x1AA80]  }
0x1fc: {  	v6 =	vld [tilespmem:s17+$0x1AAC0]  }
0x1fd: {  	v8 =	vld [tilespmem:s17+$0x16A90]  }
0x1fe: {  	v7 =	vld [tilespmem:s17+$0x1AA90]  }
0x1ff: {  	v9 =	vld [tilespmem:s17+$0x1AAD0];
	v2 =	vmul.f32 v2, v1  }
0x200: {  	v3 =	vld [tilespmem:s17+$0x16AA0];
	v10 =	vmul.f32 v4, v5  }
0x201: {  	v4 =	vld [tilespmem:s17+$0x1AAA0];
	[tilespmem:s17+$0x1CAF0] =	vst v2;
	v2 =	vmul.f32 v6, v5  }
0x202: {  	[tilespmem:s17+$0x1CA80] =	vst v10;
	v5 =	vld [tilespmem:s17+$0x1AAE0]  }
0x203: {  	s18 =	simm.s32 $0x80;
	v7 =	vmul.f32 v7, v8;
	v6 =	vld [tilespmem:s17+$0x1AAB0];
	[tilespmem:s17+$0x1CAC0] =	vst v2  }
0x204: {  	s10 =	simm.s32 $0x400;
	v8 =	vmul.f32 v9, v8;
	v2 =	vld [tilespmem:s18+$0x16AB0]  }
.LBB2_31:
0x205: {  	p2 =	seq.s32 s10, $0x7E00;
	v9 =	vld [tilespmem:s18+$0x1AAF0];
	[tilespmem:s17+$0x1CA90] =	vst v7  }
0x206: {  	v7 =	vld [tilespmem:s18+$0x16A80];
	[tilespmem:s17+$0x1CAD0] =	vst v8;
	v4 =	vmul.f32 v4, v3  }
0x207: {  	v8 =	vld [tilespmem:s18+$0x1AA80];
	v3 =	vmul.f32 v5, v3  }
0x208: {  	v5 =	vld [tilespmem:s18+$0x1AAC0];
	[tilespmem:s17+$0x1CAA0] =	vst v4;
	v4 =	vmul.f32 v6, v1  }
0x209: {  	v10 =	vld [tilespmem:s18+$0x16A90];
	[tilespmem:s17+$0x1CAE0] =	vst v3;
	v1 =	vmov v2  }
0x20a: {  	v2 =	vld [tilespmem:s18+$0x1AA90];
	v6 =	vmul.f32 v9, v1;
	[tilespmem:s17+$0x1CAB0] =	vst v4;
	s17 =	smov.u32 s18  }
0x20b: {  	v9 =	vld [tilespmem:s17+$0x1AAD0]  }
.Ltmp22:
0x20c: {  	v8 =	vmul.f32 v8, v7;
	v3 =	vld [tilespmem:s17+$0x16AA0];
	[tilespmem:s17+$0x1CAF0] =	vst v6;
	(pc) =	sbr.rel @!p2 .LBB2_31-.Ltmp22, $4  }
0x20d: {  	v6 =	vmul.f32 v5, v7;
	v4 =	vld [tilespmem:s17+$0x1AAA0]  }
0x20e: {  	[tilespmem:s17+$0x1CA80] =	vst v8;
	v5 =	vld [tilespmem:s17+$0x1AAE0]  }
0x20f: {  	s18 =	sshra.s32 s10, $0x2;
	[tilespmem:s17+$0x1CAC0] =	vst v6;
	v7 =	vmul.f32 v2, v10;
	v6 =	vld [tilespmem:s17+$0x1AAB0]  }
0x210: {  	s10 =	sadd.s32 $0x200, s10;
	v2 =	vld [tilespmem:s18+$0x16AB0];
	v8 =	vmul.f32 v9, v10  }
0x211: {  	v9 =	vld [tilespmem:s18+$0x1AAF0];
	[tilespmem:s17+$0x1CA90] =	vst v7  }
0x212: {  	v7 =	vld [tilespmem:s18+$0x16A80];
	[tilespmem:s17+$0x1CAD0] =	vst v8;
	v4 =	vmul.f32 v4, v3  }
0x213: {  	v8 =	vld [tilespmem:s18+$0x1AA80];
	v3 =	vmul.f32 v5, v3  }
0x214: {  	v10 =	vld [tilespmem:s18+$0x1AAC0];
	[tilespmem:s17+$0x1CAA0] =	vst v4;
	v1 =	vmul.f32 v6, v1  }
0x215: {  	v4 =	vld [tilespmem:s18+$0x16A90];
	[tilespmem:s17+$0x1CAE0] =	vst v3  }
0x216: {  	v3 =	vld [tilespmem:s18+$0x1AA90];
	[tilespmem:s17+$0x1CAB0] =	vst v1  }
0x217: {  	v1 =	vmul.f32 v9, v2;
	v60 =	vld [tilespmem:s18+$0x1AAD0]  }
0x218: {  	v61 =	vld [tilespmem:s18+$0x16AA0]  }
0x219: {  	[tilespmem:s18+$0x1CAF0] =	vst v1;
	v1 =	vld [tilespmem:s18+$0x1AAA0]  }
0x21a: {  	v62 =	vld [tilespmem:s18+$0x1AAE0];
	v8 =	vmul.f32 v8, v7  }
0x21b: {  	v63 =	vld [tilespmem:s18+$0x1AAB0];
	v7 =	vmul.f32 v10, v7  }
0x21c: {  	[tilespmem:s18+$0x1CA80] =	vst v8;
	v3 =	vmul.f32 v3, v4  }
0x21d: {  	[tilespmem:s18+$0x1CAC0] =	vst v7;
	v4 =	vmul.f32 v60, v4  }
.Ltmp23:
0x21e: {  	[tilespmem:s18+$0x1CA90] =	vst v3;
	v1 =	vmul.f32 v1, v61;
	(pc) =	sbr.rel .LBB2_36-.Ltmp23, $4  }
0x21f: {  	v3 =	vmul.f32 v62, v61;
	[tilespmem:s18+$0x1CAD0] =	vst v4  }
0x220: {  	[tilespmem:s18+$0x1CAA0] =	vst v1;
	v1 =	vmul.f32 v63, v2  }
0x221: {  	[tilespmem:s18+$0x1CAE0] =	vst v3  }
0x222: {  	[tilespmem:s18+$0x1CAB0] =	vst v1  }
.LBB2_33:
0x223: {  	v1 =	vld [tilespmem:s17+$0x16AF0]  }
0x224: {  	v2 =	vld [tilespmem:s17+$0x1AAF0]  }
0x225: {  	v5 =	vld [tilespmem:s17+$0x16AC0]  }
0x226: {  	v4 =	vld [tilespmem:s17+$0x1AA80]  }
0x227: {  	v6 =	vld [tilespmem:s17+$0x1AAC0]  }
0x228: {  	v8 =	vld [tilespmem:s17+$0x16AD0]  }
0x229: {  	v7 =	vld [tilespmem:s17+$0x1AA90]  }
0x22a: {  	v9 =	vld [tilespmem:s17+$0x1AAD0];
	v2 =	vmul.f32 v2, v1  }
0x22b: {  	v3 =	vld [tilespmem:s17+$0x16AE0];
	v10 =	vmul.f32 v4, v5  }
0x22c: {  	v4 =	vld [tilespmem:s17+$0x1AAA0];
	[tilespmem:s17+$0x1CAF0] =	vst v2;
	v2 =	vmul.f32 v6, v5  }
0x22d: {  	[tilespmem:s17+$0x1CA80] =	vst v10;
	v5 =	vld [tilespmem:s17+$0x1AAE0]  }
0x22e: {  	s18 =	simm.s32 $0x80;
	v7 =	vmul.f32 v7, v8;
	v6 =	vld [tilespmem:s17+$0x1AAB0];
	[tilespmem:s17+$0x1CAC0] =	vst v2  }
0x22f: {  	s10 =	simm.s32 $0x400;
	v8 =	vmul.f32 v9, v8;
	v2 =	vld [tilespmem:s18+$0x16AF0]  }
.LBB2_34:
0x230: {  	p2 =	sne.s32 s10, $0x7E00;
	v9 =	vld [tilespmem:s18+$0x1AAF0];
	[tilespmem:s17+$0x1CA90] =	vst v7  }
0x231: {  	v4 =	vmul.f32 v4, v3;
	v7 =	vld [tilespmem:s18+$0x16AC0];
	[tilespmem:s17+$0x1CAD0] =	vst v8  }
0x232: {  	v3 =	vmul.f32 v5, v3;
	v8 =	vld [tilespmem:s18+$0x1AA80]  }
0x233: {  	v5 =	vld [tilespmem:s18+$0x1AAC0];
	[tilespmem:s17+$0x1CAA0] =	vst v4;
	v4 =	vmul.f32 v6, v1  }
0x234: {  	v1 =	vmov v2;
	v10 =	vld [tilespmem:s18+$0x16AD0];
	[tilespmem:s17+$0x1CAE0] =	vst v3  }
0x235: {  	v2 =	vld [tilespmem:s18+$0x1AA90];
	v6 =	vmul.f32 v9, v1;
	[tilespmem:s17+$0x1CAB0] =	vst v4;
	s17 =	smov.u32 s18  }
0x236: {  	v9 =	vld [tilespmem:s17+$0x1AAD0]  }
.Ltmp24:
0x237: {  	v8 =	vmul.f32 v8, v7;
	v3 =	vld [tilespmem:s17+$0x16AE0];
	[tilespmem:s17+$0x1CAF0] =	vst v6;
	(pc) =	sbr.rel @p2 .LBB2_34-.Ltmp24, $4  }
0x238: {  	v6 =	vmul.f32 v5, v7;
	v4 =	vld [tilespmem:s17+$0x1AAA0]  }
0x239: {  	[tilespmem:s17+$0x1CA80] =	vst v8;
	v5 =	vld [tilespmem:s17+$0x1AAE0]  }
0x23a: {  	s18 =	sshra.s32 s10, $0x2;
	[tilespmem:s17+$0x1CAC0] =	vst v6;
	v7 =	vmul.f32 v2, v10;
	v6 =	vld [tilespmem:s17+$0x1AAB0]  }
0x23b: {  	s10 =	sadd.s32 $0x200, s10;
	v2 =	vld [tilespmem:s18+$0x16AF0];
	v8 =	vmul.f32 v9, v10  }
.Ltmp25:
0x23c: {  	_ = 	snop;
	(pc) =	sbr.rel .LBB2_35-.Ltmp25, $1  }
0x23d: {  	_ =	sdelay $0x3  }
.LBB2_38:
0x23e: {  	_ =	sfence.sel $0x180000  }
0x23f: {  	[bflag:$0x0] =	sbarrier.arrive $0xFFFF  }
0x240: {  	_ =	strace $0x9000004A  }
0x241: {  	[bflag:$0x2] =	sbarrier.arrive $0xFFFF  }
0x242: {  	s0 =	rddreg [dreg:$0x4]  }
0x243: {  	s0 =	sadd.s32 @!p0 $0x100000, s0  }
0x244: {  	[sflag:s0] =	ssyncadd.tile.s32 @!p0 $0x1;
	_ =	shalt  }
.Lfunc_end2:
_tile_overlayer_lowered:
.L_overlay_start_2:
0x245: {  	(tag) =	ssettag $0x2  }
0x246: {  	s0 =	rddreg [dreg:$0x0];
	s2 =	stileid.u32  }
0x247: {  	s1 =	rddreg [dreg:$0x1];
	p0 =	sne.s32 s2, $0x0  }
0x248: {  	s3 =	rddreg [dreg:$0x2];
	[bflag:$0x3] =	sbarrier.arrive $0xFFFF;
	s2 =	simm.s32 @!p0 $0x1C05  }
0x249: {  	[timem:s3], [sflag:s2] =	dma.local @!p0 [hbm:s0], s1  }
0x24a: {  	s0 =	simm.s32 @!p0 $0x5  }
0x24b: {  	_ =	swait.ge @!p0 [sflag:s0], s1  }
0x24c: {  	s1 =	ssub.s32 @!p0 $0x0, s1;
	[sflag:s0] =	ssyncset.done @!p0 $0x0  }
0x24d: {  	[sflag:s0] =	ssyncadd.s32 @!p0 s1  }
0x24e: {  	[bflag:$0x3] =	sbarrier.arrive $0xFFFF  }
0x24f: {  	_ =	shalt  }

// kernel: kernel.7.cloned.1.call-start
scs
__scs_entry_jumppad:
0x0: {  	(pc) =	sbr.rel $0x88, $3  }
0x1: {  	(tag) =	ssettag $0x0;
	lr =	simm.s32 $0x1  }
0x2: {  	[smem:$0x3F98] =	sst lr;
	_ =	strace $0xD0000000  }
0x3: {  	_ = 	snop  }
0x4: {  	_ = 	snop  }
0x5: {  	_ = 	snop  }
0x6: {  	_ = 	snop  }
0x7: {  	_ = 	snop  }
__scs_overlays_trampoline_lowered:
0x8: {  	[smem:$0x3FA7] =	sst s0  }
0x9: {  	[smem:$0x3FA8] =	sst s1  }
0xa: {  	[smem:$0x3FA9] =	sst s2  }
0xb: {  	[smem:$0x3FAA] =	sst s3  }
0xc: {  	[smem:$0x3FAB] =	sst s4  }
0xd: {  	[smem:$0x3FAC] =	sst s5  }
0xe: {  	[smem:$0x3FAD] =	sst s6  }
0xf: {  	[smem:$0x3FAE] =	sst s7  }
0x10: {  	[smem:$0x3FAF] =	sst s8  }
0x11: {  	[smem:$0x3FB0] =	sst s9;
	s0 =	simm.s32 @!p0 $0x0  }
0x12: {  	s1 =	sld [smem:$0x3F96];
	s0 =	simm.s32 @p0 $0x1  }
0x13: {  	[smem:$0x3FB1] =	sst s0;
	s0 =	simm.s32 @!p1 $0x0  }
0x14: {  	s2 =	sld [smem:$0x3F95];
	s0 =	simm.s32 @p1 $0x1  }
0x15: {  	[smem:$0x3FB2] =	sst s0;
	s0 =	simm.s32 @!p2 $0x0  }
0x16: {  	s3 =	sld [smem:$0x3FDB];
	s0 =	simm.s32 @p2 $0x1  }
0x17: {  	s4 =	simm.s32 $0x1BF5;
	[smem:$0x3FB4] =	sst s0  }
0x18: {  	s0 =	sld [smem:$0x3F97];
	_ =	swait.ge [sflag:s4], $0x0  }
0x19: {  	s7 =	sld [smem:$0x3F98]  }
0x1a: {  	s8 =	sadd.s32 $0xFFFFE003, lr  }
0x1b: {  	s9 =	sadd.s32 $0xFFFFFEF7, lr;
	s5 =	simm.s32 $0xFFFFFFFF;
	p2 =	slt.u32 s8, $0xFFFFF086  }
0x1c: {  	p1 =	slt.u32 s9, $0xF7A;
	s5 =	simm.s32 @!p2 $0x0  }
0x1d: {  	s5 =	simm.s32 @p1 $0x1;
	p0 =	seq.s32 s7, s2  }
0x1e: {  	s7 =	smul.u32 @!p0 $0xF7A, s2;
	p2 =	seq.s32 @!p0 s5, $0x0  }
0x1f: {  	s9 =	smul.u32 $0xF7A, s1;
	s8 =	simm.s32 @!p0 $0x1BF5;
	p2 =	por !p2, p0  }
0x20: {  	[sflag:s8] =	ssyncset.s32 @!p0 $0xFFFFF086;
	s6 =	sadd.s32 @!p0 s3, s7;
	s7 =	simm.s32 @!p0 $0x108  }
0x21: {  	s3 =	sadd.s32 s3, s9;
	s6 =	sadd.s32 @!p0 $0x88, s6;
	s7 =	simm.s32 @p2 $0x1082  }
0x22: {  	[simem:s7], [sflag:s8] =	dma.local @!p0 [hbm:s6], $0xF7A  }
0x23: {  	s9 =	sor.u32 $0xD0000000, s2;
	s6 =	simm.s32 $0x108;
	_ =	swait.ge @!p0 [sflag:s8], $0x0  }
0x24: {  	s3 =	sadd.s32 $0x88, s3;
	s6 =	simm.s32 @!p1 $0x1082;
	[sflag:s4] =	ssyncset.s32 $0xFFFFF086  }
0x25: {  	[simem:s6], [sflag:s4] =	dma.local [hbm:s3], $0xF7A  }
0x26: {  	[smem:$0x3F98] =	sst s1;
	(tag) =	ssettag s2;
	_ =	strace s9  }
0x27: {  	s1 =	sld [smem:$0x3FA8]  }
0x28: {  	s2 =	sld [smem:$0x3FA9]  }
0x29: {  	s4 =	sld [smem:$0x3FAB]  }
0x2a: {  	p0 =	seq.s32 s5, $0x0;
	s5 =	sld [smem:$0x3FAC]  }
0x2b: {  	s6 =	sld [smem:$0x3FAD]  }
0x2c: {  	s7 =	sld [smem:$0x3FAE]  }
0x2d: {  	s3 =	simm.s32 $0x108;
	s8 =	sld [smem:$0x3FAF]  }
0x2e: {  	s3 =	simm.s32 @!p0 $0x1082;
	s9 =	sld [smem:$0x3FB0]  }
0x2f: {  	lr =	sadd.s32 s0, s3;
	s0 =	sld [smem:$0x3FA7]  }
0x30: {  	s3 =	sld [smem:$0x3FAA]  }
0x31: {  	[smem:$0x3FB3] =	sst s10  }
0x32: {  	s10 =	sld [smem:$0x3FB1];
	_ =	sdelay $0x3  }
0x33: {  	p0 =	seq.s32 s10, $0x1;
	s10 =	sld [smem:$0x3FB3];
	_ =	sdelay $0x3  }
0x34: {  	[smem:$0x3FB3] =	sst s10  }
0x35: {  	s10 =	sld [smem:$0x3FB2];
	_ =	sdelay $0x3  }
0x36: {  	p1 =	seq.s32 s10, $0x1;
	s10 =	sld [smem:$0x3FB3];
	_ =	sdelay $0x3  }
0x37: {  	[smem:$0x3FB3] =	sst s10  }
0x38: {  	s10 =	sld [smem:$0x3FB4]  }
0x39: {  	_ = 	snop;
	(pc) =	sbr.ind lr, $3  }
0x3a: {  	_ = 	snop  }
0x3b: {  	_ = 	snop  }
0x3c: {  	p2 =	seq.s32 s10, $0x1;
	s10 =	sld [smem:$0x3FB3]  }
0x3d: {  	_ =	shalt  }
0x3e: {  	_ =	shalt  }
0x3f: {  	_ =	shalt  }
0x40: {  	_ =	shalt  }
0x41: {  	_ =	shalt  }
0x42: {  	_ =	shalt  }
0x43: {  	_ =	shalt  }
0x44: {  	_ =	shalt  }
0x45: {  	_ =	shalt  }
0x46: {  	_ =	shalt  }
0x47: {  	_ =	shalt  }
0x48: {  	_ =	shalt  }
0x49: {  	_ =	shalt  }
0x4a: {  	_ =	shalt  }
0x4b: {  	_ =	shalt  }
0x4c: {  	_ =	shalt  }
0x4d: {  	_ =	shalt  }
0x4e: {  	_ =	shalt  }
0x4f: {  	_ =	shalt  }
0x50: {  	_ =	shalt  }
0x51: {  	_ =	shalt  }
0x52: {  	_ =	shalt  }
0x53: {  	_ =	shalt  }
0x54: {  	_ =	shalt  }
0x55: {  	_ =	shalt  }
0x56: {  	_ =	shalt  }
0x57: {  	_ =	shalt  }
0x58: {  	_ =	shalt  }
0x59: {  	_ =	shalt  }
0x5a: {  	_ =	shalt  }
0x5b: {  	_ =	shalt  }
0x5c: {  	_ =	shalt  }
0x5d: {  	_ =	shalt  }
0x5e: {  	_ =	shalt  }
0x5f: {  	_ =	shalt  }
0x60: {  	_ =	shalt  }
0x61: {  	_ =	shalt  }
0x62: {  	_ =	shalt  }
0x63: {  	_ =	shalt  }
0x64: {  	_ =	shalt  }
0x65: {  	_ =	shalt  }
0x66: {  	_ =	shalt  }
0x67: {  	_ =	shalt  }
0x68: {  	_ =	shalt  }
0x69: {  	_ =	shalt  }
0x6a: {  	_ =	shalt  }
0x6b: {  	_ =	shalt  }
0x6c: {  	_ =	shalt  }
0x6d: {  	_ =	shalt  }
0x6e: {  	_ =	shalt  }
0x6f: {  	_ =	shalt  }
0x70: {  	_ =	shalt  }
0x71: {  	_ =	shalt  }
0x72: {  	_ =	shalt  }
0x73: {  	_ =	shalt  }
0x74: {  	_ =	shalt  }
0x75: {  	_ =	shalt  }
0x76: {  	_ =	shalt  }
0x77: {  	_ =	shalt  }
0x78: {  	_ =	shalt  }
0x79: {  	_ =	shalt  }
0x7a: {  	_ =	shalt  }
0x7b: {  	_ =	shalt  }
0x7c: {  	_ =	shalt  }
0x7d: {  	_ =	shalt  }
0x7e: {  	_ =	shalt  }
0x7f: {  	_ =	shalt  }
0x80: {  	_ =	shalt  }
0x81: {  	_ =	shalt  }
0x82: {  	_ =	shalt  }
0x83: {  	_ =	shalt  }
0x84: {  	_ =	shalt  }
0x85: {  	_ =	shalt  }
0x86: {  	_ =	shalt  }
0x87: {  	_ =	shalt  }
.Lfunc_end0:
.L_simem_size_0:
called_computation_lowered:
.L_overlay_start_0:
0x88: {  	s2 =	sld [smem:$0x3FD9]  }
0x89: {  	s3 =	sld [smem:$0x3FFE];
	_ =	sdelay $0x1  }
0x8a: {  	s1 =	srdreg.scid  }
0x8b: {  	s0 =	sand.u32 $0x1, s1  }
0x8c: {  	s14 =	sshll.u32 s0, $0xA;
	s2 =	sadd.s32 s3, s2  }
0x8d: {  	s2 =	sadd.s32 s2, s14  }
0x8e: {  	[smem:$0x3FBF] =	sst s2  }
0x8f: {  	_ = 	snop  }
0x90: {  	s2 =	sld [smem:$0x3FD0];
	_ =	sdelay $0x2  }
0x91: {  	s15 =	simm.s32 $0xA;
	s4 =	simm.s32 $0x10  }
0x92: {  	[smem:s4], [sflag:s15] =	dma.local [hbm:s2], $0x1  }
0x93: {  	_ =	swait.eq [sflag:s15], $0x1  }
0x94: {  	[sflag:s15] =	ssyncset.done $0x0  }
0x95: {  	[sflag:s15] =	ssyncadd.s32 $0xFFFFFFFF  }
0x96: {  	s16 =	sld [smem:$0x10];
	(tm) =	ssettm $0x1  }
0x97: {  	s17 =	sld [smem:$0x3FFB];
	_ =	sdelay $0x3  }
0x98: {  	_ =	strace s17  }
0x99: {  	s3 =	sld [smem:$0x3FFC];
	_ =	sdelay $0x3  }
0x9a: {  	_ =	strace s3  }
0x9b: {  	s3 =	sld [smem:$0x3FFD];
	_ =	sdelay $0x3  }
0x9c: {  	_ =	strace s3  }
0x9d: {  	_ =	strace $0x8FFFFFFF  }
0x9e: {  	s18 =	sld [smem:$0x3FDB];
	_ =	sdelay $0x1  }
0x9f: {  	s19 =	simm.s32 $_scs_section_size  }
0xa0: {  	s5 =	simm.s32 $_size__tile_overlayer_lowered;
	s6 =	simm.s32 $_tile_overlayer_lowered  }
0xa1: {  	s22 =	simm.s32 $0x1BFF;
	s21 =	sshll.u32 s6, $0x1;
	s3 =	sadd.s32 s19, s18  }
0xa2: {  	s7 =	simm.s32 $0x0;
	s20 =	sshll.u32 s5, $0x1;
	s5 =	sadd.s32 s21, s3  }
0xa3: {  	[timem:s7], [sflag:s22] =	dma.local [hbm:s5], s20  }
0xa4: {  	_ =	swait.ge [sflag:s22], s20  }
0xa5: {  	s4 =	ssub.s32 $0x0, s20;
	[sflag:s22] =	ssyncset.done $0x0  }
0xa6: {  	[sflag:s22] =	ssyncadd.s32 s4;
	_ =	sdelay $0x1  }
0xa7: {  	s23 =	simm.s32 $0x1B8B  }
0xa8: {  	_ =	swait.ge [sflag:s23], $0x1  }
0xa9: {  	[sflag:s23] =	ssyncset.done $0x0  }
0xaa: {  	s25 =	simm.s32 $0x1B8E;
	s24 =	sld [smem:$0x3FFE];
	[sflag:s23] =	ssyncadd.s32 $0xFFFFFFFF  }
0xab: {  	s26 =	simm.s32 $execute0_lowered;
	[smem:$0x3FD2] =	sst s25  }
0xac: {  	s5 =	sshll.u32 s26, $0x1;
	_ =	strace $0x80000046;
	[dreg:$0x1] =	wrdreg $0xFFFFFFFF  }
0xad: {  	s28 =	simm.s32 $_size_execute0_lowered;
	s3 =	sadd.s32 s3, s5;
	[dreg:$0x0] =	wrdreg $0x0  }
0xae: {  	s5 =	sshll.u32 s28, $0x1;
	[dreg:$0x2] =	wrdreg s3  }
0xaf: {  	[dreg:$0x3] =	wrdreg s5  }
0xb0: {  	[dreg:$0x4] =	wrdreg $0xC0  }
0xb1: {  	_ =	task [dreg:s7], $0x5FFFF  }
0xb2: {  	[dreg:$0x1] =	wrdreg $0xFFFFFFFF  }
0xb3: {  	[dreg:$0x0] =	wrdreg $0x60  }
0xb4: {  	[dreg:$0x2] =	wrdreg s16  }
0xb5: {  	[dreg:$0x3] =	wrdreg s24  }
0xb6: {  	[dreg:$0x4] =	wrdreg $0x0  }
0xb7: {  	[dreg:$0x5] =	wrdreg $0x9  }
0xb8: {  	_ =	task.clear_ibuf [dreg:s7], $0x6FFFF;
	_ =	strace $0x90000046  }
0xb9: {  	s29 =	simm.s32 $0x9;
	_ =	strace $0x80000048  }
0xba: {  	_ =	swait.ge [sflag:s29], $0x1  }
0xbb: {  	[sflag:s29] =	ssyncadd.s32 $0xFFFFFFFF  }
0xbc: {  	_ =	strace $0x90000048  }
0xbd: {  	_ =	sfence  }
0xbe: {  	s30 =	sld [smem:$0x0];
	_ =	sdelay $0x2  }
0xbf: {  	s31 =	sshll.u32 s1, $0xD;
	s1 =	sshrl.u32 s1, $0x2  }
0xc0: {  	s3 =	sand.u32 $0x4000, s31;
	s1 =	sadd.s32 s1, s30  }
0xc1: {  	s0 =	sor.u32 s3, s0;
	s1 =	sshll.u32 s1, $0x11  }
0xc2: {  	s0 =	sor.u32 s1, s0  }
0xc3: {  	s0 =	sadd.s32 $0x8F2B, s0  }
0xc4: {  	[sflag:s0] =	ssyncadd.remote.s32 $0x1  }
0xc5: {  	_ =	sfence.sel $0xFFFF  }
0xc6: {  	[dreg:$0x0] =	wrdreg $0xFFFFFFFF;
	(pc) =	sbr.abs _section_cstart, $3  }
0xc7: {  	[dreg:$0x1] =	wrdreg $0xFFFFFFFF  }
0xc8: {  	_ =	task.clear_ibuf [dreg:s7], $0x2FFFF;
	_ =	strace $0x9FFFFFFF  }
0xc9: {  	(tm) =	ssettm $0x7FFFFFFF  }
tec
execute0_lowered:
.L_overlay_start_1:
0x0: {  	(tag) =	ssettag $0x1  }
0x1: {  	s7 =	rddreg [dreg:$0x0]  }
0x2: {  	s0 =	srdreg.scid;
	s6 =	rddreg [dreg:$0x1]  }
0x3: {  	s2 =	rddreg [dreg:$0x2];
	s4 =	sand.u32 $0x1, s0  }
0x4: {  	s0 =	stileid.u32;
	s5 =	smul.u32 $0x28000, s4  }
0x5: {  	s1 =	rddreg [dreg:$0x3];
	s8 =	smul.u32 $0x2800, s0  }
0x6: {  	s3 =	simm.s32 $0x0;
	s11 =	simm.s32 $0x40;
	s9 =	smul.u32 $0x50000, s0  }
0x7: {  	s12 =	simm.s32 $0x14080;
	s15 =	simm.s32 $0x0;
	s10 =	smul.u32 $0x27800, s4  }
0x8: {  	[smem:$0x7FF] =	sst s3;
	s30 =	smul.u32 $0x2780, s0;
	s4 =	ssub.s32 $0x2, s4  }
0x9: {  	_ =	strace $0x80000047;
	s13 =	sshll.u32 s0, $0x6;
	s31 =	sshrl.u32 s4, $0x1  }
0xa: {  	s13 =	sor.u32 $0x1C01, s13;
	s5 =	sadd.s32 s8, s5;
	s9 =	sshrl.u32 s9, $0x2  }
0xb: {  	s8 =	sadd.s32 s30, s10;
	s10 =	simm.s32 $0x14000;
	s5 =	sadd.s32 s5, s6  }
0xc: {  	s6 =	ssub.s32 s4, s31;
	s4 =	sadd.s32 s9, s2;
	s8 =	sshrl.u32 s8, $0x3  }
0xd: {  	vm0 =	vcmask $0x300;
	v0 =	vimm.f32 $0.0e+00;
	s9 =	simm.s32 $0x1;
	s5 =	sadd.s32 $0x1800, s5;
	s6 =	smax.u32 s6, $0x1  }
0xe: {  	v1 =	vsel vm0, $0x3F800000, v0;
	s7 =	sadd.s32 s8, s7;
	s8 =	simm.s32 $0x16080;
	s14 =	sshrl.u32 s4, $0x3  }
.LBB2_1:
0xf: {  	s16 =	simm.s32 $0x0;
	s17 =	simm.s32 $0x200  }
.LBB2_2:
0x10: {  	p0 =	sne.s32 s17, $0x7E00;
	[tilespmem:s16+$0x140F0] =	vst v0  }
0x11: {  	[tilespmem:s16+$0x14080] =	vst v1  }
0x12: {  	[tilespmem:s16+$0x14090] =	vst v0  }
.Ltmp0:
0x13: {  	[tilespmem:s16+$0x140A0] =	vst v0;
	(pc) =	sbr.rel @p0 .LBB2_2-.Ltmp0, $4  }
0x14: {  	[tilespmem:s16+$0x140B0] =	vst v0  }
0x15: {  	[tilespmem:s16+$0x140C0] =	vst v0  }
0x16: {  	[tilespmem:s16+$0x140D0] =	vst v0  }
0x17: {  	[tilespmem:s16+$0x140E0] =	vst v0;
	s16 =	sshra.s32 s17, $0x2;
	s17 =	sadd.s32 $0x200, s17  }
0x18: {  	[tilespmem:s16+$0x140F0] =	vst v0  }
0x19: {  	[tilespmem:s16+$0x14080] =	vst v1  }
0x1a: {  	[tilespmem:s16+$0x14090] =	vst v0  }
0x1b: {  	[tilespmem:s16+$0x140A0] =	vst v0  }
0x1c: {  	[tilespmem:s16+$0x140B0] =	vst v0  }
0x1d: {  	[tilespmem:s16+$0x140C0] =	vst v0  }
0x1e: {  	[tilespmem:s16+$0x140D0] =	vst v0  }
0x1f: {  	[tilespmem:s16+$0x140E0] =	vst v0  }
0x20: {  	[tilespmem:$0x16080] =	vst v0  }
0x21: {  	[tilespmem:$0x16090] =	vst v0  }
0x22: {  	[tilespmem:$0x160A0] =	vst v0  }
0x23: {  	[tilespmem:$0x160B0] =	vst v0  }
0x24: {  	[tilespmem:$0x160C0] =	vst v0  }
0x25: {  	[tilespmem:$0x160D0] =	vst v0  }
0x26: {  	[tilespmem:$0x160E0] =	vst v0  }
0x27: {  	[tilespmem:$0x160F0] =	vst v0  }
0x28: {  	[tilespmem:$0x16100] =	vst v0  }
0x29: {  	[tilespmem:$0x16110] =	vst v0  }
0x2a: {  	[tilespmem:$0x16120] =	vst v0  }
0x2b: {  	[tilespmem:$0x16130] =	vst v0  }
0x2c: {  	[tilespmem:$0x16140] =	vst v0  }
0x2d: {  	[tilespmem:$0x16150] =	vst v0  }
0x2e: {  	[tilespmem:$0x16160] =	vst v0  }
0x2f: {  	[tilespmem:$0x16170] =	vst v0  }
0x30: {  	[tilespmem:$0x16180] =	vst v0  }
0x31: {  	[tilespmem:$0x16190] =	vst v0  }
0x32: {  	[tilespmem:$0x161A0] =	vst v0  }
0x33: {  	[tilespmem:$0x161B0] =	vst v0  }
0x34: {  	[tilespmem:$0x161C0] =	vst v0  }
0x35: {  	[tilespmem:$0x161D0] =	vst v0  }
0x36: {  	[tilespmem:$0x161E0] =	vst v0  }
0x37: {  	[tilespmem:$0x161F0] =	vst v0  }
0x38: {  	[tilespmem:$0x16200] =	vst v0  }
0x39: {  	[tilespmem:$0x16210] =	vst v0  }
0x3a: {  	[tilespmem:$0x16220] =	vst v0  }
0x3b: {  	[tilespmem:$0x16230] =	vst v0  }
0x3c: {  	[tilespmem:$0x16240] =	vst v0  }
0x3d: {  	[tilespmem:$0x16250] =	vst v0  }
0x3e: {  	[tilespmem:$0x16260] =	vst v0  }
0x3f: {  	[tilespmem:$0x16270] =	vst v0  }
0x40: {  	[tilespmem:$0x16280] =	vst v0  }
0x41: {  	[tilespmem:$0x16290] =	vst v0  }
0x42: {  	[tilespmem:$0x162A0] =	vst v0  }
0x43: {  	[tilespmem:$0x162B0] =	vst v0  }
0x44: {  	[tilespmem:$0x162C0] =	vst v0  }
0x45: {  	[tilespmem:$0x162D0] =	vst v0  }
0x46: {  	[tilespmem:$0x162E0] =	vst v0  }
0x47: {  	[tilespmem:$0x162F0] =	vst v0  }
0x48: {  	[tilespmem:$0x16300] =	vst v0  }
0x49: {  	[tilespmem:$0x16310] =	vst v0  }
0x4a: {  	[tilespmem:$0x16320] =	vst v0  }
0x4b: {  	[tilespmem:$0x16330] =	vst v0  }
0x4c: {  	[tilespmem:$0x16340] =	vst v0  }
0x4d: {  	[tilespmem:$0x16350] =	vst v0  }
0x4e: {  	[tilespmem:$0x16360] =	vst v0  }
0x4f: {  	[tilespmem:$0x16370] =	vst v0  }
0x50: {  	[tilespmem:$0x16380] =	vst v0  }
0x51: {  	[tilespmem:$0x16390] =	vst v0  }
0x52: {  	[tilespmem:$0x163A0] =	vst v0  }
0x53: {  	[tilespmem:$0x163B0] =	vst v0  }
0x54: {  	[tilespmem:$0x163C0] =	vst v0  }
0x55: {  	[tilespmem:$0x163D0] =	vst v0  }
0x56: {  	[tilespmem:$0x163E0] =	vst v0  }
0x57: {  	[tilespmem:$0x163F0] =	vst v0  }
0x58: {  	[tilespmem:$0x16400] =	vst v0  }
0x59: {  	[tilespmem:$0x16410] =	vst v0  }
0x5a: {  	[tilespmem:$0x16420] =	vst v0  }
0x5b: {  	[tilespmem:$0x16430] =	vst v0  }
0x5c: {  	[tilespmem:$0x16440] =	vst v0  }
0x5d: {  	[tilespmem:$0x16450] =	vst v0  }
0x5e: {  	[tilespmem:$0x16460] =	vst v0  }
0x5f: {  	s31 =	sadd.s32 $0x0, s4;
	[tilespmem:$0x16470] =	vst v0  }
0x60: {  	[spmem:s31] =	stream.linear.scatter [tilespmem:s8], [sflag:$0x1], $0x400, $0x38;
	[tilespmem:$0x16480] =	vst v63  }
0x61: {  	s16 =	simm.s32 $0x1000;
	_ =	swait.ge [sflag:s9], $0x400  }
.LBB2_4:
0x62: {  	s17 =	sshra.s32 s16, $0x2;
	[sflag:s9] =	ssyncset.done $0x0;
	p0 =	sne.s32 s16, $0x4F000  }
.Ltmp1:
0x63: {  	s17 =	sadd.s32 s17, s4;
	[sflag:s9] =	ssyncadd.s32 $0xFFFFFC00;
	(pc) =	sbr.rel @p0 .LBB2_4-.Ltmp1, $3  }
0x64: {  	[spmem:s17] =	stream.linear.scatter [tilespmem:s8], [sflag:$0x1], $0x400, $0x38;
	[tilespmem:$0x16480] =	vst v63  }
0x65: {  	s16 =	sadd.s32 $0x1000, s16;
	_ =	sdelay $0x1  }
0x66: {  	_ =	swait.ge [sflag:s9], $0x400  }
0x67: {  	[sflag:s9] =	ssyncset.done $0x0  }
0x68: {  	[sflag:s9] =	ssyncadd.s32 $0xFFFFFC00  }
0x69: {  	s16 =	sadd.s32 $0x0, s7;
	[bflag:$0x0] =	sbarrier.arrive $0xFFFF  }
0x6a: {  	[tilespmem:s10], [sflag:$0x1] =	stream.linear.gather [hbm4b:s16+s3], $0x40, $0x38;
	[tilespmem:$0x16480] =	vst v63  }
0x6b: {  	_ =	swait.ge [sflag:s9], $0x40  }
0x6c: {  	[sflag:s9] =	ssyncset.done $0x0  }
0x6d: {  	[sflag:s9] =	ssyncadd.s32 $0xFFFFFFC0  }
0x6e: {  	[spmem:s2] =	stream.indirect.scatter.add.f32 [tilespmem:s12], [sflag:$0x1], $0x80, s10, s11, $0xb8;
	[tilespmem:$0x16480] =	vst v63  }
0x6f: {  	_ =	swait.ge [sflag:s9], $0x2000  }
0x70: {  	s17 =	simm.s32 $0x10;
	s16 =	simm.s32 $0x8;
	[sflag:s9] =	ssyncset.done $0x0  }
.LBB2_6:
0x71: {  	s18 =	sadd.s32 s16, s7  }
0x72: {  	[sflag:s9] =	ssyncadd.s32 $0xFFFFE000;
	s16 =	smov.u32 s17;
	s19 =	sadd.s32 $0x8, s17  }
0x73: {  	[tilespmem:s10], [sflag:$0x1] =	stream.linear.gather [hbm4b:s18+s3], $0x40, $0x38;
	[tilespmem:$0x16480] =	vst v63  }
0x74: {  	p0 =	sne.s32 s17, $0x4E8;
	_ =	swait.ge [sflag:s9], $0x40  }
.Ltmp2:
0x75: {  	[sflag:s9] =	ssyncset.done $0x0;
	(pc) =	sbr.rel @p0 .LBB2_6-.Ltmp2, $4  }
0x76: {  	[sflag:s9] =	ssyncadd.s32 $0xFFFFFFC0  }
0x77: {  	[spmem:s2] =	stream.indirect.scatter.add.f32 [tilespmem:s12], [sflag:$0x1], $0x80, s10, s11, $0xb8;
	[tilespmem:$0x16480] =	vst v63  }
0x78: {  	_ =	swait.ge [sflag:s9], $0x2000  }
0x79: {  	s17 =	smov.u32 s19;
	[sflag:s9] =	ssyncset.done $0x0  }
0x7a: {  	s16 =	sadd.s32 s16, s7;
	[sflag:s9] =	ssyncadd.s32 $0xFFFFE000  }
0x7b: {  	[tilespmem:s10], [sflag:$0x1] =	stream.linear.gather [hbm4b:s16+s3], $0x40, $0x38;
	[tilespmem:$0x16480] =	vst v63  }
0x7c: {  	_ =	swait.ge [sflag:s9], $0x40  }
0x7d: {  	[sflag:s9] =	ssyncset.done $0x0  }
0x7e: {  	[sflag:s9] =	ssyncadd.s32 $0xFFFFFFC0  }
0x7f: {  	[spmem:s2] =	stream.indirect.scatter.add.f32 [tilespmem:s12], [sflag:$0x1], $0x80, s10, s11, $0xb8;
	[tilespmem:$0x16480] =	vst v63  }
0x80: {  	_ =	swait.ge [sflag:s9], $0x2000  }
0x81: {  	s15 =	sadd.s32 $0x1, s15;
	[sflag:s9] =	ssyncset.done $0x0  }
0x82: {  	p0 =	sne.s32 s15, s6;
	[sflag:s9] =	ssyncadd.s32 $0xFFFFE000  }
.Ltmp3:
0x83: {  	[bflag:$0x0] =	sbarrier.arrive $0xFFFF;
	(pc) =	sbr.rel @p0 .LBB2_1-.Ltmp3, $4  }
0x84: {  	[hbm:s5], [sflag:s13] =	dma.local [spmem:s14], $0x2800  }
0x85: {  	_ =	swait.ge [sflag:s9], $0x2800  }
0x86: {  	[sflag:s9] =	ssyncset.done $0x0  }
0x87: {  	[sflag:s9] =	ssyncadd.s32 $0xFFFFD800  }
0x88: {  	_ =	sfence.sel $0x180000  }
0x89: {  	[bflag:$0x0] =	sbarrier.arrive $0xFFFF  }
0x8a: {  	p0 =	sne.s32 s0, $0x0;
	_ =	strace $0x90000047  }
0x8b: {  	s0 =	sadd.s32 @!p0 $0x100000, s1;
	[bflag:$0x2] =	sbarrier.arrive $0xFFFF  }
0x8c: {  	[sflag:s0] =	ssyncadd.tile.s32 @!p0 $0x1;
	_ =	shalt  }
.Lfunc_end2:
_tile_overlayer_lowered:
.L_overlay_start_2:
0x8d: {  	(tag) =	ssettag $0x2  }
0x8e: {  	s0 =	rddreg [dreg:$0x0];
	s2 =	stileid.u32  }
0x8f: {  	s1 =	rddreg [dreg:$0x1];
	p0 =	sne.s32 s2, $0x0  }
0x90: {  	s3 =	rddreg [dreg:$0x2];
	[bflag:$0x3] =	sbarrier.arrive $0xFFFF;
	s2 =	simm.s32 @!p0 $0x1C01  }
0x91: {  	[timem:s3], [sflag:s2] =	dma.local @!p0 [hbm:s0], s1  }
0x92: {  	s0 =	simm.s32 @!p0 $0x1  }
0x93: {  	_ =	swait.ge @!p0 [sflag:s0], s1  }
0x94: {  	s1 =	ssub.s32 @!p0 $0x0, s1;
	[sflag:s0] =	ssyncset.done @!p0 $0x0  }
0x95: {  	[sflag:s0] =	ssyncadd.s32 @!p0 s1  }
0x96: {  	[bflag:$0x3] =	sbarrier.arrive $0xFFFF  }
0x97: {  	_ =	shalt  }

</sc_bundles>
